<compile_context>
chip_gen: v7x
topology: tpu7x:2x2x1
jax: 0.10.2.dev20260603
libtpu: 0.0.44.dev20260713+nightly
codegen_flags: <defaults>
</compile_context>

<pallas_src>
import numpy as np
import jax
import jax.numpy as jnp
from jax import lax
from jax.experimental import pallas as pl
from jax.experimental.pallas import tpu as pltpu
from jax.experimental.pallas import tpu_sc as plsc

GRID = 128
PATCH = 8
IMG = GRID * PATCH
N_NODES = GRID * GRID
N_EDGES = N_NODES * 16
EPS = 1e-8

F32 = jnp.float32
I32 = jnp.int32
_HI = lax.Precision.HIGHEST


def _conv_selector(in_h, out_h):
    s = np.zeros((3, 3, out_h, out_h, in_h, in_h), np.float32)
    for di in range(3):
        for dj in range(3):
            for oi in range(out_h):
                for oj in range(out_h):
                    r, q = 2 * oi + di, 2 * oj + dj
                    if r < in_h and q < in_h:
                        s[di, dj, oi, oj, r, q] = 1.0
    return s

_S1F = _conv_selector(8, 4).transpose(2, 3, 4, 5, 0, 1).reshape(-1, 9).T.copy()
_S2F = _conv_selector(4, 2).transpose(2, 3, 4, 5, 0, 1).reshape(-1, 9).T.copy()

def _group_mat(n_feat, n_grp):
    g = np.zeros((n_feat, n_grp), np.float32)
    w = n_feat // n_grp
    for i in range(n_feat):
        g[i, i // w] = 1.0
    return g

_G1 = _group_mat(640, 16)
_G1T = _G1.T.copy()
_G2 = _group_mat(160, 4)
_G2T = _G2.T.copy()

_LS = np.zeros((GRID, IMG), np.float32)
for _h in range(IMG):
    _LS[_h // PATCH, _h] = 1.0
_RS = np.zeros((IMG * 4, GRID * 4), np.float32)
for _w in range(IMG):
    for _c in range(4):
        _RS[4 * _w + _c, (_w // PATCH) * 4 + _c] = 1.0

_SELT = np.zeros((8, 128), np.float32)
_SEL0 = np.zeros((128, 8), np.float32)
_SH1 = np.zeros((128, 128), np.float32)
_SLG = np.zeros((128, 16), np.float32)
for _k in range(8):
    _SELT[_k, 16 * _k] = 1.0
    _SEL0[16 * _k, _k] = 1.0
    _SH1[16 * _k + 1, 16 * _k] = 1.0
    _SLG[16 * _k, 2 * _k] = 1.0
    _SLG[16 * _k + 1, 2 * _k + 1] = 1.0

_MESH = dict(core_axis_name="c", subcore_axis_name="s",
             num_cores=2, num_subcores=16)
_NW = 32


_TPW = N_NODES // _NW
_IDROWS = 1024

def _tok_body(itab, mtab, ids, xout, idsv, ibuf, rbuf, xbuf, sem):
    c = lax.axis_index("c")
    sid = lax.axis_index("s")
    w = sid * 2 + c
    shift = w // 8
    sy = shift // 2
    col0 = 32 * sy + shift
    icol0 = 8 * sy
    pltpu.sync_copy(ids.at[pl.ds(w * 32, 32)], idsv)
    iota16 = lax.broadcasted_iota(I32, (16,), 0)

    def chunk(cidx, carry):
        cps = []
        for j in range(8):
            cps.append(pltpu.async_copy(mtab.at[idsv.at[cidx * 8 + j]],
                                        rbuf.at[j], sem))
            cps.append(pltpu.async_copy(itab.at[idsv.at[cidx * 8 + j]],
                                        ibuf.at[j], sem))
        for cp in cps:
            cp.wait()

        def tok(lt, carry2):
            blk = lt // 16
            lt16 = lt % 16
            ja = jnp.full((16,), blk, I32)
            for k in range(4):
                flat = iota16 + (16 * k)
                rowi = lt16 * 8 + (flat >> 3)
                mval = plsc.load_gather(rbuf, [ja, rowi,
                                               col0 + 4 * (flat & 7)])
                ival = plsc.load_gather(ibuf, [ja, rowi,
                                               icol0 + (flat & 7)])
                xbuf[lt, pl.ds(16 * k, 16)] = ival * mval
            return carry2

        lax.fori_loop(0, 128, tok, 0)
        pltpu.sync_copy(xbuf, xout.at[pl.ds(w * _TPW + cidx * 128, 128)])
        return carry

    lax.fori_loop(0, 4, chunk, 0)


def _sc_tokenize(img_tab, msk_tab, ids2d):
    mesh = plsc.VectorSubcoreMesh(**_MESH)
    fn = pl.kernel(
        _tok_body,
        out_type=jax.ShapeDtypeStruct((N_NODES, 64), F32),
        mesh=mesh,
        scratch_types=[
            pltpu.VMEM((32, 128), I32),
            pltpu.VMEM((8, 128, 16), F32),
            pltpu.VMEM((8, 128, 64), F32),
            pltpu.VMEM((128, 64), F32),
            pltpu.SemaphoreType.DMA,
        ],
        compiler_params=pltpu.CompilerParams(use_tc_tiling_on_sc=False,
                                             needs_layout_passes=False),
    )
    return fn(img_tab, msk_tab, ids2d)



def _psum_body(m4, lm4, lsr, rsb, out):
    u1 = jnp.dot(lsr[...], m4[...], precision=_HI)
    s1 = jnp.dot(u1, rsb[0], precision=_HI)
    u2 = jnp.dot(lsr[...], lm4[...], precision=_HI)
    s2 = jnp.dot(u2, rsb[0], precision=_HI)
    out[0] = jnp.round(s2 / (s1 + EPS))


def _patch_labels(m4, lm4):
    rs3 = jnp.asarray(_RS.reshape(8, 512, 8, 64)[np.arange(8), :,
                                                 np.arange(8)])
    return pl.pallas_call(
        _psum_body,
        grid=(8,),
        in_specs=[
            pl.BlockSpec((IMG, 512), lambda b: (0, b)),
            pl.BlockSpec((IMG, 512), lambda b: (0, b)),
            pl.BlockSpec((GRID, IMG), lambda b: (0, 0)),
            pl.BlockSpec((1, 512, 64), lambda b: (b, 0, 0)),
        ],
        out_specs=pl.BlockSpec((1, GRID, 64), lambda b: (b, 0, 0)),
        out_shape=jax.ShapeDtypeStruct((8, GRID, 64), F32),
    )(m4, lm4, jnp.asarray(_LS), rs3)



_RB_A = 512
_NB_A = N_NODES // _RB_A

def _enc_body(x_ref, m1, b1r, m2, b2r, d1w, d1b, ws, wr, bs, br,
              g1_ref, g1t_ref, g2_ref, g2t_ref,
              t_out, tabs_out, tabr_out):
    g1 = g1_ref[...]
    g1t = g1t_ref[...]
    g2 = g2_ref[...]
    g2t = g2t_ref[...]
    x = x_ref[...]
    y0 = jnp.dot(x, m1[...]) + b1r[...]
    mu = jnp.dot(y0, g1, precision=_HI) * (1.0 / 40.0)
    d = y0 - jnp.dot(mu, g1t, precision=_HI)
    var = jnp.dot(d * d, g1, precision=_HI) * (1.0 / 40.0)
    y = d / jnp.sqrt(jnp.dot(var, g1t, precision=_HI) + 1e-6)
    y = jnp.maximum(y, 0.0)
    z0 = jnp.dot(y, m2[...]) + b2r[...]
    mu2 = jnp.dot(z0, g2, precision=_HI) * (1.0 / 40.0)
    d2 = z0 - jnp.dot(mu2, g2t, precision=_HI)
    var2 = jnp.dot(d2 * d2, g2, precision=_HI) * (1.0 / 40.0)
    z = d2 / jnp.sqrt(jnp.dot(var2, g2t, precision=_HI) + 1e-6)
    z = jnp.maximum(z, 0.0)
    t = jnp.maximum(jnp.dot(z, d1w[...]) + d1b[...], 0.0)
    t_out[...] = t
    tabs_out[...] = jnp.dot(t, ws[...]) + bs[...]
    tabr_out[...] = jnp.dot(t, wr[...]) + br[...]


def _encoder(x_tok, m1, b1r, m2, b2r, d1w, d1b, ws, wr, bs, br):
    row = lambda i: (i, 0)
    full = lambda i: (0, 0)
    return pl.pallas_call(
        _enc_body,
        grid=(_NB_A,),
        in_specs=[
            pl.BlockSpec((_RB_A, 64), row),
            pl.BlockSpec((64, 640), full),
            pl.BlockSpec((1, 640), full),
            pl.BlockSpec((640, 160), full),
            pl.BlockSpec((1, 160), full),
            pl.BlockSpec((160, 16), full),
            pl.BlockSpec((1, 16), full),
            pl.BlockSpec((16, 16), full),
            pl.BlockSpec((16, 16), full),
            pl.BlockSpec((1, 16), full),
            pl.BlockSpec((1, 16), full),
            pl.BlockSpec((640, 16), full),
            pl.BlockSpec((16, 640), full),
            pl.BlockSpec((160, 4), full),
            pl.BlockSpec((4, 160), full),
        ],
        out_specs=[
            pl.BlockSpec((_RB_A, 16), row),
            pl.BlockSpec((_RB_A, 16), row),
            pl.BlockSpec((_RB_A, 16), row),
        ],
        out_shape=[
            jax.ShapeDtypeStruct((N_NODES, 16), F32),
            jax.ShapeDtypeStruct((N_NODES, 16), F32),
            jax.ShapeDtypeStruct((N_NODES, 16), F32),
        ],
    )(x_tok, m1, b1r, m2, b2r, d1w, d1b, ws, wr, bs, br,
      jnp.asarray(_G1), jnp.asarray(_G1T), jnp.asarray(_G2), jnp.asarray(_G2T))



_EPW = N_EDGES // _NW
_CH = 128
_ROWS_PER_W = _EPW // _CH
_GRP = 8
_NROW_E = N_EDGES // 8

def _gather_body(snd, rcv, tabs, tabr, outs, outr,
                 idxs, idxr, bufs, bufr, sem):
    c = lax.axis_index("c")
    s = lax.axis_index("s")
    w = s * 2 + c
    base = w * _ROWS_PER_W
    pltpu.sync_copy(snd.at[pl.ds(base, _ROWS_PER_W)], idxs)
    pltpu.sync_copy(rcv.at[pl.ds(base, _ROWS_PER_W)], idxr)

    def step(k, carry):
        cps = []
        for j in range(_GRP):
            cps.append(pltpu.async_copy(tabs.at[idxs.at[k * _GRP + j]],
                                        bufs.at[j], sem))
            cps.append(pltpu.async_copy(tabr.at[idxr.at[k * _GRP + j]],
                                        bufr.at[j], sem))
        for cp in cps:
            cp.wait()
        pltpu.sync_copy(bufs, outs.at[pl.ds(base + k * _GRP, _GRP)])
        pltpu.sync_copy(bufr, outr.at[pl.ds(base + k * _GRP, _GRP)])
        return carry

    lax.fori_loop(0, _ROWS_PER_W // _GRP, step, 0)


def _edge_gather(snd2d, rcv2d, tabs, tabr):
    mesh = plsc.VectorSubcoreMesh(**_MESH)
    fn = pl.kernel(
        _gather_body,
        out_type=[
            jax.ShapeDtypeStruct((N_EDGES // _CH, _CH, 16), F32),
            jax.ShapeDtypeStruct((N_EDGES // _CH, _CH, 16), F32),
        ],
        mesh=mesh,
        scratch_types=[
            pltpu.VMEM((_ROWS_PER_W, _CH), I32),
            pltpu.VMEM((_ROWS_PER_W, _CH), I32),
            pltpu.VMEM((_GRP, _CH, 16), F32),
            pltpu.VMEM((_GRP, _CH, 16), F32),
            pltpu.SemaphoreType.DMA,
        ],
        compiler_params=pltpu.CompilerParams(use_tc_tiling_on_sc=False),
    )
    return fn(snd2d, rcv2d, tabs, tabr)



_RB_E = 4096
_NB_E = _NROW_E // _RB_E

def _emlp_body(srow, rrow, w2, b2, w3, b3, out):
    h = jnp.maximum(srow[...] + rrow[...], 0.0)
    h = jnp.maximum(jnp.dot(h, w2[...]) + b2[...], 0.0)
    h = jnp.maximum(jnp.dot(h, w3[...]) + b3[...], 0.0)
    out[...] = h


def _edge_mlp(srows, rrows, w2, b2, w3, b3):
    row = lambda i: (i, 0)
    full = lambda i: (0, 0)
    return pl.pallas_call(
        _emlp_body,
        grid=(_NB_E,),
        in_specs=[
            pl.BlockSpec((_RB_E, 128), row),
            pl.BlockSpec((_RB_E, 128), row),
            pl.BlockSpec((128, 128), full),
            pl.BlockSpec((1, 128), full),
            pl.BlockSpec((128, 128), full),
            pl.BlockSpec((1, 128), full),
        ],
        out_specs=pl.BlockSpec((_RB_E, 128), row),
        out_shape=jax.ShapeDtypeStruct((_NROW_E, 128), F32),
    )(srows, rrows, w2, b2, w3, b3)



_ZRB = N_NODES // 16

def _scatter_body(msg, rcv, zeros, out0, out1, agg, mbuf, ridx, sem):
    c = lax.axis_index("c")
    s = lax.axis_index("s")
    w = s * 2 + c
    pltpu.sync_copy(zeros.at[pl.ds(s * _ZRB, _ZRB)],
                    agg.at[pl.ds(s * _ZRB, _ZRB)])
    plsc.subcore_barrier()
    base = w * _ROWS_PER_W
    pltpu.sync_copy(rcv.at[pl.ds(base, _ROWS_PER_W)], ridx)

    def step(k, carry):
        cp = pltpu.async_copy(msg.at[pl.ds(base + k * _GRP, _GRP)], mbuf, sem)
        cp.wait()
        cps = []
        for j in range(_GRP):
            cps.append(pltpu.async_copy(mbuf.at[j],
                                        agg.at[ridx.at[k * _GRP + j]],
                                        sem, add=True))
        for cp2 in cps:
            cp2.wait()
        return carry

    lax.fori_loop(0, _ROWS_PER_W // _GRP, step, 0)
    plsc.subcore_barrier()

    @pl.when(c == 0)
    def _():
        pltpu.sync_copy(agg.at[pl.ds(s * _ZRB, _ZRB)],
                        out0.at[pl.ds(s * _ZRB, _ZRB)])

    @pl.when(c == 1)
    def _():
        pltpu.sync_copy(agg.at[pl.ds(s * _ZRB, _ZRB)],
                        out1.at[pl.ds(s * _ZRB, _ZRB)])


def _edge_scatter(msg2d, rcv2d, zeros):
    mesh = plsc.VectorSubcoreMesh(**_MESH)
    fn = pl.kernel(
        _scatter_body,
        out_type=[
            jax.ShapeDtypeStruct((N_NODES, 16), F32),
            jax.ShapeDtypeStruct((N_NODES, 16), F32),
        ],
        mesh=mesh,
        scratch_types=[
            pltpu.VMEM_SHARED((N_NODES, 16), F32),
            pltpu.VMEM((_GRP, _CH, 16), F32),
            pltpu.VMEM((_ROWS_PER_W, _CH), I32),
            pltpu.SemaphoreType.DMA,
        ],
        compiler_params=pltpu.CompilerParams(use_tc_tiling_on_sc=False),
    )
    return fn(msg2d, rcv2d, zeros)



_NROW_C = N_NODES // 8
_RB_C = 1024
_NB_C = _NROW_C // _RB_C

def _node_body(t, p0, p1, lab8, wt, wa, b1, w2, b2, w3, b3, d2w, d2b,
               selt, sel0, sh1, slg,
               loss_out, logit_out):
    agg = p0[...] + p1[...]
    nf = jnp.maximum(jnp.dot(t[...], wt[...])
                     + jnp.dot(agg, wa[...]) + b1[...], 0.0)
    nf = jnp.maximum(jnp.dot(nf, w2[...]) + b2[...], 0.0)
    nf = jnp.maximum(jnp.dot(nf, w3[...]) + b3[...], 0.0)
    lg = jnp.dot(nf, d2w[...]) + d2b[...]
    l1 = jnp.dot(lg, sh1[...], precision=_HI)
    m = jnp.maximum(lg, l1)
    lse = m + jnp.log(jnp.exp(lg - m) + jnp.exp(l1 - m))
    lp0 = lg - lse
    lp1 = l1 - lse
    lab = jnp.dot(lab8[...], selt[...], precision=_HI)
    loss = -((1.0 - lab) * lp0 + lab * lp1)
    loss_out[...] = jnp.dot(loss, sel0[...], precision=_HI)
    logit_out[...] = jnp.dot(lg, slg[...], precision=_HI)


def _node_mlp(t, p0, p1, lab8, wt, wa, b1, w2, b2, w3, b3, d2w, d2b):
    row = lambda i: (i, 0)
    full = lambda i: (0, 0)
    return pl.pallas_call(
        _node_body,
        grid=(_NB_C,),
        in_specs=[
            pl.BlockSpec((_RB_C, 128), row),
            pl.BlockSpec((_RB_C, 128), row),
            pl.BlockSpec((_RB_C, 128), row),
            pl.BlockSpec((_RB_C, 8), row),
            pl.BlockSpec((128, 128), full),
            pl.BlockSpec((128, 128), full),
            pl.BlockSpec((1, 128), full),
            pl.BlockSpec((128, 128), full),
            pl.BlockSpec((1, 128), full),
            pl.BlockSpec((128, 128), full),
            pl.BlockSpec((1, 128), full),
            pl.BlockSpec((128, 128), full),
            pl.BlockSpec((1, 128), full),
            pl.BlockSpec((8, 128), full),
            pl.BlockSpec((128, 8), full),
            pl.BlockSpec((128, 128), full),
            pl.BlockSpec((128, 16), full),
        ],
        out_specs=[
            pl.BlockSpec((_RB_C, 8), row),
            pl.BlockSpec((_RB_C, 16), row),
        ],
        out_shape=[
            jax.ShapeDtypeStruct((_NROW_C, 8), F32),
            jax.ShapeDtypeStruct((_NROW_C, 16), F32),
        ],
    )(t, p0, p1, lab8, wt, wa, b1, w2, b2, w3, b3, d2w, d2b,
      jnp.asarray(_SELT), jnp.asarray(_SEL0), jnp.asarray(_SH1),
      jnp.asarray(_SLG))



def kernel(curr_image, curr_label, masks, edge_pairs, conv1_w, conv1_b,
           conv2_w, conv2_b, dense1_w, dense1_b, e_w1, e_b1, e_w2, e_b2,
           e_w3, e_b3, n_w1, n_b1, n_w2, n_b2, n_w3, n_b3,
           dense2_w, dense2_b):
    msk4 = masks[0]
    labm4 = curr_label[0] * msk4

    tokv = jnp.arange(N_NODES, dtype=I32)
    sft = tokv >> 12
    syv = sft >> 1
    sxv = sft & 1
    rem = tokv & 4095
    gxv = rem >> 6
    gyv = rem & 63
    ids = ((16 * gxv + 8 * sxv)[:, None]
           + jnp.arange(8, dtype=I32)[None, :]) * 64 + gyv[:, None]
    ids2d = ids.reshape(_IDROWS, 128)

    x_tok = _sc_tokenize(curr_image.reshape(IMG * 64, 16),
                         masks.reshape(IMG * 64, 64), ids2d)

    labp3 = _patch_labels(msk4.reshape(IMG, IMG * 4),
                          labm4.reshape(IMG, IMG * 4))
    labp = labp3.transpose(1, 0, 2).reshape(GRID, GRID * 4)
    lp = labp.reshape(64, 2, 64, 2, 4)
    lp = lp.transpose(3, 1, 0, 2, 4).reshape(4, 4096, 4)
    oh4 = jnp.asarray(np.eye(4, dtype=np.float32))[:, None, :]
    labv = jnp.sum(lp * oh4, axis=-1).reshape(N_NODES)
    labels2 = jnp.stack([1.0 - labv, labv], axis=-1)
    lab8 = labv.reshape(_NROW_C, 8)

    c1 = jnp.dot(jnp.asarray(_S1F).T, conv1_w.reshape(9, 40), precision=_HI)
    m1 = c1.reshape(4, 4, 8, 8, 40).transpose(2, 3, 0, 1, 4).reshape(64, 640)
    c2 = jnp.dot(jnp.asarray(_S2F).T, conv2_w.reshape(9, 40 * 40),
                 precision=_HI)
    m2 = (c2.reshape(2, 2, 4, 4, 40, 40)
          .transpose(2, 3, 4, 0, 1, 5).reshape(640, 160))
    b1_tiled = jnp.tile(conv1_b, 16)[None, :]
    b2_tiled = jnp.tile(conv2_b, 4)[None, :]
    d1w = jnp.pad(dense1_w, ((0, 0), (0, 10)))
    d1b = jnp.pad(dense1_b, (0, 10))[None, :]

    half_b1 = 0.5 * (e_b1 + e_w1[12])
    ws = jnp.pad(e_w1[0:6], ((0, 10), (0, 11)))
    wr = jnp.pad(e_w1[6:12], ((0, 10), (0, 11)))
    bs = jnp.pad(half_b1, (0, 11))[None, :]

    w2p = jnp.pad(e_w2, ((0, 11), (0, 11)))
    b2p = jnp.pad(e_b2, (0, 11))[None, :]
    w3p = jnp.pad(e_w3, ((0, 11), (0, 11)))
    b3p = jnp.pad(e_b3, (0, 11))[None, :]

    eye8 = jnp.asarray(np.eye(8, dtype=np.float32))
    w2bd = jnp.kron(eye8, w2p)
    w3bd = jnp.kron(eye8, w3p)
    b2bd = jnp.tile(b2p, (1, 8))
    b3bd = jnp.tile(b3p, (1, 8))

    wt = jnp.kron(eye8, jnp.pad(n_w1[0:6], ((0, 10), (0, 11))))
    wa = jnp.kron(eye8, jnp.pad(n_w1[6:11], ((0, 11), (0, 11))))
    nb1 = jnp.tile(jnp.pad(n_b1 + n_w1[11], (0, 11)), 8)[None, :]
    nw2 = jnp.kron(eye8, jnp.pad(n_w2, ((0, 11), (0, 11))))
    nb2 = jnp.tile(jnp.pad(n_b2, (0, 11)), 8)[None, :]
    nw3 = jnp.kron(eye8, jnp.pad(n_w3, ((0, 11), (0, 11))))
    nb3 = jnp.tile(jnp.pad(n_b3, (0, 11)), 8)[None, :]
    d2w = jnp.kron(eye8, jnp.pad(dense2_w, ((0, 11), (0, 14))))
    d2b = jnp.tile(jnp.pad(dense2_b, (0, 14)), 8)[None, :]

    t16, tabs, tabr = _encoder(
        x_tok, m1, b1_tiled, m2, b2_tiled, d1w, d1b, ws, wr, bs, bs)

    snd2d = edge_pairs[:, 0].reshape(N_EDGES // _CH, _CH)
    rcv2d = edge_pairs[:, 1].reshape(N_EDGES // _CH, _CH)

    srows, rrows = _edge_gather(snd2d, rcv2d, tabs, tabr)
    msg = _edge_mlp(srows.reshape(_NROW_E, 128), rrows.reshape(_NROW_E, 128),
                    w2bd, b2bd, w3bd, b3bd)

    zeros = jnp.zeros((N_NODES, 16), F32)
    p0, p1 = _edge_scatter(msg.reshape(N_EDGES // _CH, _CH, 16), rcv2d, zeros)

    loss8, logits16 = _node_mlp(
        t16.reshape(_NROW_C, 128), p0.reshape(_NROW_C, 128),
        p1.reshape(_NROW_C, 128), lab8,
        wt, wa, nb1, nw2, nb2, nw3, nb3, d2w, d2b)
    return (loss8.reshape(N_NODES), logits16.reshape(N_NODES, 2), labels2)

# --- scband reference (transcript-rebuilt; emitter-appended) ---
"""Pipeline reference for scband-simple-graph-net-48095043780761 (READ-ONLY COPY).

The authoritative reference and input builder live on the scoring server;
editing this copy changes nothing except your own understanding.
"""

import jax, jax.numpy as jnp
import numpy as np

GRID = 128
PATCH = 8
IMG = GRID * PATCH
N_NODES = GRID * GRID
N_EDGES = N_NODES * 16
EPS = 1e-8


def extract_patches(arr, sx, sy):
    B, H, W, C = arr.shape
    p = arr.reshape(B, GRID, PATCH, GRID, PATCH, C)
    p = p[:, sx::2, :, sy::2, :, :]
    p = p.transpose(0, 1, 3, 2, 4, 5)
    return p.reshape(B, (GRID // 2) * (GRID // 2), PATCH, PATCH, C)


def harder_diff_round(x):
    return x + jax.lax.stop_gradient(jnp.round(x) - x)


def conv_trio(x, w, b):
    y = jax.lax.conv_general_dilated(x, w, window_strides=(2, 2), padding='SAME', dimension_numbers=('NHWC', 'HWIO', 'NHWC'))
    y = y + b
    mu = jnp.mean(y, axis=-1, keepdims=True)
    var = jnp.var(y, axis=-1, keepdims=True)
    y = (y - mu) / jnp.sqrt(var + 1e-6)
    return jax.nn.relu(y)


def mlp3(x, w1, b1, w2, b2, w3, b3):
    x = jax.nn.relu(x @ w1 + b1)
    x = jax.nn.relu(x @ w2 + b2)
    x = jax.nn.relu(x @ w3 + b3)
    return x


def setup_inputs(seed: int = 0):
    key = jax.random.key(seed)
    ks = jax.random.split(key, 16)
    inp = {}
    inp['curr_image'] = jax.random.normal(ks[0], (1, IMG, IMG, 1), dtype=jnp.float32)
    inp['curr_label'] = jax.random.uniform(ks[1], (1, IMG, IMG, 1), dtype=jnp.float32)
    inp['masks'] = jax.random.uniform(ks[2], (1, IMG, IMG, 4), dtype=jnp.float32)
    inp['edge_pairs'] = jax.random.randint(ks[3], (N_EDGES, 2), 0, N_NODES, dtype=jnp.int32)
    inp['conv1_w'] = jax.random.normal(ks[4], (3, 3, 1, 40), dtype=jnp.float32) * 0.1
    inp['conv1_b'] = jnp.zeros((40,), dtype=jnp.float32)
    inp['conv2_w'] = jax.random.normal(ks[5], (3, 3, 40, 40), dtype=jnp.float32) * 0.05
    inp['conv2_b'] = jnp.zeros((40,), dtype=jnp.float32)
    inp['dense1_w'] = jax.random.normal(ks[6], (2 * 2 * 40, 6), dtype=jnp.float32) * 0.05
    inp['dense1_b'] = jnp.zeros((6,), dtype=jnp.float32)
    inp['e_w1'] = jax.random.normal(ks[7], (13, 5), dtype=jnp.float32) * 0.2
    inp['e_b1'] = jnp.zeros((5,), dtype=jnp.float32)
    inp['e_w2'] = jax.random.normal(ks[8], (5, 5), dtype=jnp.float32) * 0.2
    inp['e_b2'] = jnp.zeros((5,), dtype=jnp.float32)
    inp['e_w3'] = jax.random.normal(ks[9], (5, 5), dtype=jnp.float32) * 0.2
    inp['e_b3'] = jnp.zeros((5,), dtype=jnp.float32)
    inp['n_w1'] = jax.random.normal(ks[10], (12, 5), dtype=jnp.float32) * 0.2
    inp['n_b1'] = jnp.zeros((5,), dtype=jnp.float32)
    inp['n_w2'] = jax.random.normal(ks[11], (5, 5), dtype=jnp.float32) * 0.2
    inp['n_b2'] = jnp.zeros((5,), dtype=jnp.float32)
    inp['n_w3'] = jax.random.normal(ks[12], (5, 5), dtype=jnp.float32) * 0.2
    inp['n_b3'] = jnp.zeros((5,), dtype=jnp.float32)
    inp['dense2_w'] = jax.random.normal(ks[13], (5, 2), dtype=jnp.float32) * 0.2
    inp['dense2_b'] = jnp.zeros((2,), dtype=jnp.float32)
    return inp


def reference(curr_image, curr_label, masks, edge_pairs, conv1_w, conv1_b, conv2_w, conv2_b, dense1_w, dense1_b, e_w1, e_b1, e_w2, e_b2, e_w3, e_b3, n_w1, n_b1, n_w2, n_b2, n_w3, n_b3, dense2_w, dense2_b):
    shifts = [(0, 0), (1, 0), (0, 1), (1, 1)]
    token_list = []
    label_list = []
    for i, (sx, sy) in enumerate(shifts):
        img_p = extract_patches(curr_image, sx, sy)
        mask_p = extract_patches(masks[..., i:i + 1], sx, sy)
        lab_p = extract_patches(curr_label, sx, sy)
        token_list.append((img_p * mask_p).reshape(-1, PATCH, PATCH, 1))
        summ = jnp.sum(mask_p, axis=(2, 3, 4))
        meann = jnp.sum(lab_p * mask_p, axis=(2, 3, 4)) / (summ + EPS)
        label_list.append(harder_diff_round(meann).reshape(-1))
    tokens = jnp.concatenate(token_list, axis=0)
    label_svs = jnp.concatenate(label_list, axis=0)
    t = conv_trio(tokens, conv1_w, conv1_b)
    t = conv_trio(t, conv2_w, conv2_b)
    t = t.reshape(t.shape[0], -1)
    t = jax.nn.relu(t @ dense1_w + dense1_b)
    senders = edge_pairs[:, 0]
    receivers = edge_pairs[:, 1]
    sent = jnp.take(t, senders, axis=0)
    recv = jnp.take(t, receivers, axis=0)
    ge = jnp.ones((senders.shape[0], 1), dtype=t.dtype)
    e = jnp.concatenate([sent, recv, ge], axis=-1)
    e = mlp3(e, e_w1, e_b1, e_w2, e_b2, e_w3, e_b3)
    agg = jax.ops.segment_sum(e, receivers, num_segments=t.shape[0])
    gn = jnp.ones((t.shape[0], 1), dtype=t.dtype)
    nf = jnp.concatenate([t, agg, gn], axis=-1)
    nf = mlp3(nf, n_w1, n_b1, n_w2, n_b2, n_w3, n_b3)
    logits = nf @ dense2_w + dense2_b
    labels2 = jnp.stack([1.0 - label_svs, label_svs], axis=-1)
    logp = jax.nn.log_softmax(logits, axis=-1)
    losss = -jnp.sum(labels2 * logp, axis=-1)
    return (losss, logits, labels2)

if __name__ == "__main__":
    import jax
    _d = setup_inputs()
    print(jax.jit(kernel)(*tuple(_d.values())))

</pallas_src>

<mosaic_0001>
#map = affine_map<(d0, d1) -> (0, 0)>
#map1 = affine_map<(d0, d1) -> (0, 0, 0)>
module attributes {stable_mosaic.version = 14 : i64} {
  func.func @_gather_body(%arg0: i32, %arg1: i32, %arg2: memref<2048x128xi32, #tpu.memory_space<hbm>>, %arg3: memref<2048x128xi32, #tpu.memory_space<hbm>>, %arg4: memref<16384x16xf32, #tpu.memory_space<hbm>>, %arg5: memref<16384x16xf32, #tpu.memory_space<hbm>>, %arg6: memref<2048x128x16xf32, #tpu.memory_space<hbm>>, %arg7: memref<2048x128x16xf32, #tpu.memory_space<hbm>>, %arg8: memref<64x128xi32, #tpu.memory_space<vmem>>, %arg9: memref<64x128xi32, #tpu.memory_space<vmem>>, %arg10: memref<8x128x16xf32, #tpu.memory_space<vmem>>, %arg11: memref<8x128x16xf32, #tpu.memory_space<vmem>>, %arg12: memref<!tpu.dma_semaphore, #tpu.memory_space<semaphore_mem>>) attributes {dimension_semantics = [#tpu.dimension_semantics<core_parallel>, #tpu.dimension_semantics<subcore_parallel>], iteration_bounds = array<i64: 2, 16>, scalar_prefetch = 0 : i64, scratch_operands = 5 : i64, tpu.core_type = #tpu.core_type<sc_vector_subcore>, window_params = [{transform_indices = #map}, {transform_indices = #map}, {transform_indices = #map}, {transform_indices = #map}, {transform_indices = #map1}, {transform_indices = #map1}]} {
    %mul3A = arith.constant 2 : i32
    %mul3A_0 = arith.muli %arg1, %mul3A : i32
    %add3A = arith.addi %mul3A_0, %arg0 : i32
    %mul3A_1 = arith.constant 64 : i32
    %mul3A_2 = arith.muli %add3A, %mul3A_1 : i32
    "tpu.region"() ({
      %run_scoped3A = tpu.sem_alloc : memref<!tpu.dma_semaphore, #tpu.memory_space<semaphore_mem>>
      %dma_start3A = arith.constant 0 : i32
      %dma_start3A_8 = tpu.memref_slice %arg2[%mul3A_2, %dma_start3A] : memref<2048x128xi32, #tpu.memory_space<hbm>> -> memref<64x128xi32, #tpu.memory_space<hbm>>
      %dma_start3A_9 = arith.constant 0 : i32
      %dma_start3A_10 = tpu.memref_slice %arg2[%mul3A_2, %dma_start3A_9] : memref<2048x128xi32, #tpu.memory_space<hbm>> -> memref<64x128xi32, #tpu.memory_space<hbm>>
      tpu.enqueue_dma source(%dma_start3A_10 : memref<64x128xi32, #tpu.memory_space<hbm>>) target(%arg8 : memref<64x128xi32, #tpu.memory_space<vmem>>) target_semaphore(%run_scoped3A : memref<!tpu.dma_semaphore, #tpu.memory_space<semaphore_mem>>)
      %dma_wait3A = arith.constant 0 : i32
      %dma_wait3A_11 = tpu.memref_slice %arg2[%mul3A_2, %dma_wait3A] : memref<2048x128xi32, #tpu.memory_space<hbm>> -> memref<64x128xi32, #tpu.memory_space<hbm>>
      %dma_wait3A_12 = arith.constant 0 : i32
      %dma_wait3A_13 = tpu.memref_slice %arg2[%mul3A_2, %dma_wait3A_12] : memref<2048x128xi32, #tpu.memory_space<hbm>> -> memref<64x128xi32, #tpu.memory_space<hbm>>
      tpu.wait_dma2 semaphore(%run_scoped3A : memref<!tpu.dma_semaphore, #tpu.memory_space<semaphore_mem>>) src(%dma_wait3A_13 : memref<64x128xi32, #tpu.memory_space<hbm>>) dst(%arg8 : memref<64x128xi32, #tpu.memory_space<vmem>>)
      tpu.yield
    }) : () -> ()
    "tpu.region"() ({
      %run_scoped3A = tpu.sem_alloc : memref<!tpu.dma_semaphore, #tpu.memory_space<semaphore_mem>>
      %dma_start3A = arith.constant 0 : i32
      %dma_start3A_8 = tpu.memref_slice %arg3[%mul3A_2, %dma_start3A] : memref<2048x128xi32, #tpu.memory_space<hbm>> -> memref<64x128xi32, #tpu.memory_space<hbm>>
      %dma_start3A_9 = arith.constant 0 : i32
      %dma_start3A_10 = tpu.memref_slice %arg3[%mul3A_2, %dma_start3A_9] : memref<2048x128xi32, #tpu.memory_space<hbm>> -> memref<64x128xi32, #tpu.memory_space<hbm>>
      tpu.enqueue_dma source(%dma_start3A_10 : memref<64x128xi32, #tpu.memory_space<hbm>>) target(%arg9 : memref<64x128xi32, #tpu.memory_space<vmem>>) target_semaphore(%run_scoped3A : memref<!tpu.dma_semaphore, #tpu.memory_space<semaphore_mem>>)
      %dma_wait3A = arith.constant 0 : i32
      %dma_wait3A_11 = tpu.memref_slice %arg3[%mul3A_2, %dma_wait3A] : memref<2048x128xi32, #tpu.memory_space<hbm>> -> memref<64x128xi32, #tpu.memory_space<hbm>>
      %dma_wait3A_12 = arith.constant 0 : i32
      %dma_wait3A_13 = tpu.memref_slice %arg3[%mul3A_2, %dma_wait3A_12] : memref<2048x128xi32, #tpu.memory_space<hbm>> -> memref<64x128xi32, #tpu.memory_space<hbm>>
      tpu.wait_dma2 semaphore(%run_scoped3A : memref<!tpu.dma_semaphore, #tpu.memory_space<semaphore_mem>>) src(%dma_wait3A_13 : memref<64x128xi32, #tpu.memory_space<hbm>>) dst(%arg9 : memref<64x128xi32, #tpu.memory_space<vmem>>)
      tpu.yield
    }) : () -> ()
    %scan3A = arith.constant 0 : i32
    %scan3A_3 = arith.constant 0 : i32
    %scan3A_4 = arith.constant 8 : i32
    %scan3A_5 = arith.addi %scan3A_3, %scan3A_4 : i32
    %scan3A_6 = arith.constant 1 : i32
    scf.for %scan3A_8 = %scan3A_3 to %scan3A_5 step %scan3A_6  : i32 {
      %mul3A_9 = arith.constant 8 : i32
      %mul3A_10 = arith.muli %scan3A_8, %mul3A_9 : i32
      %add3A_11 = arith.constant 0 : i32
      %add3A_12 = arith.addi %mul3A_10, %add3A_11 : i32
      %dma_start3A = arith.constant 0 : i32
      %dma_start3A_13 = arith.constant 0 : i32
      %dma_start3A_14 = arith.constant 0 : i32
      %dma_start3A_15 = tpu.memref_slice %arg10[%dma_start3A, %dma_start3A_13, %dma_start3A_14] : memref<8x128x16xf32, #tpu.memory_space<vmem>> -> memref<1x128x16xf32, #tpu.memory_space<vmem>>
      %dma_start3A_16 = tpu.memref_squeeze %dma_start3A_15 : memref<1x128x16xf32, #tpu.memory_space<vmem>> -> memref<128x16xf32, #tpu.memory_space<vmem>>
      %dma_start3A_17 = arith.constant 0 : i32
      %dma_start3A_18 = tpu.memref_slice %arg8[%add3A_12, %dma_start3A_17] : memref<64x128xi32, #tpu.memory_space<vmem>> -> memref<1x128xi32, #tpu.memory_space<vmem>>
      %dma_start3A_19 = tpu.memref_squeeze %dma_start3A_18 : memref<1x128xi32, #tpu.memory_space<vmem>> -> memref<128xi32, #tpu.memory_space<vmem>>
      %dma_start3A_20 = arith.constant 0 : i32
      %dma_start3A_21 = arith.constant 0 : i32
      %dma_start3A_22 = tpu.memref_slice %arg4[%dma_start3A_20, %dma_start3A_21] : memref<16384x16xf32, #tpu.memory_space<hbm>> -> memref<16384x16xf32, #tpu.memory_space<hbm>>
      tpu.enqueue_indirect_dma source(%dma_start3A_22 : memref<16384x16xf32, #tpu.memory_space<hbm>>) target(%dma_start3A_16 : memref<128x16xf32, #tpu.memory_space<vmem>>) offsets(%dma_start3A_19 : memref<128xi32, #tpu.memory_space<vmem>>) semaphore(%arg12 : memref<!tpu.dma_semaphore, #tpu.memory_space<semaphore_mem>>)
      %mul3A_23 = arith.constant 8 : i32
      %mul3A_24 = arith.muli %scan3A_8, %mul3A_23 : i32
      %add3A_25 = arith.constant 0 : i32
      %add3A_26 = arith.addi %mul3A_24, %add3A_25 : i32
      %dma_start3A_27 = arith.constant 0 : i32
      %dma_start3A_28 = arith.constant 0 : i32
      %dma_start3A_29 = arith.constant 0 : i32
      %dma_start3A_30 = tpu.memref_slice %arg11[%dma_start3A_27, %dma_start3A_28, %dma_start3A_29] : memref<8x128x16xf32, #tpu.memory_space<vmem>> -> memref<1x128x16xf32, #tpu.memory_space<vmem>>
      %dma_start3A_31 = tpu.memref_squeeze %dma_start3A_30 : memref<1x128x16xf32, #tpu.memory_space<vmem>> -> memref<128x16xf32, #tpu.memory_space<vmem>>
      %dma_start3A_32 = arith.constant 0 : i32
      %dma_start3A_33 = tpu.memref_slice %arg9[%add3A_26, %dma_start3A_32] : memref<64x128xi32, #tpu.memory_space<vmem>> -> memref<1x128xi32, #tpu.memory_space<vmem>>
      %dma_start3A_34 = tpu.memref_squeeze %dma_start3A_33 : memref<1x128xi32, #tpu.memory_space<vmem>> -> memref<128xi32, #tpu.memory_space<vmem>>
      %dma_start3A_35 = arith.constant 0 : i32
      %dma_start3A_36 = arith.constant 0 : i32
      %dma_start3A_37 = tpu.memref_slice %arg5[%dma_start3A_35, %dma_start3A_36] : memref<16384x16xf32, #tpu.memory_space<hbm>> -> memref<16384x16xf32, #tpu.memory_space<hbm>>
      tpu.enqueue_indirect_dma source(%dma_start3A_37 : memref<16384x16xf32, #tpu.memory_space<hbm>>) target(%dma_start3A_31 : memref<128x16xf32, #tpu.memory_space<vmem>>) offsets(%dma_start3A_34 : memref<128xi32, #tpu.memory_space<vmem>>) semaphore(%arg12 : memref<!tpu.dma_semaphore, #tpu.memory_space<semaphore_mem>>)
      %mul3A_38 = arith.constant 8 : i32
      %mul3A_39 = arith.muli %scan3A_8, %mul3A_38 : i32
      %add3A_40 = arith.constant 1 : i32
      %add3A_41 = arith.addi %mul3A_39, %add3A_40 : i32
      %dma_start3A_42 = arith.constant 1 : i32
      %dma_start3A_43 = arith.constant 0 : i32
      %dma_start3A_44 = arith.constant 0 : i32
      %dma_start3A_45 = tpu.memref_slice %arg10[%dma_start3A_42, %dma_start3A_43, %dma_start3A_44] : memref<8x128x16xf32, #tpu.memory_space<vmem>> -> memref<1x128x16xf32, #tpu.memory_space<vmem>>
      %dma_start3A_46 = tpu.memref_squeeze %dma_start3A_45 : memref<1x128x16xf32, #tpu.memory_space<vmem>> -> memref<128x16xf32, #tpu.memory_space<vmem>>
      %dma_start3A_47 = arith.constant 0 : i32
      %dma_start3A_48 = tpu.memref_slice %arg8[%add3A_41, %dma_start3A_47] : memref<64x128xi32, #tpu.memory_space<vmem>> -> memref<1x128xi32, #tpu.memory_space<vmem>>
      %dma_start3A_49 = tpu.memref_squeeze %dma_start3A_48 : memref<1x128xi32, #tpu.memory_space<vmem>> -> memref<128xi32, #tpu.memory_space<vmem>>
      %dma_start3A_50 = arith.constant 0 : i32
      %dma_start3A_51 = arith.constant 0 : i32
      %dma_start3A_52 = tpu.memref_slice %arg4[%dma_start3A_50, %dma_start3A_51] : memref<16384x16xf32, #tpu.memory_space<hbm>> -> memref<16384x16xf32, #tpu.memory_space<hbm>>
      tpu.enqueue_indirect_dma source(%dma_start3A_52 : memref<16384x16xf32, #tpu.memory_space<hbm>>) target(%dma_start3A_46 : memref<128x16xf32, #tpu.memory_space<vmem>>) offsets(%dma_start3A_49 : memref<128xi32, #tpu.memory_space<vmem>>) semaphore(%arg12 : memref<!tpu.dma_semaphore, #tpu.memory_space<semaphore_mem>>)
      %mul3A_53 = arith.constant 8 : i32
      %mul3A_54 = arith.muli %scan3A_8, %mul3A_53 : i32
      %add3A_55 = arith.constant 1 : i32
      %add3A_56 = arith.addi %mul3A_54, %add3A_55 : i32
      %dma_start3A_57 = arith.constant 1 : i32
      %dma_start3A_58 = arith.constant 0 : i32
      %dma_start3A_59 = arith.constant 0 : i32
      %dma_start3A_60 = tpu.memref_slice %arg11[%dma_start3A_57, %dma_start3A_58, %dma_start3A_59] : memref<8x128x16xf32, #tpu.memory_space<vmem>> -> memref<1x128x16xf32, #tpu.memory_space<vmem>>
      %dma_start3A_61 = tpu.memref_squeeze %dma_start3A_60 : memref<1x128x16xf32, #tpu.memory_space<vmem>> -> memref<128x16xf32, #tpu.memory_space<vmem>>
      %dma_start3A_62 = arith.constant 0 : i32
      %dma_start3A_63 = tpu.memref_slice %arg9[%add3A_56, %dma_start3A_62] : memref<64x128xi32, #tpu.memory_space<vmem>> -> memref<1x128xi32, #tpu.memory_space<vmem>>
      %dma_start3A_64 = tpu.memref_squeeze %dma_start3A_63 : memref<1x128xi32, #tpu.memory_space<vmem>> -> memref<128xi32, #tpu.memory_space<vmem>>
      %dma_start3A_65 = arith.constant 0 : i32
      %dma_start3A_66 = arith.constant 0 : i32
      %dma_start3A_67 = tpu.memref_slice %arg5[%dma_start3A_65, %dma_start3A_66] : memref<16384x16xf32, #tpu.memory_space<hbm>> -> memref<16384x16xf32, #tpu.memory_space<hbm>>
      tpu.enqueue_indirect_dma source(%dma_start3A_67 : memref<16384x16xf32, #tpu.memory_space<hbm>>) target(%dma_start3A_61 : memref<128x16xf32, #tpu.memory_space<vmem>>) offsets(%dma_start3A_64 : memref<128xi32, #tpu.memory_space<vmem>>) semaphore(%arg12 : memref<!tpu.dma_semaphore, #tpu.memory_space<semaphore_mem>>)
      %mul3A_68 = arith.constant 8 : i32
      %mul3A_69 = arith.muli %scan3A_8, %mul3A_68 : i32
      %add3A_70 = arith.constant 2 : i32
      %add3A_71 = arith.addi %mul3A_69, %add3A_70 : i32
      %dma_start3A_72 = arith.constant 2 : i32
      %dma_start3A_73 = arith.constant 0 : i32
      %dma_start3A_74 = arith.constant 0 : i32
      %dma_start3A_75 = tpu.memref_slice %arg10[%dma_start3A_72, %dma_start3A_73, %dma_start3A_74] : memref<8x128x16xf32, #tpu.memory_space<vmem>> -> memref<1x128x16xf32, #tpu.memory_space<vmem>>
      %dma_start3A_76 = tpu.memref_squeeze %dma_start3A_75 : memref<1x128x16xf32, #tpu.memory_space<vmem>> -> memref<128x16xf32, #tpu.memory_space<vmem>>
      %dma_start3A_77 = arith.constant 0 : i32
      %dma_start3A_78 = tpu.memref_slice %arg8[%add3A_71, %dma_start3A_77] : memref<64x128xi32, #tpu.memory_space<vmem>> -> memref<1x128xi32, #tpu.memory_space<vmem>>
      %dma_start3A_79 = tpu.memref_squeeze %dma_start3A_78 : memref<1x128xi32, #tpu.memory_space<vmem>> -> memref<128xi32, #tpu.memory_space<vmem>>
      %dma_start3A_80 = arith.constant 0 : i32
      %dma_start3A_81 = arith.constant 0 : i32
      %dma_start3A_82 = tpu.memref_slice %arg4[%dma_start3A_80, %dma_start3A_81] : memref<16384x16xf32, #tpu.memory_space<hbm>> -> memref<16384x16xf32, #tpu.memory_space<hbm>>
      tpu.enqueue_indirect_dma source(%dma_start3A_82 : memref<16384x16xf32, #tpu.memory_space<hbm>>) target(%dma_start3A_76 : memref<128x16xf32, #tpu.memory_space<vmem>>) offsets(%dma_start3A_79 : memref<128xi32, #tpu.memory_space<vmem>>) semaphore(%arg12 : memref<!tpu.dma_semaphore, #tpu.memory_space<semaphore_mem>>)
      %mul3A_83 = arith.constant 8 : i32
      %mul3A_84 = arith.muli %scan3A_8, %mul3A_83 : i32
      %add3A_85 = arith.constant 2 : i32
      %add3A_86 = arith.addi %mul3A_84, %add3A_85 : i32
      %dma_start3A_87 = arith.constant 2 : i32
      %dma_start3A_88 = arith.constant 0 : i32
      %dma_start3A_89 = arith.constant 0 : i32
      %dma_start3A_90 = tpu.memref_slice %arg11[%dma_start3A_87, %dma_start3A_88, %dma_start3A_89] : memref<8x128x16xf32, #tpu.memory_space<vmem>> -> memref<1x128x16xf32, #tpu.memory_space<vmem>>
      %dma_start3A_91 = tpu.memref_squeeze %dma_start3A_90 : memref<1x128x16xf32, #tpu.memory_space<vmem>> -> memref<128x16xf32, #tpu.memory_space<vmem>>
      %dma_start3A_92 = arith.constant 0 : i32
      %dma_start3A_93 = tpu.memref_slice %arg9[%add3A_86, %dma_start3A_92] : memref<64x128xi32, #tpu.memory_space<vmem>> -> memref<1x128xi32, #tpu.memory_space<vmem>>
      %dma_start3A_94 = tpu.memref_squeeze %dma_start3A_93 : memref<1x128xi32, #tpu.memory_space<vmem>> -> memref<128xi32, #tpu.memory_space<vmem>>
      %dma_start3A_95 = arith.constant 0 : i32
      %dma_start3A_96 = arith.constant 0 : i32
      %dma_start3A_97 = tpu.memref_slice %arg5[%dma_start3A_95, %dma_start3A_96] : memref<16384x16xf32, #tpu.memory_space<hbm>> -> memref<16384x16xf32, #tpu.memory_space<hbm>>
      tpu.enqueue_indirect_dma source(%dma_start3A_97 : memref<16384x16xf32, #tpu.memory_space<hbm>>) target(%dma_start3A_91 : memref<128x16xf32, #tpu.memory_space<vmem>>) offsets(%dma_start3A_94 : memref<128xi32, #tpu.memory_space<vmem>>) semaphore(%arg12 : memref<!tpu.dma_semaphore, #tpu.memory_space<semaphore_mem>>)
      %mul3A_98 = arith.constant 8 : i32
      %mul3A_99 = arith.muli %scan3A_8, %mul3A_98 : i32
      %add3A_100 = arith.constant 3 : i32
      %add3A_101 = arith.addi %mul3A_99, %add3A_100 : i32
      %dma_start3A_102 = arith.constant 3 : i32
      %dma_start3A_103 = arith.constant 0 : i32
      %dma_start3A_104 = arith.constant 0 : i32
      %dma_start3A_105 = tpu.memref_slice %arg10[%dma_start3A_102, %dma_start3A_103, %dma_start3A_104] : memref<8x128x16xf32, #tpu.memory_space<vmem>> -> memref<1x128x16xf32, #tpu.memory_space<vmem>>
      %dma_start3A_106 = tpu.memref_squeeze %dma_start3A_105 : memref<1x128x16xf32, #tpu.memory_space<vmem>> -> memref<128x16xf32, #tpu.memory_space<vmem>>
      %dma_start3A_107 = arith.constant 0 : i32
      %dma_start3A_108 = tpu.memref_slice %arg8[%add3A_101, %dma_start3A_107] : memref<64x128xi32, #tpu.memory_space<vmem>> -> memref<1x128xi32, #tpu.memory_space<vmem>>
      %dma_start3A_109 = tpu.memref_squeeze %dma_start3A_108 : memref<1x128xi32, #tpu.memory_space<vmem>> -> memref<128xi32, #tpu.memory_space<vmem>>
      %dma_start3A_110 = arith.constant 0 : i32
      %dma_start3A_111 = arith.constant 0 : i32
      %dma_start3A_112 = tpu.memref_slice %arg4[%dma_start3A_110, %dma_start3A_111] : memref<16384x16xf32, #tpu.memory_space<hbm>> -> memref<16384x16xf32, #tpu.memory_space<hbm>>
      tpu.enqueue_indirect_dma source(%dma_start3A_112 : memref<16384x16xf32, #tpu.memory_space<hbm>>) target(%dma_start3A_106 : memref<128x16xf32, #tpu.memory_space<vmem>>) offsets(%dma_start3A_109 : memref<128xi32, #tpu.memory_space<vmem>>) semaphore(%arg12 : memref<!tpu.dma_semaphore, #tpu.memory_space<semaphore_mem>>)
      %mul3A_113 = arith.constant 8 : i32
      %mul3A_114 = arith.muli %scan3A_8, %mul3A_113 : i32
      %add3A_115 = arith.constant 3 : i32
      %add3A_116 = arith.addi %mul3A_114, %add3A_115 : i32
      %dma_start3A_117 = arith.constant 3 : i32
      %dma_start3A_118 = arith.constant 0 : i32
      %dma_start3A_119 = arith.constant 0 : i32
      %dma_start3A_120 = tpu.memref_slice %arg11[%dma_start3A_117, %dma_start3A_118, %dma_start3A_119] : memref<8x128x16xf32, #tpu.memory_space<vmem>> -> memref<1x128x16xf32, #tpu.memory_space<vmem>>
      %dma_start3A_121 = tpu.memref_squeeze %dma_start3A_120 : memref<1x128x16xf32, #tpu.memory_space<vmem>> -> memref<128x16xf32, #tpu.memory_space<vmem>>
      %dma_start3A_122 = arith.constant 0 : i32
      %dma_start3A_123 = tpu.memref_slice %arg9[%add3A_116, %dma_start3A_122] : memref<64x128xi32, #tpu.memory_space<vmem>> -> memref<1x128xi32, #tpu.memory_space<vmem>>
      %dma_start3A_124 = tpu.memref_squeeze %dma_start3A_123 : memref<1x128xi32, #tpu.memory_space<vmem>> -> memref<128xi32, #tpu.memory_space<vmem>>
      %dma_start3A_125 = arith.constant 0 : i32
      %dma_start3A_126 = arith.constant 0 : i32
      %dma_start3A_127 = tpu.memref_slice %arg5[%dma_start3A_125, %dma_start3A_126] : memref<16384x16xf32, #tpu.memory_space<hbm>> -> memref<16384x16xf32, #tpu.memory_space<hbm>>
      tpu.enqueue_indirect_dma source(%dma_start3A_127 : memref<16384x16xf32, #tpu.memory_space<hbm>>) target(%dma_start3A_121 : memref<128x16xf32, #tpu.memory_space<vmem>>) offsets(%dma_start3A_124 : memref<128xi32, #tpu.memory_space<vmem>>) semaphore(%arg12 : memref<!tpu.dma_semaphore, #tpu.memory_space<semaphore_mem>>)
      %mul3A_128 = arith.constant 8 : i32
      %mul3A_129 = arith.muli %scan3A_8, %mul3A_128 : i32
      %add3A_130 = arith.constant 4 : i32
      %add3A_131 = arith.addi %mul3A_129, %add3A_130 : i32
      %dma_start3A_132 = arith.constant 4 : i32
      %dma_start3A_133 = arith.constant 0 : i32
      %dma_start3A_134 = arith.constant 0 : i32
      %dma_start3A_135 = tpu.memref_slice %arg10[%dma_start3A_132, %dma_start3A_133, %dma_start3A_134] : memref<8x128x16xf32, #tpu.memory_space<vmem>> -> memref<1x128x16xf32, #tpu.memory_space<vmem>>
      %dma_start3A_136 = tpu.memref_squeeze %dma_start3A_135 : memref<1x128x16xf32, #tpu.memory_space<vmem>> -> memref<128x16xf32, #tpu.memory_space<vmem>>
      %dma_start3A_137 = arith.constant 0 : i32
      %dma_start3A_138 = tpu.memref_slice %arg8[%add3A_131, %dma_start3A_137] : memref<64x128xi32, #tpu.memory_space<vmem>> -> memref<1x128xi32, #tpu.memory_space<vmem>>
      %dma_start3A_139 = tpu.memref_squeeze %dma_start3A_138 : memref<1x128xi32, #tpu.memory_space<vmem>> -> memref<128xi32, #tpu.memory_space<vmem>>
      %dma_start3A_140 = arith.constant 0 : i32
      %dma_start3A_141 = arith.constant 0 : i32
      %dma_start3A_142 = tpu.memref_slice %arg4[%dma_start3A_140, %dma_start3A_141] : memref<16384x16xf32, #tpu.memory_space<hbm>> -> memref<16384x16xf32, #tpu.memory_space<hbm>>
      tpu.enqueue_indirect_dma source(%dma_start3A_142 : memref<16384x16xf32, #tpu.memory_space<hbm>>) target(%dma_start3A_136 : memref<128x16xf32, #tpu.memory_space<vmem>>) offsets(%dma_start3A_139 : memref<128xi32, #tpu.memory_space<vmem>>) semaphore(%arg12 : memref<!tpu.dma_semaphore, #tpu.memory_space<semaphore_mem>>)
      %mul3A_143 = arith.constant 8 : i32
      %mul3A_144 = arith.muli %scan3A_8, %mul3A_143 : i32
      %add3A_145 = arith.constant 4 : i32
      %add3A_146 = arith.addi %mul3A_144, %add3A_145 : i32
      %dma_start3A_147 = arith.constant 4 : i32
      %dma_start3A_148 = arith.constant 0 : i32
      %dma_start3A_149 = arith.constant 0 : i32
      %dma_start3A_150 = tpu.memref_slice %arg11[%dma_start3A_147, %dma_start3A_148, %dma_start3A_149] : memref<8x128x16xf32, #tpu.memory_space<vmem>> -> memref<1x128x16xf32, #tpu.memory_space<vmem>>
      %dma_start3A_151 = tpu.memref_squeeze %dma_start3A_150 : memref<1x128x16xf32, #tpu.memory_space<vmem>> -> memref<128x16xf32, #tpu.memory_space<vmem>>
      %dma_start3A_152 = arith.constant 0 : i32
      %dma_start3A_153 = tpu.memref_slice %arg9[%add3A_146, %dma_start3A_152] : memref<64x128xi32, #tpu.memory_space<vmem>> -> memref<1x128xi32, #tpu.memory_space<vmem>>
      %dma_start3A_154 = tpu.memref_squeeze %dma_start3A_153 : memref<1x128xi32, #tpu.memory_space<vmem>> -> memref<128xi32, #tpu.memory_space<vmem>>
      %dma_start3A_155 = arith.constant 0 : i32
      %dma_start3A_156 = arith.constant 0 : i32
      %dma_start3A_157 = tpu.memref_slice %arg5[%dma_start3A_155, %dma_start3A_156] : memref<16384x16xf32, #tpu.memory_space<hbm>> -> memref<16384x16xf32, #tpu.memory_space<hbm>>
      tpu.enqueue_indirect_dma source(%dma_start3A_157 : memref<16384x16xf32, #tpu.memory_space<hbm>>) target(%dma_start3A_151 : memref<128x16xf32, #tpu.memory_space<vmem>>) offsets(%dma_start3A_154 : memref<128xi32, #tpu.memory_space<vmem>>) semaphore(%arg12 : memref<!tpu.dma_semaphore, #tpu.memory_space<semaphore_mem>>)
      %mul3A_158 = arith.constant 8 : i32
      %mul3A_159 = arith.muli %scan3A_8, %mul3A_158 : i32
      %add3A_160 = arith.constant 5 : i32
      %add3A_161 = arith.addi %mul3A_159, %add3A_160 : i32
      %dma_start3A_162 = arith.constant 5 : i32
      %dma_start3A_163 = arith.constant 0 : i32
      %dma_start3A_164 = arith.constant 0 : i32
      %dma_start3A_165 = tpu.memref_slice %arg10[%dma_start3A_162, %dma_start3A_163, %dma_start3A_164] : memref<8x128x16xf32, #tpu.memory_space<vmem>> -> memref<1x128x16xf32, #tpu.memory_space<vmem>>
      %dma_start3A_166 = tpu.memref_squeeze %dma_start3A_165 : memref<1x128x16xf32, #tpu.memory_space<vmem>> -> memref<128x16xf32, #tpu.memory_space<vmem>>
      %dma_start3A_167 = arith.constant 0 : i32
      %dma_start3A_168 = tpu.memref_slice %arg8[%add3A_161, %dma_start3A_167] : memref<64x128xi32, #tpu.memory_space<vmem>> -> memref<1x128xi32, #tpu.memory_space<vmem>>
      %dma_start3A_169 = tpu.memref_squeeze %dma_start3A_168 : memref<1x128xi32, #tpu.memory_space<vmem>> -> memref<128xi32, #tpu.memory_space<vmem>>
      %dma_start3A_170 = arith.constant 0 : i32
      %dma_start3A_171 = arith.constant 0 : i32
      %dma_start3A_172 = tpu.memref_slice %arg4[%dma_start3A_170, %dma_start3A_171] : memref<16384x16xf32, #tpu.memory_space<hbm>> -> memref<16384x16xf32, #tpu.memory_space<hbm>>
      tpu.enqueue_indirect_dma source(%dma_start3A_172 : memref<16384x16xf32, #tpu.memory_space<hbm>>) target(%dma_start3A_166 : memref<128x16xf32, #tpu.memory_space<vmem>>) offsets(%dma_start3A_169 : memref<128xi32, #tpu.memory_space<vmem>>) semaphore(%arg12 : memref<!tpu.dma_semaphore, #tpu.memory_space<semaphore_mem>>)
      %mul3A_173 = arith.constant 8 : i32
      %mul3A_174 = arith.muli %scan3A_8, %mul3A_173 : i32
      %add3A_175 = arith.constant 5 : i32
      %add3A_176 = arith.addi %mul3A_174, %add3A_175 : i32
      %dma_start3A_177 = arith.constant 5 : i32
      %dma_start3A_178 = arith.constant 0 : i32
      %dma_start3A_179 = arith.constant 0 : i32
      %dma_start3A_180 = tpu.memref_slice %arg11[%dma_start3A_177, %dma_start3A_178, %dma_start3A_179] : memref<8x128x16xf32, #tpu.memory_space<vmem>> -> memref<1x128x16xf32, #tpu.memory_space<vmem>>
      %dma_start3A_181 = tpu.memref_squeeze %dma_start3A_180 : memref<1x128x16xf32, #tpu.memory_space<vmem>> -> memref<128x16xf32, #tpu.memory_space<vmem>>
      %dma_start3A_182 = arith.constant 0 : i32
      %dma_start3A_183 = tpu.memref_slice %arg9[%add3A_176, %dma_start3A_182] : memref<64x128xi32, #tpu.memory_space<vmem>> -> memref<1x128xi32, #tpu.memory_space<vmem>>
      %dma_start3A_184 = tpu.memref_squeeze %dma_start3A_183 : memref<1x128xi32, #tpu.memory_space<vmem>> -> memref<128xi32, #tpu.memory_space<vmem>>
      %dma_start3A_185 = arith.constant 0 : i32
      %dma_start3A_186 = arith.constant 0 : i32
      %dma_start3A_187 = tpu.memref_slice %arg5[%dma_start3A_185, %dma_start3A_186] : memref<16384x16xf32, #tpu.memory_space<hbm>> -> memref<16384x16xf32, #tpu.memory_space<hbm>>
      tpu.enqueue_indirect_dma source(%dma_start3A_187 : memref<16384x16xf32, #tpu.memory_space<hbm>>) target(%dma_start3A_181 : memref<128x16xf32, #tpu.memory_space<vmem>>) offsets(%dma_start3A_184 : memref<128xi32, #tpu.memory_space<vmem>>) semaphore(%arg12 : memref<!tpu.dma_semaphore, #tpu.memory_space<semaphore_mem>>)
      %mul3A_188 = arith.constant 8 : i32
      %mul3A_189 = arith.muli %scan3A_8, %mul3A_188 : i32
      %add3A_190 = arith.constant 6 : i32
      %add3A_191 = arith.addi %mul3A_189, %add3A_190 : i32
      %dma_start3A_192 = arith.constant 6 : i32
      %dma_start3A_193 = arith.constant 0 : i32
      %dma_start3A_194 = arith.constant 0 : i32
      %dma_start3A_195 = tpu.memref_slice %arg10[%dma_start3A_192, %dma_start3A_193, %dma_start3A_194] : memref<8x128x16xf32, #tpu.memory_space<vmem>> -> memref<1x128x16xf32, #tpu.memory_space<vmem>>
      %dma_start3A_196 = tpu.memref_squeeze %dma_start3A_195 : memref<1x128x16xf32, #tpu.memory_space<vmem>> -> memref<128x16xf32, #tpu.memory_space<vmem>>
      %dma_start3A_197 = arith.constant 0 : i32
      %dma_start3A_198 = tpu.memref_slice %arg8[%add3A_191, %dma_start3A_197] : memref<64x128xi32, #tpu.memory_space<vmem>> -> memref<1x128xi32, #tpu.memory_space<vmem>>
      %dma_start3A_199 = tpu.memref_squeeze %dma_start3A_198 : memref<1x128xi32, #tpu.memory_space<vmem>> -> memref<128xi32, #tpu.memory_space<vmem>>
      %dma_start3A_200 = arith.constant 0 : i32
      %dma_start3A_201 = arith.constant 0 : i32
      %dma_start3A_202 = tpu.memref_slice %arg4[%dma_start3A_200, %dma_start3A_201] : memref<16384x16xf32, #tpu.memory_space<hbm>> -> memref<16384x16xf32, #tpu.memory_space<hbm>>
      tpu.enqueue_indirect_dma source(%dma_start3A_202 : memref<16384x16xf32, #tpu.memory_space<hbm>>) target(%dma_start3A_196 : memref<128x16xf32, #tpu.memory_space<vmem>>) offsets(%dma_start3A_199 : memref<128xi32, #tpu.memory_space<vmem>>) semaphore(%arg12 : memref<!tpu.dma_semaphore, #tpu.memory_space<semaphore_mem>>)
      %mul3A_203 = arith.constant 8 : i32
      %mul3A_204 = arith.muli %scan3A_8, %mul3A_203 : i32
      %add3A_205 = arith.constant 6 : i32
      %add3A_206 = arith.addi %mul3A_204, %add3A_205 : i32
      %dma_start3A_207 = arith.constant 6 : i32
      %dma_start3A_208 = arith.constant 0 : i32
      %dma_start3A_209 = arith.constant 0 : i32
      %dma_start3A_210 = tpu.memref_slice %arg11[%dma_start3A_207, %dma_start3A_208, %dma_start3A_209] : memref<8x128x16xf32, #tpu.memory_space<vmem>> -> memref<1x128x16xf32, #tpu.memory_space<vmem>>
      %dma_start3A_211 = tpu.memref_squeeze %dma_start3A_210 : memref<1x128x16xf32, #tpu.memory_space<vmem>> -> memref<128x16xf32, #tpu.memory_space<vmem>>
      %dma_start3A_212 = arith.constant 0 : i32
      %dma_start3A_213 = tpu.memref_slice %arg9[%add3A_206, %dma_start3A_212] : memref<64x128xi32, #tpu.memory_space<vmem>> -> memref<1x128xi32, #tpu.memory_space<vmem>>
      %dma_start3A_214 = tpu.memref_squeeze %dma_start3A_213 : memref<1x128xi32, #tpu.memory_space<vmem>> -> memref<128xi32, #tpu.memory_space<vmem>>
      %dma_start3A_215 = arith.constant 0 : i32
      %dma_start3A_216 = arith.constant 0 : i32
      %dma_start3A_217 = tpu.memref_slice %arg5[%dma_start3A_215, %dma_start3A_216] : memref<16384x16xf32, #tpu.memory_space<hbm>> -> memref<16384x16xf32, #tpu.memory_space<hbm>>
      tpu.enqueue_indirect_dma source(%dma_start3A_217 : memref<16384x16xf32, #tpu.memory_space<hbm>>) target(%dma_start3A_211 : memref<128x16xf32, #tpu.memory_space<vmem>>) offsets(%dma_start3A_214 : memref<128xi32, #tpu.memory_space<vmem>>) semaphore(%arg12 : memref<!tpu.dma_semaphore, #tpu.memory_space<semaphore_mem>>)
      %mul3A_218 = arith.constant 8 : i32
      %mul3A_219 = arith.muli %scan3A_8, %mul3A_218 : i32
      %add3A_220 = arith.constant 7 : i32
      %add3A_221 = arith.addi %mul3A_219, %add3A_220 : i32
      %dma_start3A_222 = arith.constant 7 : i32
      %dma_start3A_223 = arith.constant 0 : i32
      %dma_start3A_224 = arith.constant 0 : i32
      %dma_start3A_225 = tpu.memref_slice %arg10[%dma_start3A_222, %dma_start3A_223, %dma_start3A_224] : memref<8x128x16xf32, #tpu.memory_space<vmem>> -> memref<1x128x16xf32, #tpu.memory_space<vmem>>
      %dma_start3A_226 = tpu.memref_squeeze %dma_start3A_225 : memref<1x128x16xf32, #tpu.memory_space<vmem>> -> memref<128x16xf32, #tpu.memory_space<vmem>>
      %dma_start3A_227 = arith.constant 0 : i32
      %dma_start3A_228 = tpu.memref_slice %arg8[%add3A_221, %dma_start3A_227] : memref<64x128xi32, #tpu.memory_space<vmem>> -> memref<1x128xi32, #tpu.memory_space<vmem>>
      %dma_start3A_229 = tpu.memref_squeeze %dma_start3A_228 : memref<1x128xi32, #tpu.memory_space<vmem>> -> memref<128xi32, #tpu.memory_space<vmem>>
      %dma_start3A_230 = arith.constant 0 : i32
      %dma_start3A_231 = arith.constant 0 : i32
      %dma_start3A_232 = tpu.memref_slice %arg4[%dma_start3A_230, %dma_start3A_231] : memref<16384x16xf32, #tpu.memory_space<hbm>> -> memref<16384x16xf32, #tpu.memory_space<hbm>>
      tpu.enqueue_indirect_dma source(%dma_start3A_232 : memref<16384x16xf32, #tpu.memory_space<hbm>>) target(%dma_start3A_226 : memref<128x16xf32, #tpu.memory_space<vmem>>) offsets(%dma_start3A_229 : memref<128xi32, #tpu.memory_space<vmem>>) semaphore(%arg12 : memref<!tpu.dma_semaphore, #tpu.memory_space<semaphore_mem>>)
      %mul3A_233 = arith.constant 8 : i32
      %mul3A_234 = arith.muli %scan3A_8, %mul3A_233 : i32
      %add3A_235 = arith.constant 7 : i32
      %add3A_236 = arith.addi %mul3A_234, %add3A_235 : i32
      %dma_start3A_237 = arith.constant 7 : i32
      %dma_start3A_238 = arith.constant 0 : i32
      %dma_start3A_239 = arith.constant 0 : i32
      %dma_start3A_240 = tpu.memref_slice %arg11[%dma_start3A_237, %dma_start3A_238, %dma_start3A_239] : memref<8x128x16xf32, #tpu.memory_space<vmem>> -> memref<1x128x16xf32, #tpu.memory_space<vmem>>
      %dma_start3A_241 = tpu.memref_squeeze %dma_start3A_240 : memref<1x128x16xf32, #tpu.memory_space<vmem>> -> memref<128x16xf32, #tpu.memory_space<vmem>>
      %dma_start3A_242 = arith.constant 0 : i32
      %dma_start3A_243 = tpu.memref_slice %arg9[%add3A_236, %dma_start3A_242] : memref<64x128xi32, #tpu.memory_space<vmem>> -> memref<1x128xi32, #tpu.memory_space<vmem>>
      %dma_start3A_244 = tpu.memref_squeeze %dma_start3A_243 : memref<1x128xi32, #tpu.memory_space<vmem>> -> memref<128xi32, #tpu.memory_space<vmem>>
      %dma_start3A_245 = arith.constant 0 : i32
      %dma_start3A_246 = arith.constant 0 : i32
      %dma_start3A_247 = tpu.memref_slice %arg5[%dma_start3A_245, %dma_start3A_246] : memref<16384x16xf32, #tpu.memory_space<hbm>> -> memref<16384x16xf32, #tpu.memory_space<hbm>>
      tpu.enqueue_indirect_dma source(%dma_start3A_247 : memref<16384x16xf32, #tpu.memory_space<hbm>>) target(%dma_start3A_241 : memref<128x16xf32, #tpu.memory_space<vmem>>) offsets(%dma_start3A_244 : memref<128xi32, #tpu.memory_space<vmem>>) semaphore(%arg12 : memref<!tpu.dma_semaphore, #tpu.memory_space<semaphore_mem>>)
      %dma_wait3A = arith.constant 0 : i32
      %dma_wait3A_248 = arith.constant 0 : i32
      %dma_wait3A_249 = arith.constant 0 : i32
      %dma_wait3A_250 = tpu.memref_slice %arg10[%dma_wait3A, %dma_wait3A_248, %dma_wait3A_249] : memref<8x128x16xf32, #tpu.memory_space<vmem>> -> memref<1x128x16xf32, #tpu.memory_space<vmem>>
      %dma_wait3A_251 = tpu.memref_squeeze %dma_wait3A_250 : memref<1x128x16xf32, #tpu.memory_space<vmem>> -> memref<128x16xf32, #tpu.memory_space<vmem>>
      %dma_wait3A_252 = arith.constant 0 : i32
      %dma_wait3A_253 = tpu.memref_slice %arg8[%add3A_12, %dma_wait3A_252] : memref<64x128xi32, #tpu.memory_space<vmem>> -> memref<1x128xi32, #tpu.memory_space<vmem>>
      %dma_wait3A_254 = tpu.memref_squeeze %dma_wait3A_253 : memref<1x128xi32, #tpu.memory_space<vmem>> -> memref<128xi32, #tpu.memory_space<vmem>>
      %dma_wait3A_255 = arith.constant 0 : i32
      %dma_wait3A_256 = arith.constant 0 : i32
      %dma_wait3A_257 = tpu.memref_slice %arg4[%dma_wait3A_255, %dma_wait3A_256] : memref<16384x16xf32, #tpu.memory_space<hbm>> -> memref<16384x16xf32, #tpu.memory_space<hbm>>
      tpu.wait_indirect_dma semaphore(%arg12 : memref<!tpu.dma_semaphore, #tpu.memory_space<semaphore_mem>>) src(%dma_wait3A_257 : memref<16384x16xf32, #tpu.memory_space<hbm>>) dst(%dma_wait3A_251 : memref<128x16xf32, #tpu.memory_space<vmem>>)
      %dma_wait3A_258 = arith.constant 0 : i32
      %dma_wait3A_259 = arith.constant 0 : i32
      %dma_wait3A_260 = arith.constant 0 : i32
      %dma_wait3A_261 = tpu.memref_slice %arg11[%dma_wait3A_258, %dma_wait3A_259, %dma_wait3A_260] : memref<8x128x16xf32, #tpu.memory_space<vmem>> -> memref<1x128x16xf32, #tpu.memory_space<vmem>>
      %dma_wait3A_262 = tpu.memref_squeeze %dma_wait3A_261 : memref<1x128x16xf32, #tpu.memory_space<vmem>> -> memref<128x16xf32, #tpu.memory_space<vmem>>
      %dma_wait3A_263 = arith.constant 0 : i32
      %dma_wait3A_264 = tpu.memref_slice %arg9[%add3A_26, %dma_wait3A_263] : memref<64x128xi32, #tpu.memory_space<vmem>> -> memref<1x128xi32, #tpu.memory_space<vmem>>
      %dma_wait3A_265 = tpu.memref_squeeze %dma_wait3A_264 : memref<1x128xi32, #tpu.memory_space<vmem>> -> memref<128xi32, #tpu.memory_space<vmem>>
      %dma_wait3A_266 = arith.constant 0 : i32
      %dma_wait3A_267 = arith.constant 0 : i32
      %dma_wait3A_268 = tpu.memref_slice %arg5[%dma_wait3A_266, %dma_wait3A_267] : memref<16384x16xf32, #tpu.memory_space<hbm>> -> memref<16384x16xf32, #tpu.memory_space<hbm>>
      tpu.wait_indirect_dma semaphore(%arg12 : memref<!tpu.dma_semaphore, #tpu.memory_space<semaphore_mem>>) src(%dma_wait3A_268 : memref<16384x16xf32, #tpu.memory_space<hbm>>) dst(%dma_wait3A_262 : memref<128x16xf32, #tpu.memory_space<vmem>>)
      %dma_wait3A_269 = arith.constant 1 : i32
      %dma_wait3A_270 = arith.constant 0 : i32
      %dma_wait3A_271 = arith.constant 0 : i32
      %dma_wait3A_272 = tpu.memref_slice %arg10[%dma_wait3A_269, %dma_wait3A_270, %dma_wait3A_271] : memref<8x128x16xf32, #tpu.memory_space<vmem>> -> memref<1x128x16xf32, #tpu.memory_space<vmem>>
      %dma_wait3A_273 = tpu.memref_squeeze %dma_wait3A_272 : memref<1x128x16xf32, #tpu.memory_space<vmem>> -> memref<128x16xf32, #tpu.memory_space<vmem>>
      %dma_wait3A_274 = arith.constant 0 : i32
      %dma_wait3A_275 = tpu.memref_slice %arg8[%add3A_41, %dma_wait3A_274] : memref<64x128xi32, #tpu.memory_space<vmem>> -> memref<1x128xi32, #tpu.memory_space<vmem>>
      %dma_wait3A_276 = tpu.memref_squeeze %dma_wait3A_275 : memref<1x128xi32, #tpu.memory_space<vmem>> -> memref<128xi32, #tpu.memory_space<vmem>>
      %dma_wait3A_277 = arith.constant 0 : i32
      %dma_wait3A_278 = arith.constant 0 : i32
      %dma_wait3A_279 = tpu.memref_slice %arg4[%dma_wait3A_277, %dma_wait3A_278] : memref<16384x16xf32, #tpu.memory_space<hbm>> -> memref<16384x16xf32, #tpu.memory_space<hbm>>
      tpu.wait_indirect_dma semaphore(%arg12 : memref<!tpu.dma_semaphore, #tpu.memory_space<semaphore_mem>>) src(%dma_wait3A_279 : memref<16384x16xf32, #tpu.memory_space<hbm>>) dst(%dma_wait3A_273 : memref<128x16xf32, #tpu.memory_space<vmem>>)
      %dma_wait3A_280 = arith.constant 1 : i32
      %dma_wait3A_281 = arith.constant 0 : i32
      %dma_wait3A_282 = arith.constant 0 : i32
      %dma_wait3A_283 = tpu.memref_slice %arg11[%dma_wait3A_280, %dma_wait3A_281, %dma_wait3A_282] : memref<8x128x16xf32, #tpu.memory_space<vmem>> -> memref<1x128x16xf32, #tpu.memory_space<vmem>>
      %dma_wait3A_284 = tpu.memref_squeeze %dma_wait3A_283 : memref<1x128x16xf32, #tpu.memory_space<vmem>> -> memref<128x16xf32, #tpu.memory_space<vmem>>
      %dma_wait3A_285 = arith.constant 0 : i32
      %dma_wait3A_286 = tpu.memref_slice %arg9[%add3A_56, %dma_wait3A_285] : memref<64x128xi32, #tpu.memory_space<vmem>> -> memref<1x128xi32, #tpu.memory_space<vmem>>
      %dma_wait3A_287 = tpu.memref_squeeze %dma_wait3A_286 : memref<1x128xi32, #tpu.memory_space<vmem>> -> memref<128xi32, #tpu.memory_space<vmem>>
      %dma_wait3A_288 = arith.constant 0 : i32
      %dma_wait3A_289 = arith.constant 0 : i32
      %dma_wait3A_290 = tpu.memref_slice %arg5[%dma_wait3A_288, %dma_wait3A_289] : memref<16384x16xf32, #tpu.memory_space<hbm>> -> memref<16384x16xf32, #tpu.memory_space<hbm>>
      tpu.wait_indirect_dma semaphore(%arg12 : memref<!tpu.dma_semaphore, #tpu.memory_space<semaphore_mem>>) src(%dma_wait3A_290 : memref<16384x16xf32, #tpu.memory_space<hbm>>) dst(%dma_wait3A_284 : memref<128x16xf32, #tpu.memory_space<vmem>>)
      %dma_wait3A_291 = arith.constant 2 : i32
      %dma_wait3A_292 = arith.constant 0 : i32
      %dma_wait3A_293 = arith.constant 0 : i32
      %dma_wait3A_294 = tpu.memref_slice %arg10[%dma_wait3A_291, %dma_wait3A_292, %dma_wait3A_293] : memref<8x128x16xf32, #tpu.memory_space<vmem>> -> memref<1x128x16xf32, #tpu.memory_space<vmem>>
      %dma_wait3A_295 = tpu.memref_squeeze %dma_wait3A_294 : memref<1x128x16xf32, #tpu.memory_space<vmem>> -> memref<128x16xf32, #tpu.memory_space<vmem>>
      %dma_wait3A_296 = arith.constant 0 : i32
      %dma_wait3A_297 = tpu.memref_slice %arg8[%add3A_71, %dma_wait3A_296] : memref<64x128xi32, #tpu.memory_space<vmem>> -> memref<1x128xi32, #tpu.memory_space<vmem>>
      %dma_wait3A_298 = tpu.memref_squeeze %dma_wait3A_297 : memref<1x128xi32, #tpu.memory_space<vmem>> -> memref<128xi32, #tpu.memory_space<vmem>>
      %dma_wait3A_299 = arith.constant 0 : i32
      %dma_wait3A_300 = arith.constant 0 : i32
      %dma_wait3A_301 = tpu.memref_slice %arg4[%dma_wait3A_299, %dma_wait3A_300] : memref<16384x16xf32, #tpu.memory_space<hbm>> -> memref<16384x16xf32, #tpu.memory_space<hbm>>
      tpu.wait_indirect_dma semaphore(%arg12 : memref<!tpu.dma_semaphore, #tpu.memory_space<semaphore_mem>>) src(%dma_wait3A_301 : memref<16384x16xf32, #tpu.memory_space<hbm>>) dst(%dma_wait3A_295 : memref<128x16xf32, #tpu.memory_space<vmem>>)
      %dma_wait3A_302 = arith.constant 2 : i32
      %dma_wait3A_303 = arith.constant 0 : i32
      %dma_wait3A_304 = arith.constant 0 : i32
      %dma_wait3A_305 = tpu.memref_slice %arg11[%dma_wait3A_302, %dma_wait3A_303, %dma_wait3A_304] : memref<8x128x16xf32, #tpu.memory_space<vmem>> -> memref<1x128x16xf32, #tpu.memory_space<vmem>>
      %dma_wait3A_306 = tpu.memref_squeeze %dma_wait3A_305 : memref<1x128x16xf32, #tpu.memory_space<vmem>> -> memref<128x16xf32, #tpu.memory_space<vmem>>
      %dma_wait3A_307 = arith.constant 0 : i32
      %dma_wait3A_308 = tpu.memref_slice %arg9[%add3A_86, %dma_wait3A_307] : memref<64x128xi32, #tpu.memory_space<vmem>> -> memref<1x128xi32, #tpu.memory_space<vmem>>
      %dma_wait3A_309 = tpu.memref_squeeze %dma_wait3A_308 : memref<1x128xi32, #tpu.memory_space<vmem>> -> memref<128xi32, #tpu.memory_space<vmem>>
      %dma_wait3A_310 = arith.constant 0 : i32
      %dma_wait3A_311 = arith.constant 0 : i32
      %dma_wait3A_312 = tpu.memref_slice %arg5[%dma_wait3A_310, %dma_wait3A_311] : memref<16384x16xf32, #tpu.memory_space<hbm>> -> memref<16384x16xf32, #tpu.memory_space<hbm>>
      tpu.wait_indirect_dma semaphore(%arg12 : memref<!tpu.dma_semaphore, #tpu.memory_space<semaphore_mem>>) src(%dma_wait3A_312 : memref<16384x16xf32, #tpu.memory_space<hbm>>) dst(%dma_wait3A_306 : memref<128x16xf32, #tpu.memory_space<vmem>>)
      %dma_wait3A_313 = arith.constant 3 : i32
      %dma_wait3A_314 = arith.constant 0 : i32
      %dma_wait3A_315 = arith.constant 0 : i32
      %dma_wait3A_316 = tpu.memref_slice %arg10[%dma_wait3A_313, %dma_wait3A_314, %dma_wait3A_315] : memref<8x128x16xf32, #tpu.memory_space<vmem>> -> memref<1x128x16xf32, #tpu.memory_space<vmem>>
      %dma_wait3A_317 = tpu.memref_squeeze %dma_wait3A_316 : memref<1x128x16xf32, #tpu.memory_space<vmem>> -> memref<128x16xf32, #tpu.memory_space<vmem>>
      %dma_wait3A_318 = arith.constant 0 : i32
      %dma_wait3A_319 = tpu.memref_slice %arg8[%add3A_101, %dma_wait3A_318] : memref<64x128xi32, #tpu.memory_space<vmem>> -> memref<1x128xi32, #tpu.memory_space<vmem>>
      %dma_wait3A_320 = tpu.memref_squeeze %dma_wait3A_319 : memref<1x128xi32, #tpu.memory_space<vmem>> -> memref<128xi32, #tpu.memory_space<vmem>>
      %dma_wait3A_321 = arith.constant 0 : i32
      %dma_wait3A_322 = arith.constant 0 : i32
      %dma_wait3A_323 = tpu.memref_slice %arg4[%dma_wait3A_321, %dma_wait3A_322] : memref<16384x16xf32, #tpu.memory_space<hbm>> -> memref<16384x16xf32, #tpu.memory_space<hbm>>
      tpu.wait_indirect_dma semaphore(%arg12 : memref<!tpu.dma_semaphore, #tpu.memory_space<semaphore_mem>>) src(%dma_wait3A_323 : memref<16384x16xf32, #tpu.memory_space<hbm>>) dst(%dma_wait3A_317 : memref<128x16xf32, #tpu.memory_space<vmem>>)
      %dma_wait3A_324 = arith.constant 3 : i32
      %dma_wait3A_325 = arith.constant 0 : i32
      %dma_wait3A_326 = arith.constant 0 : i32
      %dma_wait3A_327 = tpu.memref_slice %arg11[%dma_wait3A_324, %dma_wait3A_325, %dma_wait3A_326] : memref<8x128x16xf32, #tpu.memory_space<vmem>> -> memref<1x128x16xf32, #tpu.memory_space<vmem>>
      %dma_wait3A_328 = tpu.memref_squeeze %dma_wait3A_327 : memref<1x128x16xf32, #tpu.memory_space<vmem>> -> memref<128x16xf32, #tpu.memory_space<vmem>>
      %dma_wait3A_329 = arith.constant 0 : i32
      %dma_wait3A_330 = tpu.memref_slice %arg9[%add3A_116, %dma_wait3A_329] : memref<64x128xi32, #tpu.memory_space<vmem>> -> memref<1x128xi32, #tpu.memory_space<vmem>>
      %dma_wait3A_331 = tpu.memref_squeeze %dma_wait3A_330 : memref<1x128xi32, #tpu.memory_space<vmem>> -> memref<128xi32, #tpu.memory_space<vmem>>
      %dma_wait3A_332 = arith.constant 0 : i32
      %dma_wait3A_333 = arith.constant 0 : i32
      %dma_wait3A_334 = tpu.memref_slice %arg5[%dma_wait3A_332, %dma_wait3A_333] : memref<16384x16xf32, #tpu.memory_space<hbm>> -> memref<16384x16xf32, #tpu.memory_space<hbm>>
      tpu.wait_indirect_dma semaphore(%arg12 : memref<!tpu.dma_semaphore, #tpu.memory_space<semaphore_mem>>) src(%dma_wait3A_334 : memref<16384x16xf32, #tpu.memory_space<hbm>>) dst(%dma_wait3A_328 : memref<128x16xf32, #tpu.memory_space<vmem>>)
      %dma_wait3A_335 = arith.constant 4 : i32
      %dma_wait3A_336 = arith.constant 0 : i32
      %dma_wait3A_337 = arith.constant 0 : i32
      %dma_wait3A_338 = tpu.memref_slice %arg10[%dma_wait3A_335, %dma_wait3A_336, %dma_wait3A_337] : memref<8x128x16xf32, #tpu.memory_space<vmem>> -> memref<1x128x16xf32, #tpu.memory_space<vmem>>
      %dma_wait3A_339 = tpu.memref_squeeze %dma_wait3A_338 : memref<1x128x16xf32, #tpu.memory_space<vmem>> -> memref<128x16xf32, #tpu.memory_space<vmem>>
      %dma_wait3A_340 = arith.constant 0 : i32
      %dma_wait3A_341 = tpu.memref_slice %arg8[%add3A_131, %dma_wait3A_340] : memref<64x128xi32, #tpu.memory_space<vmem>> -> memref<1x128xi32, #tpu.memory_space<vmem>>
      %dma_wait3A_342 = tpu.memref_squeeze %dma_wait3A_341 : memref<1x128xi32, #tpu.memory_space<vmem>> -> memref<128xi32, #tpu.memory_space<vmem>>
      %dma_wait3A_343 = arith.constant 0 : i32
      %dma_wait3A_344 = arith.constant 0 : i32
      %dma_wait3A_345 = tpu.memref_slice %arg4[%dma_wait3A_343, %dma_wait3A_344] : memref<16384x16xf32, #tpu.memory_space<hbm>> -> memref<16384x16xf32, #tpu.memory_space<hbm>>
      tpu.wait_indirect_dma semaphore(%arg12 : memref<!tpu.dma_semaphore, #tpu.memory_space<semaphore_mem>>) src(%dma_wait3A_345 : memref<16384x16xf32, #tpu.memory_space<hbm>>) dst(%dma_wait3A_339 : memref<128x16xf32, #tpu.memory_space<vmem>>)
      %dma_wait3A_346 = arith.constant 4 : i32
      %dma_wait3A_347 = arith.constant 0 : i32
      %dma_wait3A_348 = arith.constant 0 : i32
      %dma_wait3A_349 = tpu.memref_slice %arg11[%dma_wait3A_346, %dma_wait3A_347, %dma_wait3A_348] : memref<8x128x16xf32, #tpu.memory_space<vmem>> -> memref<1x128x16xf32, #tpu.memory_space<vmem>>
      %dma_wait3A_350 = tpu.memref_squeeze %dma_wait3A_349 : memref<1x128x16xf32, #tpu.memory_space<vmem>> -> memref<128x16xf32, #tpu.memory_space<vmem>>
      %dma_wait3A_351 = arith.constant 0 : i32
      %dma_wait3A_352 = tpu.memref_slice %arg9[%add3A_146, %dma_wait3A_351] : memref<64x128xi32, #tpu.memory_space<vmem>> -> memref<1x128xi32, #tpu.memory_space<vmem>>
      %dma_wait3A_353 = tpu.memref_squeeze %dma_wait3A_352 : memref<1x128xi32, #tpu.memory_space<vmem>> -> memref<128xi32, #tpu.memory_space<vmem>>
      %dma_wait3A_354 = arith.constant 0 : i32
      %dma_wait3A_355 = arith.constant 0 : i32
      %dma_wait3A_356 = tpu.memref_slice %arg5[%dma_wait3A_354, %dma_wait3A_355] : memref<16384x16xf32, #tpu.memory_space<hbm>> -> memref<16384x16xf32, #tpu.memory_space<hbm>>
      tpu.wait_indirect_dma semaphore(%arg12 : memref<!tpu.dma_semaphore, #tpu.memory_space<semaphore_mem>>) src(%dma_wait3A_356 : memref<16384x16xf32, #tpu.memory_space<hbm>>) dst(%dma_wait3A_350 : memref<128x16xf32, #tpu.memory_space<vmem>>)
      %dma_wait3A_357 = arith.constant 5 : i32
      %dma_wait3A_358 = arith.constant 0 : i32
      %dma_wait3A_359 = arith.constant 0 : i32
      %dma_wait3A_360 = tpu.memref_slice %arg10[%dma_wait3A_357, %dma_wait3A_358, %dma_wait3A_359] : memref<8x128x16xf32, #tpu.memory_space<vmem>> -> memref<1x128x16xf32, #tpu.memory_space<vmem>>
      %dma_wait3A_361 = tpu.memref_squeeze %dma_wait3A_360 : memref<1x128x16xf32, #tpu.memory_space<vmem>> -> memref<128x16xf32, #tpu.memory_space<vmem>>
      %dma_wait3A_362 = arith.constant 0 : i32
      %dma_wait3A_363 = tpu.memref_slice %arg8[%add3A_161, %dma_wait3A_362] : memref<64x128xi32, #tpu.memory_space<vmem>> -> memref<1x128xi32, #tpu.memory_space<vmem>>
      %dma_wait3A_364 = tpu.memref_squeeze %dma_wait3A_363 : memref<1x128xi32, #tpu.memory_space<vmem>> -> memref<128xi32, #tpu.memory_space<vmem>>
      %dma_wait3A_365 = arith.constant 0 : i32
      %dma_wait3A_366 = arith.constant 0 : i32
      %dma_wait3A_367 = tpu.memref_slice %arg4[%dma_wait3A_365, %dma_wait3A_366] : memref<16384x16xf32, #tpu.memory_space<hbm>> -> memref<16384x16xf32, #tpu.memory_space<hbm>>
      tpu.wait_indirect_dma semaphore(%arg12 : memref<!tpu.dma_semaphore, #tpu.memory_space<semaphore_mem>>) src(%dma_wait3A_367 : memref<16384x16xf32, #tpu.memory_space<hbm>>) dst(%dma_wait3A_361 : memref<128x16xf32, #tpu.memory_space<vmem>>)
      %dma_wait3A_368 = arith.constant 5 : i32
      %dma_wait3A_369 = arith.constant 0 : i32
      %dma_wait3A_370 = arith.constant 0 : i32
      %dma_wait3A_371 = tpu.memref_slice %arg11[%dma_wait3A_368, %dma_wait3A_369, %dma_wait3A_370] : memref<8x128x16xf32, #tpu.memory_space<vmem>> -> memref<1x128x16xf32, #tpu.memory_space<vmem>>
      %dma_wait3A_372 = tpu.memref_squeeze %dma_wait3A_371 : memref<1x128x16xf32, #tpu.memory_space<vmem>> -> memref<128x16xf32, #tpu.memory_space<vmem>>
      %dma_wait3A_373 = arith.constant 0 : i32
      %dma_wait3A_374 = tpu.memref_slice %arg9[%add3A_176, %dma_wait3A_373] : memref<64x128xi32, #tpu.memory_space<vmem>> -> memref<1x128xi32, #tpu.memory_space<vmem>>
      %dma_wait3A_375 = tpu.memref_squeeze %dma_wait3A_374 : memref<1x128xi32, #tpu.memory_space<vmem>> -> memref<128xi32, #tpu.memory_space<vmem>>
      %dma_wait3A_376 = arith.constant 0 : i32
      %dma_wait3A_377 = arith.constant 0 : i32
      %dma_wait3A_378 = tpu.memref_slice %arg5[%dma_wait3A_376, %dma_wait3A_377] : memref<16384x16xf32, #tpu.memory_space<hbm>> -> memref<16384x16xf32, #tpu.memory_space<hbm>>
      tpu.wait_indirect_dma semaphore(%arg12 : memref<!tpu.dma_semaphore, #tpu.memory_space<semaphore_mem>>) src(%dma_wait3A_378 : memref<16384x16xf32, #tpu.memory_space<hbm>>) dst(%dma_wait3A_372 : memref<128x16xf32, #tpu.memory_space<vmem>>)
      %dma_wait3A_379 = arith.constant 6 : i32
      %dma_wait3A_380 = arith.constant 0 : i32
      %dma_wait3A_381 = arith.constant 0 : i32
      %dma_wait3A_382 = tpu.memref_slice %arg10[%dma_wait3A_379, %dma_wait3A_380, %dma_wait3A_381] : memref<8x128x16xf32, #tpu.memory_space<vmem>> -> memref<1x128x16xf32, #tpu.memory_space<vmem>>
      %dma_wait3A_383 = tpu.memref_squeeze %dma_wait3A_382 : memref<1x128x16xf32, #tpu.memory_space<vmem>> -> memref<128x16xf32, #tpu.memory_space<vmem>>
      %dma_wait3A_384 = arith.constant 0 : i32
      %dma_wait3A_385 = tpu.memref_slice %arg8[%add3A_191, %dma_wait3A_384] : memref<64x128xi32, #tpu.memory_space<vmem>> -> memref<1x128xi32, #tpu.memory_space<vmem>>
      %dma_wait3A_386 = tpu.memref_squeeze %dma_wait3A_385 : memref<1x128xi32, #tpu.memory_space<vmem>> -> memref<128xi32, #tpu.memory_space<vmem>>
      %dma_wait3A_387 = arith.constant 0 : i32
      %dma_wait3A_388 = arith.constant 0 : i32
      %dma_wait3A_389 = tpu.memref_slice %arg4[%dma_wait3A_387, %dma_wait3A_388] : memref<16384x16xf32, #tpu.memory_space<hbm>> -> memref<16384x16xf32, #tpu.memory_space<hbm>>
      tpu.wait_indirect_dma semaphore(%arg12 : memref<!tpu.dma_semaphore, #tpu.memory_space<semaphore_mem>>) src(%dma_wait3A_389 : memref<16384x16xf32, #tpu.memory_space<hbm>>) dst(%dma_wait3A_383 : memref<128x16xf32, #tpu.memory_space<vmem>>)
      %dma_wait3A_390 = arith.constant 6 : i32
      %dma_wait3A_391 = arith.constant 0 : i32
      %dma_wait3A_392 = arith.constant 0 : i32
      %dma_wait3A_393 = tpu.memref_slice %arg11[%dma_wait3A_390, %dma_wait3A_391, %dma_wait3A_392] : memref<8x128x16xf32, #tpu.memory_space<vmem>> -> memref<1x128x16xf32, #tpu.memory_space<vmem>>
      %dma_wait3A_394 = tpu.memref_squeeze %dma_wait3A_393 : memref<1x128x16xf32, #tpu.memory_space<vmem>> -> memref<128x16xf32, #tpu.memory_space<vmem>>
      %dma_wait3A_395 = arith.constant 0 : i32
      %dma_wait3A_396 = tpu.memref_slice %arg9[%add3A_206, %dma_wait3A_395] : memref<64x128xi32, #tpu.memory_space<vmem>> -> memref<1x128xi32, #tpu.memory_space<vmem>>
      %dma_wait3A_397 = tpu.memref_squeeze %dma_wait3A_396 : memref<1x128xi32, #tpu.memory_space<vmem>> -> memref<128xi32, #tpu.memory_space<vmem>>
      %dma_wait3A_398 = arith.constant 0 : i32
      %dma_wait3A_399 = arith.constant 0 : i32
      %dma_wait3A_400 = tpu.memref_slice %arg5[%dma_wait3A_398, %dma_wait3A_399] : memref<16384x16xf32, #tpu.memory_space<hbm>> -> memref<16384x16xf32, #tpu.memory_space<hbm>>
      tpu.wait_indirect_dma semaphore(%arg12 : memref<!tpu.dma_semaphore, #tpu.memory_space<semaphore_mem>>) src(%dma_wait3A_400 : memref<16384x16xf32, #tpu.memory_space<hbm>>) dst(%dma_wait3A_394 : memref<128x16xf32, #tpu.memory_space<vmem>>)
      %dma_wait3A_401 = arith.constant 7 : i32
      %dma_wait3A_402 = arith.constant 0 : i32
      %dma_wait3A_403 = arith.constant 0 : i32
      %dma_wait3A_404 = tpu.memref_slice %arg10[%dma_wait3A_401, %dma_wait3A_402, %dma_wait3A_403] : memref<8x128x16xf32, #tpu.memory_space<vmem>> -> memref<1x128x16xf32, #tpu.memory_space<vmem>>
      %dma_wait3A_405 = tpu.memref_squeeze %dma_wait3A_404 : memref<1x128x16xf32, #tpu.memory_space<vmem>> -> memref<128x16xf32, #tpu.memory_space<vmem>>
      %dma_wait3A_406 = arith.constant 0 : i32
      %dma_wait3A_407 = tpu.memref_slice %arg8[%add3A_221, %dma_wait3A_406] : memref<64x128xi32, #tpu.memory_space<vmem>> -> memref<1x128xi32, #tpu.memory_space<vmem>>
      %dma_wait3A_408 = tpu.memref_squeeze %dma_wait3A_407 : memref<1x128xi32, #tpu.memory_space<vmem>> -> memref<128xi32, #tpu.memory_space<vmem>>
      %dma_wait3A_409 = arith.constant 0 : i32
      %dma_wait3A_410 = arith.constant 0 : i32
      %dma_wait3A_411 = tpu.memref_slice %arg4[%dma_wait3A_409, %dma_wait3A_410] : memref<16384x16xf32, #tpu.memory_space<hbm>> -> memref<16384x16xf32, #tpu.memory_space<hbm>>
      tpu.wait_indirect_dma semaphore(%arg12 : memref<!tpu.dma_semaphore, #tpu.memory_space<semaphore_mem>>) src(%dma_wait3A_411 : memref<16384x16xf32, #tpu.memory_space<hbm>>) dst(%dma_wait3A_405 : memref<128x16xf32, #tpu.memory_space<vmem>>)
      %dma_wait3A_412 = arith.constant 7 : i32
      %dma_wait3A_413 = arith.constant 0 : i32
      %dma_wait3A_414 = arith.constant 0 : i32
      %dma_wait3A_415 = tpu.memref_slice %arg11[%dma_wait3A_412, %dma_wait3A_413, %dma_wait3A_414] : memref<8x128x16xf32, #tpu.memory_space<vmem>> -> memref<1x128x16xf32, #tpu.memory_space<vmem>>
      %dma_wait3A_416 = tpu.memref_squeeze %dma_wait3A_415 : memref<1x128x16xf32, #tpu.memory_space<vmem>> -> memref<128x16xf32, #tpu.memory_space<vmem>>
      %dma_wait3A_417 = arith.constant 0 : i32
      %dma_wait3A_418 = tpu.memref_slice %arg9[%add3A_236, %dma_wait3A_417] : memref<64x128xi32, #tpu.memory_space<vmem>> -> memref<1x128xi32, #tpu.memory_space<vmem>>
      %dma_wait3A_419 = tpu.memref_squeeze %dma_wait3A_418 : memref<1x128xi32, #tpu.memory_space<vmem>> -> memref<128xi32, #tpu.memory_space<vmem>>
      %dma_wait3A_420 = arith.constant 0 : i32
      %dma_wait3A_421 = arith.constant 0 : i32
      %dma_wait3A_422 = tpu.memref_slice %arg5[%dma_wait3A_420, %dma_wait3A_421] : memref<16384x16xf32, #tpu.memory_space<hbm>> -> memref<16384x16xf32, #tpu.memory_space<hbm>>
      tpu.wait_indirect_dma semaphore(%arg12 : memref<!tpu.dma_semaphore, #tpu.memory_space<semaphore_mem>>) src(%dma_wait3A_422 : memref<16384x16xf32, #tpu.memory_space<hbm>>) dst(%dma_wait3A_416 : memref<128x16xf32, #tpu.memory_space<vmem>>)
      %mul3A_423 = arith.constant 8 : i32
      %mul3A_424 = arith.muli %scan3A_8, %mul3A_423 : i32
      %add3A_425 = arith.addi %mul3A_2, %mul3A_424 : i32
      "tpu.region"() ({
        %run_scoped3A = tpu.sem_alloc : memref<!tpu.dma_semaphore, #tpu.memory_space<semaphore_mem>>
        %dma_start3A_429 = arith.constant 0 : i32
        %dma_start3A_430 = arith.constant 0 : i32
        %dma_start3A_431 = tpu.memref_slice %arg6[%add3A_425, %dma_start3A_429, %dma_start3A_430] : memref<2048x128x16xf32, #tpu.memory_space<hbm>> -> memref<8x128x16xf32, #tpu.memory_space<hbm>>
        %dma_start3A_432 = arith.constant 0 : i32
        %dma_start3A_433 = arith.constant 0 : i32
        %dma_start3A_434 = tpu.memref_slice %arg6[%add3A_425, %dma_start3A_432, %dma_start3A_433] : memref<2048x128x16xf32, #tpu.memory_space<hbm>> -> memref<8x128x16xf32, #tpu.memory_space<hbm>>
        tpu.enqueue_dma source(%arg10 : memref<8x128x16xf32, #tpu.memory_space<vmem>>) target(%dma_start3A_434 : memref<8x128x16xf32, #tpu.memory_space<hbm>>) target_semaphore(%run_scoped3A : memref<!tpu.dma_semaphore, #tpu.memory_space<semaphore_mem>>)
        %dma_wait3A_435 = arith.constant 0 : i32
        %dma_wait3A_436 = arith.constant 0 : i32
        %dma_wait3A_437 = tpu.memref_slice %arg6[%add3A_425, %dma_wait3A_435, %dma_wait3A_436] : memref<2048x128x16xf32, #tpu.memory_space<hbm>> -> memref<8x128x16xf32, #tpu.memory_space<hbm>>
        %dma_wait3A_438 = arith.constant 0 : i32
        %dma_wait3A_439 = arith.constant 0 : i32
        %dma_wait3A_440 = tpu.memref_slice %arg6[%add3A_425, %dma_wait3A_438, %dma_wait3A_439] : memref<2048x128x16xf32, #tpu.memory_space<hbm>> -> memref<8x128x16xf32, #tpu.memory_space<hbm>>
        tpu.wait_dma2 semaphore(%run_scoped3A : memref<!tpu.dma_semaphore, #tpu.memory_space<semaphore_mem>>) src(%arg10 : memref<8x128x16xf32, #tpu.memory_space<vmem>>) dst(%dma_wait3A_440 : memref<8x128x16xf32, #tpu.memory_space<hbm>>)
        tpu.yield
      }) : () -> ()
      %mul3A_426 = arith.constant 8 : i32
      %mul3A_427 = arith.muli %scan3A_8, %mul3A_426 : i32
      %add3A_428 = arith.addi %mul3A_2, %mul3A_427 : i32
      "tpu.region"() ({
        %run_scoped3A = tpu.sem_alloc : memref<!tpu.dma_semaphore, #tpu.memory_space<semaphore_mem>>
        %dma_start3A_429 = arith.constant 0 : i32
        %dma_start3A_430 = arith.constant 0 : i32
        %dma_start3A_431 = tpu.memref_slice %arg7[%add3A_428, %dma_start3A_429, %dma_start3A_430] : memref<2048x128x16xf32, #tpu.memory_space<hbm>> -> memref<8x128x16xf32, #tpu.memory_space<hbm>>
        %dma_start3A_432 = arith.constant 0 : i32
        %dma_start3A_433 = arith.constant 0 : i32
        %dma_start3A_434 = tpu.memref_slice %arg7[%add3A_428, %dma_start3A_432, %dma_start3A_433] : memref<2048x128x16xf32, #tpu.memory_space<hbm>> -> memref<8x128x16xf32, #tpu.memory_space<hbm>>
        tpu.enqueue_dma source(%arg11 : memref<8x128x16xf32, #tpu.memory_space<vmem>>) target(%dma_start3A_434 : memref<8x128x16xf32, #tpu.memory_space<hbm>>) target_semaphore(%run_scoped3A : memref<!tpu.dma_semaphore, #tpu.memory_space<semaphore_mem>>)
        %dma_wait3A_435 = arith.constant 0 : i32
        %dma_wait3A_436 = arith.constant 0 : i32
        %dma_wait3A_437 = tpu.memref_slice %arg7[%add3A_428, %dma_wait3A_435, %dma_wait3A_436] : memref<2048x128x16xf32, #tpu.memory_space<hbm>> -> memref<8x128x16xf32, #tpu.memory_space<hbm>>
        %dma_wait3A_438 = arith.constant 0 : i32
        %dma_wait3A_439 = arith.constant 0 : i32
        %dma_wait3A_440 = tpu.memref_slice %arg7[%add3A_428, %dma_wait3A_438, %dma_wait3A_439] : memref<2048x128x16xf32, #tpu.memory_space<hbm>> -> memref<8x128x16xf32, #tpu.memory_space<hbm>>
        tpu.wait_dma2 semaphore(%run_scoped3A : memref<!tpu.dma_semaphore, #tpu.memory_space<semaphore_mem>>) src(%arg11 : memref<8x128x16xf32, #tpu.memory_space<vmem>>) dst(%dma_wait3A_440 : memref<8x128x16xf32, #tpu.memory_space<hbm>>)
        tpu.yield
      }) : () -> ()
    }
    %scan3A_7 = arith.constant 8 : i32
    return
  }
}

#map = affine_map<(d0, d1) -> (0, 0)>
module attributes {stable_mosaic.version = 14 : i64} {
  func.func @_tok_body(%arg0: i32, %arg1: i32, %arg2: memref<65536x16xf32, #tpu.memory_space<hbm>>, %arg3: memref<65536x64xf32, #tpu.memory_space<hbm>>, %arg4: memref<1024x128xi32, #tpu.memory_space<hbm>>, %arg5: memref<16384x64xf32, #tpu.memory_space<hbm>>, %arg6: memref<32x128xi32, #tpu.memory_space<vmem>>, %arg7: memref<8x128x16xf32, #tpu.memory_space<vmem>>, %arg8: memref<8x128x64xf32, #tpu.memory_space<vmem>>, %arg9: memref<128x64xf32, #tpu.memory_space<vmem>>, %arg10: memref<!tpu.dma_semaphore, #tpu.memory_space<semaphore_mem>>) attributes {dimension_semantics = [#tpu.dimension_semantics<core_parallel>, #tpu.dimension_semantics<subcore_parallel>], iteration_bounds = array<i64: 2, 16>, scalar_prefetch = 0 : i64, scratch_operands = 5 : i64, tpu.core_type = #tpu.core_type<sc_vector_subcore>, window_params = [{transform_indices = #map}, {transform_indices = #map}, {transform_indices = #map}, {transform_indices = #map}]} {
    %mul3A = arith.constant 2 : i32
    %mul3A_0 = arith.muli %arg1, %mul3A : i32
    %add3A = arith.addi %mul3A_0, %arg0 : i32
    %jit3A = arith.constant 8 : i32
    %div3A = arith.divsi %add3A, %jit3A : i32
    %sign3A = arith.constant 0 : i32
    %sign3A_1 = arith.cmpi sgt, %add3A, %sign3A : i32
    %sign3A_2 = arith.extui %sign3A_1 : i1 to i32
    %sign3A_3 = arith.constant 0 : i32
    %sign3A_4 = arith.cmpi slt, %add3A, %sign3A_3 : i32
    %sign3A_5 = arith.extui %sign3A_4 : i1 to i32
    %sign3A_6 = arith.subi %sign3A_2, %sign3A_5 : i32
    %sign3A_7 = arith.constant 0 : i32
    %sign3A_8 = arith.cmpi sgt, %jit3A, %sign3A_7 : i32
    %sign3A_9 = arith.extui %sign3A_8 : i1 to i32
    %sign3A_10 = arith.constant 0 : i32
    %sign3A_11 = arith.cmpi slt, %jit3A, %sign3A_10 : i32
    %sign3A_12 = arith.extui %sign3A_11 : i1 to i32
    %sign3A_13 = arith.subi %sign3A_9, %sign3A_12 : i32
    %ne3A = arith.cmpi ne, %sign3A_6, %sign3A_13 : i32
    %rem3A = arith.remsi %add3A, %jit3A : i32
    %ne3A_14 = arith.constant 0 : i32
    %ne3A_15 = arith.cmpi ne, %rem3A, %ne3A_14 : i32
    %and3A = arith.andi %ne3A, %ne3A_15 : i1
    %sub3A = arith.constant 1 : i32
    %sub3A_16 = arith.subi %div3A, %sub3A : i32
    %select_n3A = arith.select %and3A, %sub3A_16, %div3A : i32
    %jit3A_17 = arith.constant 2 : i32
    %div3A_18 = arith.divsi %select_n3A, %jit3A_17 : i32
    %sign3A_19 = arith.constant 0 : i32
    %sign3A_20 = arith.cmpi sgt, %select_n3A, %sign3A_19 : i32
    %sign3A_21 = arith.extui %sign3A_20 : i1 to i32
    %sign3A_22 = arith.constant 0 : i32
    %sign3A_23 = arith.cmpi slt, %select_n3A, %sign3A_22 : i32
    %sign3A_24 = arith.extui %sign3A_23 : i1 to i32
    %sign3A_25 = arith.subi %sign3A_21, %sign3A_24 : i32
    %sign3A_26 = arith.constant 0 : i32
    %sign3A_27 = arith.cmpi sgt, %jit3A_17, %sign3A_26 : i32
    %sign3A_28 = arith.extui %sign3A_27 : i1 to i32
    %sign3A_29 = arith.constant 0 : i32
    %sign3A_30 = arith.cmpi slt, %jit3A_17, %sign3A_29 : i32
    %sign3A_31 = arith.extui %sign3A_30 : i1 to i32
    %sign3A_32 = arith.subi %sign3A_28, %sign3A_31 : i32
    %ne3A_33 = arith.cmpi ne, %sign3A_25, %sign3A_32 : i32
    %rem3A_34 = arith.remsi %select_n3A, %jit3A_17 : i32
    %ne3A_35 = arith.constant 0 : i32
    %ne3A_36 = arith.cmpi ne, %rem3A_34, %ne3A_35 : i32
    %and3A_37 = arith.andi %ne3A_33, %ne3A_36 : i1
    %sub3A_38 = arith.constant 1 : i32
    %sub3A_39 = arith.subi %div3A_18, %sub3A_38 : i32
    %select_n3A_40 = arith.select %and3A_37, %sub3A_39, %div3A_18 : i32
    %mul3A_41 = arith.constant 32 : i32
    %mul3A_42 = arith.muli %mul3A_41, %select_n3A_40 : i32
    %add3A_43 = arith.addi %mul3A_42, %select_n3A : i32
    %mul3A_44 = arith.constant 8 : i32
    %mul3A_45 = arith.muli %mul3A_44, %select_n3A_40 : i32
    %mul3A_46 = arith.constant 32 : i32
    %mul3A_47 = arith.muli %add3A, %mul3A_46 : i32
    "tpu.region"() ({
      %run_scoped3A = tpu.sem_alloc : memref<!tpu.dma_semaphore, #tpu.memory_space<semaphore_mem>>
      %dma_start3A = arith.constant 0 : i32
      %dma_start3A_53 = tpu.memref_slice %arg4[%mul3A_47, %dma_start3A] : memref<1024x128xi32, #tpu.memory_space<hbm>> -> memref<32x128xi32, #tpu.memory_space<hbm>>
      %dma_start3A_54 = arith.constant 0 : i32
      %dma_start3A_55 = tpu.memref_slice %arg4[%mul3A_47, %dma_start3A_54] : memref<1024x128xi32, #tpu.memory_space<hbm>> -> memref<32x128xi32, #tpu.memory_space<hbm>>
      tpu.enqueue_dma source(%dma_start3A_55 : memref<32x128xi32, #tpu.memory_space<hbm>>) target(%arg6 : memref<32x128xi32, #tpu.memory_space<vmem>>) target_semaphore(%run_scoped3A : memref<!tpu.dma_semaphore, #tpu.memory_space<semaphore_mem>>)
      %dma_wait3A = arith.constant 0 : i32
      %dma_wait3A_56 = tpu.memref_slice %arg4[%mul3A_47, %dma_wait3A] : memref<1024x128xi32, #tpu.memory_space<hbm>> -> memref<32x128xi32, #tpu.memory_space<hbm>>
      %dma_wait3A_57 = arith.constant 0 : i32
      %dma_wait3A_58 = tpu.memref_slice %arg4[%mul3A_47, %dma_wait3A_57] : memref<1024x128xi32, #tpu.memory_space<hbm>> -> memref<32x128xi32, #tpu.memory_space<hbm>>
      tpu.wait_dma2 semaphore(%run_scoped3A : memref<!tpu.dma_semaphore, #tpu.memory_space<semaphore_mem>>) src(%dma_wait3A_58 : memref<32x128xi32, #tpu.memory_space<hbm>>) dst(%arg6 : memref<32x128xi32, #tpu.memory_space<vmem>>)
      tpu.yield
    }) : () -> ()
    %iota3A = tpu.iota {dimensions = array<i32: 0>} : vector<16xi32>
    %scan3A = arith.constant 0 : i32
    %scan3A_48 = arith.constant 0 : i32
    %scan3A_49 = arith.constant 4 : i32
    %scan3A_50 = arith.addi %scan3A_48, %scan3A_49 : i32
    %scan3A_51 = arith.constant 1 : i32
    scf.for %scan3A_53 = %scan3A_48 to %scan3A_50 step %scan3A_51  : i32 {
      %mul3A_54 = arith.constant 8 : i32
      %mul3A_55 = arith.muli %scan3A_53, %mul3A_54 : i32
      %add3A_56 = arith.constant 0 : i32
      %add3A_57 = arith.addi %mul3A_55, %add3A_56 : i32
      %dma_start3A = arith.constant 0 : i32
      %dma_start3A_58 = arith.constant 0 : i32
      %dma_start3A_59 = arith.constant 0 : i32
      %dma_start3A_60 = tpu.memref_slice %arg8[%dma_start3A, %dma_start3A_58, %dma_start3A_59] : memref<8x128x64xf32, #tpu.memory_space<vmem>> -> memref<1x128x64xf32, #tpu.memory_space<vmem>>
      %dma_start3A_61 = tpu.memref_squeeze %dma_start3A_60 : memref<1x128x64xf32, #tpu.memory_space<vmem>> -> memref<128x64xf32, #tpu.memory_space<vmem>>
      %dma_start3A_62 = arith.constant 0 : i32
      %dma_start3A_63 = tpu.memref_slice %arg6[%add3A_57, %dma_start3A_62] : memref<32x128xi32, #tpu.memory_space<vmem>> -> memref<1x128xi32, #tpu.memory_space<vmem>>
      %dma_start3A_64 = tpu.memref_squeeze %dma_start3A_63 : memref<1x128xi32, #tpu.memory_space<vmem>> -> memref<128xi32, #tpu.memory_space<vmem>>
      %dma_start3A_65 = arith.constant 0 : i32
      %dma_start3A_66 = arith.constant 0 : i32
      %dma_start3A_67 = tpu.memref_slice %arg3[%dma_start3A_65, %dma_start3A_66] : memref<65536x64xf32, #tpu.memory_space<hbm>> -> memref<65536x64xf32, #tpu.memory_space<hbm>>
      tpu.enqueue_indirect_dma source(%dma_start3A_67 : memref<65536x64xf32, #tpu.memory_space<hbm>>) target(%dma_start3A_61 : memref<128x64xf32, #tpu.memory_space<vmem>>) offsets(%dma_start3A_64 : memref<128xi32, #tpu.memory_space<vmem>>) semaphore(%arg10 : memref<!tpu.dma_semaphore, #tpu.memory_space<semaphore_mem>>)
      %mul3A_68 = arith.constant 8 : i32
      %mul3A_69 = arith.muli %scan3A_53, %mul3A_68 : i32
      %add3A_70 = arith.constant 0 : i32
      %add3A_71 = arith.addi %mul3A_69, %add3A_70 : i32
      %dma_start3A_72 = arith.constant 0 : i32
      %dma_start3A_73 = arith.constant 0 : i32
      %dma_start3A_74 = arith.constant 0 : i32
      %dma_start3A_75 = tpu.memref_slice %arg7[%dma_start3A_72, %dma_start3A_73, %dma_start3A_74] : memref<8x128x16xf32, #tpu.memory_space<vmem>> -> memref<1x128x16xf32, #tpu.memory_space<vmem>>
      %dma_start3A_76 = tpu.memref_squeeze %dma_start3A_75 : memref<1x128x16xf32, #tpu.memory_space<vmem>> -> memref<128x16xf32, #tpu.memory_space<vmem>>
      %dma_start3A_77 = arith.constant 0 : i32
      %dma_start3A_78 = tpu.memref_slice %arg6[%add3A_71, %dma_start3A_77] : memref<32x128xi32, #tpu.memory_space<vmem>> -> memref<1x128xi32, #tpu.memory_space<vmem>>
      %dma_start3A_79 = tpu.memref_squeeze %dma_start3A_78 : memref<1x128xi32, #tpu.memory_space<vmem>> -> memref<128xi32, #tpu.memory_space<vmem>>
      %dma_start3A_80 = arith.constant 0 : i32
      %dma_start3A_81 = arith.constant 0 : i32
      %dma_start3A_82 = tpu.memref_slice %arg2[%dma_start3A_80, %dma_start3A_81] : memref<65536x16xf32, #tpu.memory_space<hbm>> -> memref<65536x16xf32, #tpu.memory_space<hbm>>
      tpu.enqueue_indirect_dma source(%dma_start3A_82 : memref<65536x16xf32, #tpu.memory_space<hbm>>) target(%dma_start3A_76 : memref<128x16xf32, #tpu.memory_space<vmem>>) offsets(%dma_start3A_79 : memref<128xi32, #tpu.memory_space<vmem>>) semaphore(%arg10 : memref<!tpu.dma_semaphore, #tpu.memory_space<semaphore_mem>>)
      %mul3A_83 = arith.constant 8 : i32
      %mul3A_84 = arith.muli %scan3A_53, %mul3A_83 : i32
      %add3A_85 = arith.constant 1 : i32
      %add3A_86 = arith.addi %mul3A_84, %add3A_85 : i32
      %dma_start3A_87 = arith.constant 1 : i32
      %dma_start3A_88 = arith.constant 0 : i32
      %dma_start3A_89 = arith.constant 0 : i32
      %dma_start3A_90 = tpu.memref_slice %arg8[%dma_start3A_87, %dma_start3A_88, %dma_start3A_89] : memref<8x128x64xf32, #tpu.memory_space<vmem>> -> memref<1x128x64xf32, #tpu.memory_space<vmem>>
      %dma_start3A_91 = tpu.memref_squeeze %dma_start3A_90 : memref<1x128x64xf32, #tpu.memory_space<vmem>> -> memref<128x64xf32, #tpu.memory_space<vmem>>
      %dma_start3A_92 = arith.constant 0 : i32
      %dma_start3A_93 = tpu.memref_slice %arg6[%add3A_86, %dma_start3A_92] : memref<32x128xi32, #tpu.memory_space<vmem>> -> memref<1x128xi32, #tpu.memory_space<vmem>>
      %dma_start3A_94 = tpu.memref_squeeze %dma_start3A_93 : memref<1x128xi32, #tpu.memory_space<vmem>> -> memref<128xi32, #tpu.memory_space<vmem>>
      %dma_start3A_95 = arith.constant 0 : i32
      %dma_start3A_96 = arith.constant 0 : i32
      %dma_start3A_97 = tpu.memref_slice %arg3[%dma_start3A_95, %dma_start3A_96] : memref<65536x64xf32, #tpu.memory_space<hbm>> -> memref<65536x64xf32, #tpu.memory_space<hbm>>
      tpu.enqueue_indirect_dma source(%dma_start3A_97 : memref<65536x64xf32, #tpu.memory_space<hbm>>) target(%dma_start3A_91 : memref<128x64xf32, #tpu.memory_space<vmem>>) offsets(%dma_start3A_94 : memref<128xi32, #tpu.memory_space<vmem>>) semaphore(%arg10 : memref<!tpu.dma_semaphore, #tpu.memory_space<semaphore_mem>>)
      %mul3A_98 = arith.constant 8 : i32
      %mul3A_99 = arith.muli %scan3A_53, %mul3A_98 : i32
      %add3A_100 = arith.constant 1 : i32
      %add3A_101 = arith.addi %mul3A_99, %add3A_100 : i32
      %dma_start3A_102 = arith.constant 1 : i32
      %dma_start3A_103 = arith.constant 0 : i32
      %dma_start3A_104 = arith.constant 0 : i32
      %dma_start3A_105 = tpu.memref_slice %arg7[%dma_start3A_102, %dma_start3A_103, %dma_start3A_104] : memref<8x128x16xf32, #tpu.memory_space<vmem>> -> memref<1x128x16xf32, #tpu.memory_space<vmem>>
      %dma_start3A_106 = tpu.memref_squeeze %dma_start3A_105 : memref<1x128x16xf32, #tpu.memory_space<vmem>> -> memref<128x16xf32, #tpu.memory_space<vmem>>
      %dma_start3A_107 = arith.constant 0 : i32
      %dma_start3A_108 = tpu.memref_slice %arg6[%add3A_101, %dma_start3A_107] : memref<32x128xi32, #tpu.memory_space<vmem>> -> memref<1x128xi32, #tpu.memory_space<vmem>>
      %dma_start3A_109 = tpu.memref_squeeze %dma_start3A_108 : memref<1x128xi32, #tpu.memory_space<vmem>> -> memref<128xi32, #tpu.memory_space<vmem>>
      %dma_start3A_110 = arith.constant 0 : i32
      %dma_start3A_111 = arith.constant 0 : i32
      %dma_start3A_112 = tpu.memref_slice %arg2[%dma_start3A_110, %dma_start3A_111] : memref<65536x16xf32, #tpu.memory_space<hbm>> -> memref<65536x16xf32, #tpu.memory_space<hbm>>
      tpu.enqueue_indirect_dma source(%dma_start3A_112 : memref<65536x16xf32, #tpu.memory_space<hbm>>) target(%dma_start3A_106 : memref<128x16xf32, #tpu.memory_space<vmem>>) offsets(%dma_start3A_109 : memref<128xi32, #tpu.memory_space<vmem>>) semaphore(%arg10 : memref<!tpu.dma_semaphore, #tpu.memory_space<semaphore_mem>>)
      %mul3A_113 = arith.constant 8 : i32
      %mul3A_114 = arith.muli %scan3A_53, %mul3A_113 : i32
      %add3A_115 = arith.constant 2 : i32
      %add3A_116 = arith.addi %mul3A_114, %add3A_115 : i32
      %dma_start3A_117 = arith.constant 2 : i32
      %dma_start3A_118 = arith.constant 0 : i32
      %dma_start3A_119 = arith.constant 0 : i32
      %dma_start3A_120 = tpu.memref_slice %arg8[%dma_start3A_117, %dma_start3A_118, %dma_start3A_119] : memref<8x128x64xf32, #tpu.memory_space<vmem>> -> memref<1x128x64xf32, #tpu.memory_space<vmem>>
      %dma_start3A_121 = tpu.memref_squeeze %dma_start3A_120 : memref<1x128x64xf32, #tpu.memory_space<vmem>> -> memref<128x64xf32, #tpu.memory_space<vmem>>
      %dma_start3A_122 = arith.constant 0 : i32
      %dma_start3A_123 = tpu.memref_slice %arg6[%add3A_116, %dma_start3A_122] : memref<32x128xi32, #tpu.memory_space<vmem>> -> memref<1x128xi32, #tpu.memory_space<vmem>>
      %dma_start3A_124 = tpu.memref_squeeze %dma_start3A_123 : memref<1x128xi32, #tpu.memory_space<vmem>> -> memref<128xi32, #tpu.memory_space<vmem>>
      %dma_start3A_125 = arith.constant 0 : i32
      %dma_start3A_126 = arith.constant 0 : i32
      %dma_start3A_127 = tpu.memref_slice %arg3[%dma_start3A_125, %dma_start3A_126] : memref<65536x64xf32, #tpu.memory_space<hbm>> -> memref<65536x64xf32, #tpu.memory_space<hbm>>
      tpu.enqueue_indirect_dma source(%dma_start3A_127 : memref<65536x64xf32, #tpu.memory_space<hbm>>) target(%dma_start3A_121 : memref<128x64xf32, #tpu.memory_space<vmem>>) offsets(%dma_start3A_124 : memref<128xi32, #tpu.memory_space<vmem>>) semaphore(%arg10 : memref<!tpu.dma_semaphore, #tpu.memory_space<semaphore_mem>>)
      %mul3A_128 = arith.constant 8 : i32
      %mul3A_129 = arith.muli %scan3A_53, %mul3A_128 : i32
      %add3A_130 = arith.constant 2 : i32
      %add3A_131 = arith.addi %mul3A_129, %add3A_130 : i32
      %dma_start3A_132 = arith.constant 2 : i32
      %dma_start3A_133 = arith.constant 0 : i32
      %dma_start3A_134 = arith.constant 0 : i32
      %dma_start3A_135 = tpu.memref_slice %arg7[%dma_start3A_132, %dma_start3A_133, %dma_start3A_134] : memref<8x128x16xf32, #tpu.memory_space<vmem>> -> memref<1x128x16xf32, #tpu.memory_space<vmem>>
      %dma_start3A_136 = tpu.memref_squeeze %dma_start3A_135 : memref<1x128x16xf32, #tpu.memory_space<vmem>> -> memref<128x16xf32, #tpu.memory_space<vmem>>
      %dma_start3A_137 = arith.constant 0 : i32
      %dma_start3A_138 = tpu.memref_slice %arg6[%add3A_131, %dma_start3A_137] : memref<32x128xi32, #tpu.memory_space<vmem>> -> memref<1x128xi32, #tpu.memory_space<vmem>>
      %dma_start3A_139 = tpu.memref_squeeze %dma_start3A_138 : memref<1x128xi32, #tpu.memory_space<vmem>> -> memref<128xi32, #tpu.memory_space<vmem>>
      %dma_start3A_140 = arith.constant 0 : i32
      %dma_start3A_141 = arith.constant 0 : i32
      %dma_start3A_142 = tpu.memref_slice %arg2[%dma_start3A_140, %dma_start3A_141] : memref<65536x16xf32, #tpu.memory_space<hbm>> -> memref<65536x16xf32, #tpu.memory_space<hbm>>
      tpu.enqueue_indirect_dma source(%dma_start3A_142 : memref<65536x16xf32, #tpu.memory_space<hbm>>) target(%dma_start3A_136 : memref<128x16xf32, #tpu.memory_space<vmem>>) offsets(%dma_start3A_139 : memref<128xi32, #tpu.memory_space<vmem>>) semaphore(%arg10 : memref<!tpu.dma_semaphore, #tpu.memory_space<semaphore_mem>>)
      %mul3A_143 = arith.constant 8 : i32
      %mul3A_144 = arith.muli %scan3A_53, %mul3A_143 : i32
      %add3A_145 = arith.constant 3 : i32
      %add3A_146 = arith.addi %mul3A_144, %add3A_145 : i32
      %dma_start3A_147 = arith.constant 3 : i32
      %dma_start3A_148 = arith.constant 0 : i32
      %dma_start3A_149 = arith.constant 0 : i32
      %dma_start3A_150 = tpu.memref_slice %arg8[%dma_start3A_147, %dma_start3A_148, %dma_start3A_149] : memref<8x128x64xf32, #tpu.memory_space<vmem>> -> memref<1x128x64xf32, #tpu.memory_space<vmem>>
      %dma_start3A_151 = tpu.memref_squeeze %dma_start3A_150 : memref<1x128x64xf32, #tpu.memory_space<vmem>> -> memref<128x64xf32, #tpu.memory_space<vmem>>
      %dma_start3A_152 = arith.constant 0 : i32
      %dma_start3A_153 = tpu.memref_slice %arg6[%add3A_146, %dma_start3A_152] : memref<32x128xi32, #tpu.memory_space<vmem>> -> memref<1x128xi32, #tpu.memory_space<vmem>>
      %dma_start3A_154 = tpu.memref_squeeze %dma_start3A_153 : memref<1x128xi32, #tpu.memory_space<vmem>> -> memref<128xi32, #tpu.memory_space<vmem>>
      %dma_start3A_155 = arith.constant 0 : i32
      %dma_start3A_156 = arith.constant 0 : i32
      %dma_start3A_157 = tpu.memref_slice %arg3[%dma_start3A_155, %dma_start3A_156] : memref<65536x64xf32, #tpu.memory_space<hbm>> -> memref<65536x64xf32, #tpu.memory_space<hbm>>
      tpu.enqueue_indirect_dma source(%dma_start3A_157 : memref<65536x64xf32, #tpu.memory_space<hbm>>) target(%dma_start3A_151 : memref<128x64xf32, #tpu.memory_space<vmem>>) offsets(%dma_start3A_154 : memref<128xi32, #tpu.memory_space<vmem>>) semaphore(%arg10 : memref<!tpu.dma_semaphore, #tpu.memory_space<semaphore_mem>>)
      %mul3A_158 = arith.constant 8 : i32
      %mul3A_159 = arith.muli %scan3A_53, %mul3A_158 : i32
      %add3A_160 = arith.constant 3 : i32
      %add3A_161 = arith.addi %mul3A_159, %add3A_160 : i32
      %dma_start3A_162 = arith.constant 3 : i32
      %dma_start3A_163 = arith.constant 0 : i32
      %dma_start3A_164 = arith.constant 0 : i32
      %dma_start3A_165 = tpu.memref_slice %arg7[%dma_start3A_162, %dma_start3A_163, %dma_start3A_164] : memref<8x128x16xf32, #tpu.memory_space<vmem>> -> memref<1x128x16xf32, #tpu.memory_space<vmem>>
      %dma_start3A_166 = tpu.memref_squeeze %dma_start3A_165 : memref<1x128x16xf32, #tpu.memory_space<vmem>> -> memref<128x16xf32, #tpu.memory_space<vmem>>
      %dma_start3A_167 = arith.constant 0 : i32
      %dma_start3A_168 = tpu.memref_slice %arg6[%add3A_161, %dma_start3A_167] : memref<32x128xi32, #tpu.memory_space<vmem>> -> memref<1x128xi32, #tpu.memory_space<vmem>>
      %dma_start3A_169 = tpu.memref_squeeze %dma_start3A_168 : memref<1x128xi32, #tpu.memory_space<vmem>> -> memref<128xi32, #tpu.memory_space<vmem>>
      %dma_start3A_170 = arith.constant 0 : i32
      %dma_start3A_171 = arith.constant 0 : i32
      %dma_start3A_172 = tpu.memref_slice %arg2[%dma_start3A_170, %dma_start3A_171] : memref<65536x16xf32, #tpu.memory_space<hbm>> -> memref<65536x16xf32, #tpu.memory_space<hbm>>
      tpu.enqueue_indirect_dma source(%dma_start3A_172 : memref<65536x16xf32, #tpu.memory_space<hbm>>) target(%dma_start3A_166 : memref<128x16xf32, #tpu.memory_space<vmem>>) offsets(%dma_start3A_169 : memref<128xi32, #tpu.memory_space<vmem>>) semaphore(%arg10 : memref<!tpu.dma_semaphore, #tpu.memory_space<semaphore_mem>>)
      %mul3A_173 = arith.constant 8 : i32
      %mul3A_174 = arith.muli %scan3A_53, %mul3A_173 : i32
      %add3A_175 = arith.constant 4 : i32
      %add3A_176 = arith.addi %mul3A_174, %add3A_175 : i32
      %dma_start3A_177 = arith.constant 4 : i32
      %dma_start3A_178 = arith.constant 0 : i32
      %dma_start3A_179 = arith.constant 0 : i32
      %dma_start3A_180 = tpu.memref_slice %arg8[%dma_start3A_177, %dma_start3A_178, %dma_start3A_179] : memref<8x128x64xf32, #tpu.memory_space<vmem>> -> memref<1x128x64xf32, #tpu.memory_space<vmem>>
      %dma_start3A_181 = tpu.memref_squeeze %dma_start3A_180 : memref<1x128x64xf32, #tpu.memory_space<vmem>> -> memref<128x64xf32, #tpu.memory_space<vmem>>
      %dma_start3A_182 = arith.constant 0 : i32
      %dma_start3A_183 = tpu.memref_slice %arg6[%add3A_176, %dma_start3A_182] : memref<32x128xi32, #tpu.memory_space<vmem>> -> memref<1x128xi32, #tpu.memory_space<vmem>>
      %dma_start3A_184 = tpu.memref_squeeze %dma_start3A_183 : memref<1x128xi32, #tpu.memory_space<vmem>> -> memref<128xi32, #tpu.memory_space<vmem>>
      %dma_start3A_185 = arith.constant 0 : i32
      %dma_start3A_186 = arith.constant 0 : i32
      %dma_start3A_187 = tpu.memref_slice %arg3[%dma_start3A_185, %dma_start3A_186] : memref<65536x64xf32, #tpu.memory_space<hbm>> -> memref<65536x64xf32, #tpu.memory_space<hbm>>
      tpu.enqueue_indirect_dma source(%dma_start3A_187 : memref<65536x64xf32, #tpu.memory_space<hbm>>) target(%dma_start3A_181 : memref<128x64xf32, #tpu.memory_space<vmem>>) offsets(%dma_start3A_184 : memref<128xi32, #tpu.memory_space<vmem>>) semaphore(%arg10 : memref<!tpu.dma_semaphore, #tpu.memory_space<semaphore_mem>>)
      %mul3A_188 = arith.constant 8 : i32
      %mul3A_189 = arith.muli %scan3A_53, %mul3A_188 : i32
      %add3A_190 = arith.constant 4 : i32
      %add3A_191 = arith.addi %mul3A_189, %add3A_190 : i32
      %dma_start3A_192 = arith.constant 4 : i32
      %dma_start3A_193 = arith.constant 0 : i32
      %dma_start3A_194 = arith.constant 0 : i32
      %dma_start3A_195 = tpu.memref_slice %arg7[%dma_start3A_192, %dma_start3A_193, %dma_start3A_194] : memref<8x128x16xf32, #tpu.memory_space<vmem>> -> memref<1x128x16xf32, #tpu.memory_space<vmem>>
      %dma_start3A_196 = tpu.memref_squeeze %dma_start3A_195 : memref<1x128x16xf32, #tpu.memory_space<vmem>> -> memref<128x16xf32, #tpu.memory_space<vmem>>
      %dma_start3A_197 = arith.constant 0 : i32
      %dma_start3A_198 = tpu.memref_slice %arg6[%add3A_191, %dma_start3A_197] : memref<32x128xi32, #tpu.memory_space<vmem>> -> memref<1x128xi32, #tpu.memory_space<vmem>>
      %dma_start3A_199 = tpu.memref_squeeze %dma_start3A_198 : memref<1x128xi32, #tpu.memory_space<vmem>> -> memref<128xi32, #tpu.memory_space<vmem>>
      %dma_start3A_200 = arith.constant 0 : i32
      %dma_start3A_201 = arith.constant 0 : i32
      %dma_start3A_202 = tpu.memref_slice %arg2[%dma_start3A_200, %dma_start3A_201] : memref<65536x16xf32, #tpu.memory_space<hbm>> -> memref<65536x16xf32, #tpu.memory_space<hbm>>
      tpu.enqueue_indirect_dma source(%dma_start3A_202 : memref<65536x16xf32, #tpu.memory_space<hbm>>) target(%dma_start3A_196 : memref<128x16xf32, #tpu.memory_space<vmem>>) offsets(%dma_start3A_199 : memref<128xi32, #tpu.memory_space<vmem>>) semaphore(%arg10 : memref<!tpu.dma_semaphore, #tpu.memory_space<semaphore_mem>>)
      %mul3A_203 = arith.constant 8 : i32
      %mul3A_204 = arith.muli %scan3A_53, %mul3A_203 : i32
      %add3A_205 = arith.constant 5 : i32
      %add3A_206 = arith.addi %mul3A_204, %add3A_205 : i32
      %dma_start3A_207 = arith.constant 5 : i32
      %dma_start3A_208 = arith.constant 0 : i32
      %dma_start3A_209 = arith.constant 0 : i32
      %dma_start3A_210 = tpu.memref_slice %arg8[%dma_start3A_207, %dma_start3A_208, %dma_start3A_209] : memref<8x128x64xf32, #tpu.memory_space<vmem>> -> memref<1x128x64xf32, #tpu.memory_space<vmem>>
      %dma_start3A_211 = tpu.memref_squeeze %dma_start3A_210 : memref<1x128x64xf32, #tpu.memory_space<vmem>> -> memref<128x64xf32, #tpu.memory_space<vmem>>
      %dma_start3A_212 = arith.constant 0 : i32
      %dma_start3A_213 = tpu.memref_slice %arg6[%add3A_206, %dma_start3A_212] : memref<32x128xi32, #tpu.memory_space<vmem>> -> memref<1x128xi32, #tpu.memory_space<vmem>>
      %dma_start3A_214 = tpu.memref_squeeze %dma_start3A_213 : memref<1x128xi32, #tpu.memory_space<vmem>> -> memref<128xi32, #tpu.memory_space<vmem>>
      %dma_start3A_215 = arith.constant 0 : i32
      %dma_start3A_216 = arith.constant 0 : i32
      %dma_start3A_217 = tpu.memref_slice %arg3[%dma_start3A_215, %dma_start3A_216] : memref<65536x64xf32, #tpu.memory_space<hbm>> -> memref<65536x64xf32, #tpu.memory_space<hbm>>
      tpu.enqueue_indirect_dma source(%dma_start3A_217 : memref<65536x64xf32, #tpu.memory_space<hbm>>) target(%dma_start3A_211 : memref<128x64xf32, #tpu.memory_space<vmem>>) offsets(%dma_start3A_214 : memref<128xi32, #tpu.memory_space<vmem>>) semaphore(%arg10 : memref<!tpu.dma_semaphore, #tpu.memory_space<semaphore_mem>>)
      %mul3A_218 = arith.constant 8 : i32
      %mul3A_219 = arith.muli %scan3A_53, %mul3A_218 : i32
      %add3A_220 = arith.constant 5 : i32
      %add3A_221 = arith.addi %mul3A_219, %add3A_220 : i32
      %dma_start3A_222 = arith.constant 5 : i32
      %dma_start3A_223 = arith.constant 0 : i32
      %dma_start3A_224 = arith.constant 0 : i32
      %dma_start3A_225 = tpu.memref_slice %arg7[%dma_start3A_222, %dma_start3A_223, %dma_start3A_224] : memref<8x128x16xf32, #tpu.memory_space<vmem>> -> memref<1x128x16xf32, #tpu.memory_space<vmem>>
      %dma_start3A_226 = tpu.memref_squeeze %dma_start3A_225 : memref<1x128x16xf32, #tpu.memory_space<vmem>> -> memref<128x16xf32, #tpu.memory_space<vmem>>
      %dma_start3A_227 = arith.constant 0 : i32
      %dma_start3A_228 = tpu.memref_slice %arg6[%add3A_221, %dma_start3A_227] : memref<32x128xi32, #tpu.memory_space<vmem>> -> memref<1x128xi32, #tpu.memory_space<vmem>>
      %dma_start3A_229 = tpu.memref_squeeze %dma_start3A_228 : memref<1x128xi32, #tpu.memory_space<vmem>> -> memref<128xi32, #tpu.memory_space<vmem>>
      %dma_start3A_230 = arith.constant 0 : i32
      %dma_start3A_231 = arith.constant 0 : i32
      %dma_start3A_232 = tpu.memref_slice %arg2[%dma_start3A_230, %dma_start3A_231] : memref<65536x16xf32, #tpu.memory_space<hbm>> -> memref<65536x16xf32, #tpu.memory_space<hbm>>
      tpu.enqueue_indirect_dma source(%dma_start3A_232 : memref<65536x16xf32, #tpu.memory_space<hbm>>) target(%dma_start3A_226 : memref<128x16xf32, #tpu.memory_space<vmem>>) offsets(%dma_start3A_229 : memref<128xi32, #tpu.memory_space<vmem>>) semaphore(%arg10 : memref<!tpu.dma_semaphore, #tpu.memory_space<semaphore_mem>>)
      %mul3A_233 = arith.constant 8 : i32
      %mul3A_234 = arith.muli %scan3A_53, %mul3A_233 : i32
      %add3A_235 = arith.constant 6 : i32
      %add3A_236 = arith.addi %mul3A_234, %add3A_235 : i32
      %dma_start3A_237 = arith.constant 6 : i32
      %dma_start3A_238 = arith.constant 0 : i32
      %dma_start3A_239 = arith.constant 0 : i32
      %dma_start3A_240 = tpu.memref_slice %arg8[%dma_start3A_237, %dma_start3A_238, %dma_start3A_239] : memref<8x128x64xf32, #tpu.memory_space<vmem>> -> memref<1x128x64xf32, #tpu.memory_space<vmem>>
      %dma_start3A_241 = tpu.memref_squeeze %dma_start3A_240 : memref<1x128x64xf32, #tpu.memory_space<vmem>> -> memref<128x64xf32, #tpu.memory_space<vmem>>
      %dma_start3A_242 = arith.constant 0 : i32
      %dma_start3A_243 = tpu.memref_slice %arg6[%add3A_236, %dma_start3A_242] : memref<32x128xi32, #tpu.memory_space<vmem>> -> memref<1x128xi32, #tpu.memory_space<vmem>>
      %dma_start3A_244 = tpu.memref_squeeze %dma_start3A_243 : memref<1x128xi32, #tpu.memory_space<vmem>> -> memref<128xi32, #tpu.memory_space<vmem>>
      %dma_start3A_245 = arith.constant 0 : i32
      %dma_start3A_246 = arith.constant 0 : i32
      %dma_start3A_247 = tpu.memref_slice %arg3[%dma_start3A_245, %dma_start3A_246] : memref<65536x64xf32, #tpu.memory_space<hbm>> -> memref<65536x64xf32, #tpu.memory_space<hbm>>
      tpu.enqueue_indirect_dma source(%dma_start3A_247 : memref<65536x64xf32, #tpu.memory_space<hbm>>) target(%dma_start3A_241 : memref<128x64xf32, #tpu.memory_space<vmem>>) offsets(%dma_start3A_244 : memref<128xi32, #tpu.memory_space<vmem>>) semaphore(%arg10 : memref<!tpu.dma_semaphore, #tpu.memory_space<semaphore_mem>>)
      %mul3A_248 = arith.constant 8 : i32
      %mul3A_249 = arith.muli %scan3A_53, %mul3A_248 : i32
      %add3A_250 = arith.constant 6 : i32
      %add3A_251 = arith.addi %mul3A_249, %add3A_250 : i32
      %dma_start3A_252 = arith.constant 6 : i32
      %dma_start3A_253 = arith.constant 0 : i32
      %dma_start3A_254 = arith.constant 0 : i32
      %dma_start3A_255 = tpu.memref_slice %arg7[%dma_start3A_252, %dma_start3A_253, %dma_start3A_254] : memref<8x128x16xf32, #tpu.memory_space<vmem>> -> memref<1x128x16xf32, #tpu.memory_space<vmem>>
      %dma_start3A_256 = tpu.memref_squeeze %dma_start3A_255 : memref<1x128x16xf32, #tpu.memory_space<vmem>> -> memref<128x16xf32, #tpu.memory_space<vmem>>
      %dma_start3A_257 = arith.constant 0 : i32
      %dma_start3A_258 = tpu.memref_slice %arg6[%add3A_251, %dma_start3A_257] : memref<32x128xi32, #tpu.memory_space<vmem>> -> memref<1x128xi32, #tpu.memory_space<vmem>>
      %dma_start3A_259 = tpu.memref_squeeze %dma_start3A_258 : memref<1x128xi32, #tpu.memory_space<vmem>> -> memref<128xi32, #tpu.memory_space<vmem>>
      %dma_start3A_260 = arith.constant 0 : i32
      %dma_start3A_261 = arith.constant 0 : i32
      %dma_start3A_262 = tpu.memref_slice %arg2[%dma_start3A_260, %dma_start3A_261] : memref<65536x16xf32, #tpu.memory_space<hbm>> -> memref<65536x16xf32, #tpu.memory_space<hbm>>
      tpu.enqueue_indirect_dma source(%dma_start3A_262 : memref<65536x16xf32, #tpu.memory_space<hbm>>) target(%dma_start3A_256 : memref<128x16xf32, #tpu.memory_space<vmem>>) offsets(%dma_start3A_259 : memref<128xi32, #tpu.memory_space<vmem>>) semaphore(%arg10 : memref<!tpu.dma_semaphore, #tpu.memory_space<semaphore_mem>>)
      %mul3A_263 = arith.constant 8 : i32
      %mul3A_264 = arith.muli %scan3A_53, %mul3A_263 : i32
      %add3A_265 = arith.constant 7 : i32
      %add3A_266 = arith.addi %mul3A_264, %add3A_265 : i32
      %dma_start3A_267 = arith.constant 7 : i32
      %dma_start3A_268 = arith.constant 0 : i32
      %dma_start3A_269 = arith.constant 0 : i32
      %dma_start3A_270 = tpu.memref_slice %arg8[%dma_start3A_267, %dma_start3A_268, %dma_start3A_269] : memref<8x128x64xf32, #tpu.memory_space<vmem>> -> memref<1x128x64xf32, #tpu.memory_space<vmem>>
      %dma_start3A_271 = tpu.memref_squeeze %dma_start3A_270 : memref<1x128x64xf32, #tpu.memory_space<vmem>> -> memref<128x64xf32, #tpu.memory_space<vmem>>
      %dma_start3A_272 = arith.constant 0 : i32
      %dma_start3A_273 = tpu.memref_slice %arg6[%add3A_266, %dma_start3A_272] : memref<32x128xi32, #tpu.memory_space<vmem>> -> memref<1x128xi32, #tpu.memory_space<vmem>>
      %dma_start3A_274 = tpu.memref_squeeze %dma_start3A_273 : memref<1x128xi32, #tpu.memory_space<vmem>> -> memref<128xi32, #tpu.memory_space<vmem>>
      %dma_start3A_275 = arith.constant 0 : i32
      %dma_start3A_276 = arith.constant 0 : i32
      %dma_start3A_277 = tpu.memref_slice %arg3[%dma_start3A_275, %dma_start3A_276] : memref<65536x64xf32, #tpu.memory_space<hbm>> -> memref<65536x64xf32, #tpu.memory_space<hbm>>
      tpu.enqueue_indirect_dma source(%dma_start3A_277 : memref<65536x64xf32, #tpu.memory_space<hbm>>) target(%dma_start3A_271 : memref<128x64xf32, #tpu.memory_space<vmem>>) offsets(%dma_start3A_274 : memref<128xi32, #tpu.memory_space<vmem>>) semaphore(%arg10 : memref<!tpu.dma_semaphore, #tpu.memory_space<semaphore_mem>>)
      %mul3A_278 = arith.constant 8 : i32
      %mul3A_279 = arith.muli %scan3A_53, %mul3A_278 : i32
      %add3A_280 = arith.constant 7 : i32
      %add3A_281 = arith.addi %mul3A_279, %add3A_280 : i32
      %dma_start3A_282 = arith.constant 7 : i32
      %dma_start3A_283 = arith.constant 0 : i32
      %dma_start3A_284 = arith.constant 0 : i32
      %dma_start3A_285 = tpu.memref_slice %arg7[%dma_start3A_282, %dma_start3A_283, %dma_start3A_284] : memref<8x128x16xf32, #tpu.memory_space<vmem>> -> memref<1x128x16xf32, #tpu.memory_space<vmem>>
      %dma_start3A_286 = tpu.memref_squeeze %dma_start3A_285 : memref<1x128x16xf32, #tpu.memory_space<vmem>> -> memref<128x16xf32, #tpu.memory_space<vmem>>
      %dma_start3A_287 = arith.constant 0 : i32
      %dma_start3A_288 = tpu.memref_slice %arg6[%add3A_281, %dma_start3A_287] : memref<32x128xi32, #tpu.memory_space<vmem>> -> memref<1x128xi32, #tpu.memory_space<vmem>>
      %dma_start3A_289 = tpu.memref_squeeze %dma_start3A_288 : memref<1x128xi32, #tpu.memory_space<vmem>> -> memref<128xi32, #tpu.memory_space<vmem>>
      %dma_start3A_290 = arith.constant 0 : i32
      %dma_start3A_291 = arith.constant 0 : i32
      %dma_start3A_292 = tpu.memref_slice %arg2[%dma_start3A_290, %dma_start3A_291] : memref<65536x16xf32, #tpu.memory_space<hbm>> -> memref<65536x16xf32, #tpu.memory_space<hbm>>
      tpu.enqueue_indirect_dma source(%dma_start3A_292 : memref<65536x16xf32, #tpu.memory_space<hbm>>) target(%dma_start3A_286 : memref<128x16xf32, #tpu.memory_space<vmem>>) offsets(%dma_start3A_289 : memref<128xi32, #tpu.memory_space<vmem>>) semaphore(%arg10 : memref<!tpu.dma_semaphore, #tpu.memory_space<semaphore_mem>>)
      %dma_wait3A = arith.constant 0 : i32
      %dma_wait3A_293 = arith.constant 0 : i32
      %dma_wait3A_294 = arith.constant 0 : i32
      %dma_wait3A_295 = tpu.memref_slice %arg8[%dma_wait3A, %dma_wait3A_293, %dma_wait3A_294] : memref<8x128x64xf32, #tpu.memory_space<vmem>> -> memref<1x128x64xf32, #tpu.memory_space<vmem>>
      %dma_wait3A_296 = tpu.memref_squeeze %dma_wait3A_295 : memref<1x128x64xf32, #tpu.memory_space<vmem>> -> memref<128x64xf32, #tpu.memory_space<vmem>>
      %dma_wait3A_297 = arith.constant 0 : i32
      %dma_wait3A_298 = tpu.memref_slice %arg6[%add3A_57, %dma_wait3A_297] : memref<32x128xi32, #tpu.memory_space<vmem>> -> memref<1x128xi32, #tpu.memory_space<vmem>>
      %dma_wait3A_299 = tpu.memref_squeeze %dma_wait3A_298 : memref<1x128xi32, #tpu.memory_space<vmem>> -> memref<128xi32, #tpu.memory_space<vmem>>
      %dma_wait3A_300 = arith.constant 0 : i32
      %dma_wait3A_301 = arith.constant 0 : i32
      %dma_wait3A_302 = tpu.memref_slice %arg3[%dma_wait3A_300, %dma_wait3A_301] : memref<65536x64xf32, #tpu.memory_space<hbm>> -> memref<65536x64xf32, #tpu.memory_space<hbm>>
      tpu.wait_indirect_dma semaphore(%arg10 : memref<!tpu.dma_semaphore, #tpu.memory_space<semaphore_mem>>) src(%dma_wait3A_302 : memref<65536x64xf32, #tpu.memory_space<hbm>>) dst(%dma_wait3A_296 : memref<128x64xf32, #tpu.memory_space<vmem>>)
      %dma_wait3A_303 = arith.constant 0 : i32
      %dma_wait3A_304 = arith.constant 0 : i32
      %dma_wait3A_305 = arith.constant 0 : i32
      %dma_wait3A_306 = tpu.memref_slice %arg7[%dma_wait3A_303, %dma_wait3A_304, %dma_wait3A_305] : memref<8x128x16xf32, #tpu.memory_space<vmem>> -> memref<1x128x16xf32, #tpu.memory_space<vmem>>
      %dma_wait3A_307 = tpu.memref_squeeze %dma_wait3A_306 : memref<1x128x16xf32, #tpu.memory_space<vmem>> -> memref<128x16xf32, #tpu.memory_space<vmem>>
      %dma_wait3A_308 = arith.constant 0 : i32
      %dma_wait3A_309 = tpu.memref_slice %arg6[%add3A_71, %dma_wait3A_308] : memref<32x128xi32, #tpu.memory_space<vmem>> -> memref<1x128xi32, #tpu.memory_space<vmem>>
      %dma_wait3A_310 = tpu.memref_squeeze %dma_wait3A_309 : memref<1x128xi32, #tpu.memory_space<vmem>> -> memref<128xi32, #tpu.memory_space<vmem>>
      %dma_wait3A_311 = arith.constant 0 : i32
      %dma_wait3A_312 = arith.constant 0 : i32
      %dma_wait3A_313 = tpu.memref_slice %arg2[%dma_wait3A_311, %dma_wait3A_312] : memref<65536x16xf32, #tpu.memory_space<hbm>> -> memref<65536x16xf32, #tpu.memory_space<hbm>>
      tpu.wait_indirect_dma semaphore(%arg10 : memref<!tpu.dma_semaphore, #tpu.memory_space<semaphore_mem>>) src(%dma_wait3A_313 : memref<65536x16xf32, #tpu.memory_space<hbm>>) dst(%dma_wait3A_307 : memref<128x16xf32, #tpu.memory_space<vmem>>)
      %dma_wait3A_314 = arith.constant 1 : i32
      %dma_wait3A_315 = arith.constant 0 : i32
      %dma_wait3A_316 = arith.constant 0 : i32
      %dma_wait3A_317 = tpu.memref_slice %arg8[%dma_wait3A_314, %dma_wait3A_315, %dma_wait3A_316] : memref<8x128x64xf32, #tpu.memory_space<vmem>> -> memref<1x128x64xf32, #tpu.memory_space<vmem>>
      %dma_wait3A_318 = tpu.memref_squeeze %dma_wait3A_317 : memref<1x128x64xf32, #tpu.memory_space<vmem>> -> memref<128x64xf32, #tpu.memory_space<vmem>>
      %dma_wait3A_319 = arith.constant 0 : i32
      %dma_wait3A_320 = tpu.memref_slice %arg6[%add3A_86, %dma_wait3A_319] : memref<32x128xi32, #tpu.memory_space<vmem>> -> memref<1x128xi32, #tpu.memory_space<vmem>>
      %dma_wait3A_321 = tpu.memref_squeeze %dma_wait3A_320 : memref<1x128xi32, #tpu.memory_space<vmem>> -> memref<128xi32, #tpu.memory_space<vmem>>
      %dma_wait3A_322 = arith.constant 0 : i32
      %dma_wait3A_323 = arith.constant 0 : i32
      %dma_wait3A_324 = tpu.memref_slice %arg3[%dma_wait3A_322, %dma_wait3A_323] : memref<65536x64xf32, #tpu.memory_space<hbm>> -> memref<65536x64xf32, #tpu.memory_space<hbm>>
      tpu.wait_indirect_dma semaphore(%arg10 : memref<!tpu.dma_semaphore, #tpu.memory_space<semaphore_mem>>) src(%dma_wait3A_324 : memref<65536x64xf32, #tpu.memory_space<hbm>>) dst(%dma_wait3A_318 : memref<128x64xf32, #tpu.memory_space<vmem>>)
      %dma_wait3A_325 = arith.constant 1 : i32
      %dma_wait3A_326 = arith.constant 0 : i32
      %dma_wait3A_327 = arith.constant 0 : i32
      %dma_wait3A_328 = tpu.memref_slice %arg7[%dma_wait3A_325, %dma_wait3A_326, %dma_wait3A_327] : memref<8x128x16xf32, #tpu.memory_space<vmem>> -> memref<1x128x16xf32, #tpu.memory_space<vmem>>
      %dma_wait3A_329 = tpu.memref_squeeze %dma_wait3A_328 : memref<1x128x16xf32, #tpu.memory_space<vmem>> -> memref<128x16xf32, #tpu.memory_space<vmem>>
      %dma_wait3A_330 = arith.constant 0 : i32
      %dma_wait3A_331 = tpu.memref_slice %arg6[%add3A_101, %dma_wait3A_330] : memref<32x128xi32, #tpu.memory_space<vmem>> -> memref<1x128xi32, #tpu.memory_space<vmem>>
      %dma_wait3A_332 = tpu.memref_squeeze %dma_wait3A_331 : memref<1x128xi32, #tpu.memory_space<vmem>> -> memref<128xi32, #tpu.memory_space<vmem>>
      %dma_wait3A_333 = arith.constant 0 : i32
      %dma_wait3A_334 = arith.constant 0 : i32
      %dma_wait3A_335 = tpu.memref_slice %arg2[%dma_wait3A_333, %dma_wait3A_334] : memref<65536x16xf32, #tpu.memory_space<hbm>> -> memref<65536x16xf32, #tpu.memory_space<hbm>>
      tpu.wait_indirect_dma semaphore(%arg10 : memref<!tpu.dma_semaphore, #tpu.memory_space<semaphore_mem>>) src(%dma_wait3A_335 : memref<65536x16xf32, #tpu.memory_space<hbm>>) dst(%dma_wait3A_329 : memref<128x16xf32, #tpu.memory_space<vmem>>)
      %dma_wait3A_336 = arith.constant 2 : i32
      %dma_wait3A_337 = arith.constant 0 : i32
      %dma_wait3A_338 = arith.constant 0 : i32
      %dma_wait3A_339 = tpu.memref_slice %arg8[%dma_wait3A_336, %dma_wait3A_337, %dma_wait3A_338] : memref<8x128x64xf32, #tpu.memory_space<vmem>> -> memref<1x128x64xf32, #tpu.memory_space<vmem>>
      %dma_wait3A_340 = tpu.memref_squeeze %dma_wait3A_339 : memref<1x128x64xf32, #tpu.memory_space<vmem>> -> memref<128x64xf32, #tpu.memory_space<vmem>>
      %dma_wait3A_341 = arith.constant 0 : i32
      %dma_wait3A_342 = tpu.memref_slice %arg6[%add3A_116, %dma_wait3A_341] : memref<32x128xi32, #tpu.memory_space<vmem>> -> memref<1x128xi32, #tpu.memory_space<vmem>>
      %dma_wait3A_343 = tpu.memref_squeeze %dma_wait3A_342 : memref<1x128xi32, #tpu.memory_space<vmem>> -> memref<128xi32, #tpu.memory_space<vmem>>
      %dma_wait3A_344 = arith.constant 0 : i32
      %dma_wait3A_345 = arith.constant 0 : i32
      %dma_wait3A_346 = tpu.memref_slice %arg3[%dma_wait3A_344, %dma_wait3A_345] : memref<65536x64xf32, #tpu.memory_space<hbm>> -> memref<65536x64xf32, #tpu.memory_space<hbm>>
      tpu.wait_indirect_dma semaphore(%arg10 : memref<!tpu.dma_semaphore, #tpu.memory_space<semaphore_mem>>) src(%dma_wait3A_346 : memref<65536x64xf32, #tpu.memory_space<hbm>>) dst(%dma_wait3A_340 : memref<128x64xf32, #tpu.memory_space<vmem>>)
      %dma_wait3A_347 = arith.constant 2 : i32
      %dma_wait3A_348 = arith.constant 0 : i32
      %dma_wait3A_349 = arith.constant 0 : i32
      %dma_wait3A_350 = tpu.memref_slice %arg7[%dma_wait3A_347, %dma_wait3A_348, %dma_wait3A_349] : memref<8x128x16xf32, #tpu.memory_space<vmem>> -> memref<1x128x16xf32, #tpu.memory_space<vmem>>
      %dma_wait3A_351 = tpu.memref_squeeze %dma_wait3A_350 : memref<1x128x16xf32, #tpu.memory_space<vmem>> -> memref<128x16xf32, #tpu.memory_space<vmem>>
      %dma_wait3A_352 = arith.constant 0 : i32
      %dma_wait3A_353 = tpu.memref_slice %arg6[%add3A_131, %dma_wait3A_352] : memref<32x128xi32, #tpu.memory_space<vmem>> -> memref<1x128xi32, #tpu.memory_space<vmem>>
      %dma_wait3A_354 = tpu.memref_squeeze %dma_wait3A_353 : memref<1x128xi32, #tpu.memory_space<vmem>> -> memref<128xi32, #tpu.memory_space<vmem>>
      %dma_wait3A_355 = arith.constant 0 : i32
      %dma_wait3A_356 = arith.constant 0 : i32
      %dma_wait3A_357 = tpu.memref_slice %arg2[%dma_wait3A_355, %dma_wait3A_356] : memref<65536x16xf32, #tpu.memory_space<hbm>> -> memref<65536x16xf32, #tpu.memory_space<hbm>>
      tpu.wait_indirect_dma semaphore(%arg10 : memref<!tpu.dma_semaphore, #tpu.memory_space<semaphore_mem>>) src(%dma_wait3A_357 : memref<65536x16xf32, #tpu.memory_space<hbm>>) dst(%dma_wait3A_351 : memref<128x16xf32, #tpu.memory_space<vmem>>)
      %dma_wait3A_358 = arith.constant 3 : i32
      %dma_wait3A_359 = arith.constant 0 : i32
      %dma_wait3A_360 = arith.constant 0 : i32
      %dma_wait3A_361 = tpu.memref_slice %arg8[%dma_wait3A_358, %dma_wait3A_359, %dma_wait3A_360] : memref<8x128x64xf32, #tpu.memory_space<vmem>> -> memref<1x128x64xf32, #tpu.memory_space<vmem>>
      %dma_wait3A_362 = tpu.memref_squeeze %dma_wait3A_361 : memref<1x128x64xf32, #tpu.memory_space<vmem>> -> memref<128x64xf32, #tpu.memory_space<vmem>>
      %dma_wait3A_363 = arith.constant 0 : i32
      %dma_wait3A_364 = tpu.memref_slice %arg6[%add3A_146, %dma_wait3A_363] : memref<32x128xi32, #tpu.memory_space<vmem>> -> memref<1x128xi32, #tpu.memory_space<vmem>>
      %dma_wait3A_365 = tpu.memref_squeeze %dma_wait3A_364 : memref<1x128xi32, #tpu.memory_space<vmem>> -> memref<128xi32, #tpu.memory_space<vmem>>
      %dma_wait3A_366 = arith.constant 0 : i32
      %dma_wait3A_367 = arith.constant 0 : i32
      %dma_wait3A_368 = tpu.memref_slice %arg3[%dma_wait3A_366, %dma_wait3A_367] : memref<65536x64xf32, #tpu.memory_space<hbm>> -> memref<65536x64xf32, #tpu.memory_space<hbm>>
      tpu.wait_indirect_dma semaphore(%arg10 : memref<!tpu.dma_semaphore, #tpu.memory_space<semaphore_mem>>) src(%dma_wait3A_368 : memref<65536x64xf32, #tpu.memory_space<hbm>>) dst(%dma_wait3A_362 : memref<128x64xf32, #tpu.memory_space<vmem>>)
      %dma_wait3A_369 = arith.constant 3 : i32
      %dma_wait3A_370 = arith.constant 0 : i32
      %dma_wait3A_371 = arith.constant 0 : i32
      %dma_wait3A_372 = tpu.memref_slice %arg7[%dma_wait3A_369, %dma_wait3A_370, %dma_wait3A_371] : memref<8x128x16xf32, #tpu.memory_space<vmem>> -> memref<1x128x16xf32, #tpu.memory_space<vmem>>
      %dma_wait3A_373 = tpu.memref_squeeze %dma_wait3A_372 : memref<1x128x16xf32, #tpu.memory_space<vmem>> -> memref<128x16xf32, #tpu.memory_space<vmem>>
      %dma_wait3A_374 = arith.constant 0 : i32
      %dma_wait3A_375 = tpu.memref_slice %arg6[%add3A_161, %dma_wait3A_374] : memref<32x128xi32, #tpu.memory_space<vmem>> -> memref<1x128xi32, #tpu.memory_space<vmem>>
      %dma_wait3A_376 = tpu.memref_squeeze %dma_wait3A_375 : memref<1x128xi32, #tpu.memory_space<vmem>> -> memref<128xi32, #tpu.memory_space<vmem>>
      %dma_wait3A_377 = arith.constant 0 : i32
      %dma_wait3A_378 = arith.constant 0 : i32
      %dma_wait3A_379 = tpu.memref_slice %arg2[%dma_wait3A_377, %dma_wait3A_378] : memref<65536x16xf32, #tpu.memory_space<hbm>> -> memref<65536x16xf32, #tpu.memory_space<hbm>>
      tpu.wait_indirect_dma semaphore(%arg10 : memref<!tpu.dma_semaphore, #tpu.memory_space<semaphore_mem>>) src(%dma_wait3A_379 : memref<65536x16xf32, #tpu.memory_space<hbm>>) dst(%dma_wait3A_373 : memref<128x16xf32, #tpu.memory_space<vmem>>)
      %dma_wait3A_380 = arith.constant 4 : i32
      %dma_wait3A_381 = arith.constant 0 : i32
      %dma_wait3A_382 = arith.constant 0 : i32
      %dma_wait3A_383 = tpu.memref_slice %arg8[%dma_wait3A_380, %dma_wait3A_381, %dma_wait3A_382] : memref<8x128x64xf32, #tpu.memory_space<vmem>> -> memref<1x128x64xf32, #tpu.memory_space<vmem>>
      %dma_wait3A_384 = tpu.memref_squeeze %dma_wait3A_383 : memref<1x128x64xf32, #tpu.memory_space<vmem>> -> memref<128x64xf32, #tpu.memory_space<vmem>>
      %dma_wait3A_385 = arith.constant 0 : i32
      %dma_wait3A_386 = tpu.memref_slice %arg6[%add3A_176, %dma_wait3A_385] : memref<32x128xi32, #tpu.memory_space<vmem>> -> memref<1x128xi32, #tpu.memory_space<vmem>>
      %dma_wait3A_387 = tpu.memref_squeeze %dma_wait3A_386 : memref<1x128xi32, #tpu.memory_space<vmem>> -> memref<128xi32, #tpu.memory_space<vmem>>
      %dma_wait3A_388 = arith.constant 0 : i32
      %dma_wait3A_389 = arith.constant 0 : i32
      %dma_wait3A_390 = tpu.memref_slice %arg3[%dma_wait3A_388, %dma_wait3A_389] : memref<65536x64xf32, #tpu.memory_space<hbm>> -> memref<65536x64xf32, #tpu.memory_space<hbm>>
      tpu.wait_indirect_dma semaphore(%arg10 : memref<!tpu.dma_semaphore, #tpu.memory_space<semaphore_mem>>) src(%dma_wait3A_390 : memref<65536x64xf32, #tpu.memory_space<hbm>>) dst(%dma_wait3A_384 : memref<128x64xf32, #tpu.memory_space<vmem>>)
      %dma_wait3A_391 = arith.constant 4 : i32
      %dma_wait3A_392 = arith.constant 0 : i32
      %dma_wait3A_393 = arith.constant 0 : i32
      %dma_wait3A_394 = tpu.memref_slice %arg7[%dma_wait3A_391, %dma_wait3A_392, %dma_wait3A_393] : memref<8x128x16xf32, #tpu.memory_space<vmem>> -> memref<1x128x16xf32, #tpu.memory_space<vmem>>
      %dma_wait3A_395 = tpu.memref_squeeze %dma_wait3A_394 : memref<1x128x16xf32, #tpu.memory_space<vmem>> -> memref<128x16xf32, #tpu.memory_space<vmem>>
      %dma_wait3A_396 = arith.constant 0 : i32
      %dma_wait3A_397 = tpu.memref_slice %arg6[%add3A_191, %dma_wait3A_396] : memref<32x128xi32, #tpu.memory_space<vmem>> -> memref<1x128xi32, #tpu.memory_space<vmem>>
      %dma_wait3A_398 = tpu.memref_squeeze %dma_wait3A_397 : memref<1x128xi32, #tpu.memory_space<vmem>> -> memref<128xi32, #tpu.memory_space<vmem>>
      %dma_wait3A_399 = arith.constant 0 : i32
      %dma_wait3A_400 = arith.constant 0 : i32
      %dma_wait3A_401 = tpu.memref_slice %arg2[%dma_wait3A_399, %dma_wait3A_400] : memref<65536x16xf32, #tpu.memory_space<hbm>> -> memref<65536x16xf32, #tpu.memory_space<hbm>>
      tpu.wait_indirect_dma semaphore(%arg10 : memref<!tpu.dma_semaphore, #tpu.memory_space<semaphore_mem>>) src(%dma_wait3A_401 : memref<65536x16xf32, #tpu.memory_space<hbm>>) dst(%dma_wait3A_395 : memref<128x16xf32, #tpu.memory_space<vmem>>)
      %dma_wait3A_402 = arith.constant 5 : i32
      %dma_wait3A_403 = arith.constant 0 : i32
      %dma_wait3A_404 = arith.constant 0 : i32
      %dma_wait3A_405 = tpu.memref_slice %arg8[%dma_wait3A_402, %dma_wait3A_403, %dma_wait3A_404] : memref<8x128x64xf32, #tpu.memory_space<vmem>> -> memref<1x128x64xf32, #tpu.memory_space<vmem>>
      %dma_wait3A_406 = tpu.memref_squeeze %dma_wait3A_405 : memref<1x128x64xf32, #tpu.memory_space<vmem>> -> memref<128x64xf32, #tpu.memory_space<vmem>>
      %dma_wait3A_407 = arith.constant 0 : i32
      %dma_wait3A_408 = tpu.memref_slice %arg6[%add3A_206, %dma_wait3A_407] : memref<32x128xi32, #tpu.memory_space<vmem>> -> memref<1x128xi32, #tpu.memory_space<vmem>>
      %dma_wait3A_409 = tpu.memref_squeeze %dma_wait3A_408 : memref<1x128xi32, #tpu.memory_space<vmem>> -> memref<128xi32, #tpu.memory_space<vmem>>
      %dma_wait3A_410 = arith.constant 0 : i32
      %dma_wait3A_411 = arith.constant 0 : i32
      %dma_wait3A_412 = tpu.memref_slice %arg3[%dma_wait3A_410, %dma_wait3A_411] : memref<65536x64xf32, #tpu.memory_space<hbm>> -> memref<65536x64xf32, #tpu.memory_space<hbm>>
      tpu.wait_indirect_dma semaphore(%arg10 : memref<!tpu.dma_semaphore, #tpu.memory_space<semaphore_mem>>) src(%dma_wait3A_412 : memref<65536x64xf32, #tpu.memory_space<hbm>>) dst(%dma_wait3A_406 : memref<128x64xf32, #tpu.memory_space<vmem>>)
      %dma_wait3A_413 = arith.constant 5 : i32
      %dma_wait3A_414 = arith.constant 0 : i32
      %dma_wait3A_415 = arith.constant 0 : i32
      %dma_wait3A_416 = tpu.memref_slice %arg7[%dma_wait3A_413, %dma_wait3A_414, %dma_wait3A_415] : memref<8x128x16xf32, #tpu.memory_space<vmem>> -> memref<1x128x16xf32, #tpu.memory_space<vmem>>
      %dma_wait3A_417 = tpu.memref_squeeze %dma_wait3A_416 : memref<1x128x16xf32, #tpu.memory_space<vmem>> -> memref<128x16xf32, #tpu.memory_space<vmem>>
      %dma_wait3A_418 = arith.constant 0 : i32
      %dma_wait3A_419 = tpu.memref_slice %arg6[%add3A_221, %dma_wait3A_418] : memref<32x128xi32, #tpu.memory_space<vmem>> -> memref<1x128xi32, #tpu.memory_space<vmem>>
      %dma_wait3A_420 = tpu.memref_squeeze %dma_wait3A_419 : memref<1x128xi32, #tpu.memory_space<vmem>> -> memref<128xi32, #tpu.memory_space<vmem>>
      %dma_wait3A_421 = arith.constant 0 : i32
      %dma_wait3A_422 = arith.constant 0 : i32
      %dma_wait3A_423 = tpu.memref_slice %arg2[%dma_wait3A_421, %dma_wait3A_422] : memref<65536x16xf32, #tpu.memory_space<hbm>> -> memref<65536x16xf32, #tpu.memory_space<hbm>>
      tpu.wait_indirect_dma semaphore(%arg10 : memref<!tpu.dma_semaphore, #tpu.memory_space<semaphore_mem>>) src(%dma_wait3A_423 : memref<65536x16xf32, #tpu.memory_space<hbm>>) dst(%dma_wait3A_417 : memref<128x16xf32, #tpu.memory_space<vmem>>)
      %dma_wait3A_424 = arith.constant 6 : i32
      %dma_wait3A_425 = arith.constant 0 : i32
      %dma_wait3A_426 = arith.constant 0 : i32
      %dma_wait3A_427 = tpu.memref_slice %arg8[%dma_wait3A_424, %dma_wait3A_425, %dma_wait3A_426] : memref<8x128x64xf32, #tpu.memory_space<vmem>> -> memref<1x128x64xf32, #tpu.memory_space<vmem>>
      %dma_wait3A_428 = tpu.memref_squeeze %dma_wait3A_427 : memref<1x128x64xf32, #tpu.memory_space<vmem>> -> memref<128x64xf32, #tpu.memory_space<vmem>>
      %dma_wait3A_429 = arith.constant 0 : i32
      %dma_wait3A_430 = tpu.memref_slice %arg6[%add3A_236, %dma_wait3A_429] : memref<32x128xi32, #tpu.memory_space<vmem>> -> memref<1x128xi32, #tpu.memory_space<vmem>>
      %dma_wait3A_431 = tpu.memref_squeeze %dma_wait3A_430 : memref<1x128xi32, #tpu.memory_space<vmem>> -> memref<128xi32, #tpu.memory_space<vmem>>
      %dma_wait3A_432 = arith.constant 0 : i32
      %dma_wait3A_433 = arith.constant 0 : i32
      %dma_wait3A_434 = tpu.memref_slice %arg3[%dma_wait3A_432, %dma_wait3A_433] : memref<65536x64xf32, #tpu.memory_space<hbm>> -> memref<65536x64xf32, #tpu.memory_space<hbm>>
      tpu.wait_indirect_dma semaphore(%arg10 : memref<!tpu.dma_semaphore, #tpu.memory_space<semaphore_mem>>) src(%dma_wait3A_434 : memref<65536x64xf32, #tpu.memory_space<hbm>>) dst(%dma_wait3A_428 : memref<128x64xf32, #tpu.memory_space<vmem>>)
      %dma_wait3A_435 = arith.constant 6 : i32
      %dma_wait3A_436 = arith.constant 0 : i32
      %dma_wait3A_437 = arith.constant 0 : i32
      %dma_wait3A_438 = tpu.memref_slice %arg7[%dma_wait3A_435, %dma_wait3A_436, %dma_wait3A_437] : memref<8x128x16xf32, #tpu.memory_space<vmem>> -> memref<1x128x16xf32, #tpu.memory_space<vmem>>
      %dma_wait3A_439 = tpu.memref_squeeze %dma_wait3A_438 : memref<1x128x16xf32, #tpu.memory_space<vmem>> -> memref<128x16xf32, #tpu.memory_space<vmem>>
      %dma_wait3A_440 = arith.constant 0 : i32
      %dma_wait3A_441 = tpu.memref_slice %arg6[%add3A_251, %dma_wait3A_440] : memref<32x128xi32, #tpu.memory_space<vmem>> -> memref<1x128xi32, #tpu.memory_space<vmem>>
      %dma_wait3A_442 = tpu.memref_squeeze %dma_wait3A_441 : memref<1x128xi32, #tpu.memory_space<vmem>> -> memref<128xi32, #tpu.memory_space<vmem>>
      %dma_wait3A_443 = arith.constant 0 : i32
      %dma_wait3A_444 = arith.constant 0 : i32
      %dma_wait3A_445 = tpu.memref_slice %arg2[%dma_wait3A_443, %dma_wait3A_444] : memref<65536x16xf32, #tpu.memory_space<hbm>> -> memref<65536x16xf32, #tpu.memory_space<hbm>>
      tpu.wait_indirect_dma semaphore(%arg10 : memref<!tpu.dma_semaphore, #tpu.memory_space<semaphore_mem>>) src(%dma_wait3A_445 : memref<65536x16xf32, #tpu.memory_space<hbm>>) dst(%dma_wait3A_439 : memref<128x16xf32, #tpu.memory_space<vmem>>)
      %dma_wait3A_446 = arith.constant 7 : i32
      %dma_wait3A_447 = arith.constant 0 : i32
      %dma_wait3A_448 = arith.constant 0 : i32
      %dma_wait3A_449 = tpu.memref_slice %arg8[%dma_wait3A_446, %dma_wait3A_447, %dma_wait3A_448] : memref<8x128x64xf32, #tpu.memory_space<vmem>> -> memref<1x128x64xf32, #tpu.memory_space<vmem>>
      %dma_wait3A_450 = tpu.memref_squeeze %dma_wait3A_449 : memref<1x128x64xf32, #tpu.memory_space<vmem>> -> memref<128x64xf32, #tpu.memory_space<vmem>>
      %dma_wait3A_451 = arith.constant 0 : i32
      %dma_wait3A_452 = tpu.memref_slice %arg6[%add3A_266, %dma_wait3A_451] : memref<32x128xi32, #tpu.memory_space<vmem>> -> memref<1x128xi32, #tpu.memory_space<vmem>>
      %dma_wait3A_453 = tpu.memref_squeeze %dma_wait3A_452 : memref<1x128xi32, #tpu.memory_space<vmem>> -> memref<128xi32, #tpu.memory_space<vmem>>
      %dma_wait3A_454 = arith.constant 0 : i32
      %dma_wait3A_455 = arith.constant 0 : i32
      %dma_wait3A_456 = tpu.memref_slice %arg3[%dma_wait3A_454, %dma_wait3A_455] : memref<65536x64xf32, #tpu.memory_space<hbm>> -> memref<65536x64xf32, #tpu.memory_space<hbm>>
      tpu.wait_indirect_dma semaphore(%arg10 : memref<!tpu.dma_semaphore, #tpu.memory_space<semaphore_mem>>) src(%dma_wait3A_456 : memref<65536x64xf32, #tpu.memory_space<hbm>>) dst(%dma_wait3A_450 : memref<128x64xf32, #tpu.memory_space<vmem>>)
      %dma_wait3A_457 = arith.constant 7 : i32
      %dma_wait3A_458 = arith.constant 0 : i32
      %dma_wait3A_459 = arith.constant 0 : i32
      %dma_wait3A_460 = tpu.memref_slice %arg7[%dma_wait3A_457, %dma_wait3A_458, %dma_wait3A_459] : memref<8x128x16xf32, #tpu.memory_space<vmem>> -> memref<1x128x16xf32, #tpu.memory_space<vmem>>
      %dma_wait3A_461 = tpu.memref_squeeze %dma_wait3A_460 : memref<1x128x16xf32, #tpu.memory_space<vmem>> -> memref<128x16xf32, #tpu.memory_space<vmem>>
      %dma_wait3A_462 = arith.constant 0 : i32
      %dma_wait3A_463 = tpu.memref_slice %arg6[%add3A_281, %dma_wait3A_462] : memref<32x128xi32, #tpu.memory_space<vmem>> -> memref<1x128xi32, #tpu.memory_space<vmem>>
      %dma_wait3A_464 = tpu.memref_squeeze %dma_wait3A_463 : memref<1x128xi32, #tpu.memory_space<vmem>> -> memref<128xi32, #tpu.memory_space<vmem>>
      %dma_wait3A_465 = arith.constant 0 : i32
      %dma_wait3A_466 = arith.constant 0 : i32
      %dma_wait3A_467 = tpu.memref_slice %arg2[%dma_wait3A_465, %dma_wait3A_466] : memref<65536x16xf32, #tpu.memory_space<hbm>> -> memref<65536x16xf32, #tpu.memory_space<hbm>>
      tpu.wait_indirect_dma semaphore(%arg10 : memref<!tpu.dma_semaphore, #tpu.memory_space<semaphore_mem>>) src(%dma_wait3A_467 : memref<65536x16xf32, #tpu.memory_space<hbm>>) dst(%dma_wait3A_461 : memref<128x16xf32, #tpu.memory_space<vmem>>)
      %scan3A_468 = arith.constant 0 : i32
      %scan3A_469 = arith.constant 0 : i32
      %scan3A_470 = arith.constant 128 : i32
      %scan3A_471 = arith.addi %scan3A_469, %scan3A_470 : i32
      %scan3A_472 = arith.constant 1 : i32
      scf.for %scan3A_479 = %scan3A_469 to %scan3A_471 step %scan3A_472  : i32 {
        %jit3A_480 = arith.constant 16 : i32
        %div3A_481 = arith.divsi %scan3A_479, %jit3A_480 : i32
        %sign3A_482 = arith.constant 0 : i32
        %sign3A_483 = arith.cmpi sgt, %scan3A_479, %sign3A_482 : i32
        %sign3A_484 = arith.extui %sign3A_483 : i1 to i32
        %sign3A_485 = arith.constant 0 : i32
        %sign3A_486 = arith.cmpi slt, %scan3A_479, %sign3A_485 : i32
        %sign3A_487 = arith.extui %sign3A_486 : i1 to i32
        %sign3A_488 = arith.subi %sign3A_484, %sign3A_487 : i32
        %sign3A_489 = arith.constant 0 : i32
        %sign3A_490 = arith.cmpi sgt, %jit3A_480, %sign3A_489 : i32
        %sign3A_491 = arith.extui %sign3A_490 : i1 to i32
        %sign3A_492 = arith.constant 0 : i32
        %sign3A_493 = arith.cmpi slt, %jit3A_480, %sign3A_492 : i32
        %sign3A_494 = arith.extui %sign3A_493 : i1 to i32
        %sign3A_495 = arith.subi %sign3A_491, %sign3A_494 : i32
        %ne3A_496 = arith.cmpi ne, %sign3A_488, %sign3A_495 : i32
        %rem3A_497 = arith.remsi %scan3A_479, %jit3A_480 : i32
        %ne3A_498 = arith.constant 0 : i32
        %ne3A_499 = arith.cmpi ne, %rem3A_497, %ne3A_498 : i32
        %and3A_500 = arith.andi %ne3A_496, %ne3A_499 : i1
        %sub3A_501 = arith.constant 1 : i32
        %sub3A_502 = arith.subi %div3A_481, %sub3A_501 : i32
        %select_n3A_503 = arith.select %and3A_500, %sub3A_502, %div3A_481 : i32
        %jit3A_504 = arith.constant 16 : i32
        %eq3A = arith.constant 0 : i32
        %eq3A_505 = arith.cmpi eq, %jit3A_504, %eq3A : i32
        %jit3A_506 = arith.constant 1 : i32
        %select_n3A_507 = arith.select %eq3A_505, %jit3A_506, %jit3A_504 : i32
        %rem3A_508 = arith.remsi %scan3A_479, %select_n3A_507 : i32
        %ne3A_509 = arith.constant 0 : i32
        %ne3A_510 = arith.cmpi ne, %rem3A_508, %ne3A_509 : i32
        %lt3A = arith.constant 0 : i32
        %lt3A_511 = arith.cmpi slt, %rem3A_508, %lt3A : i32
        %lt3A_512 = arith.constant 0 : i32
        %lt3A_513 = arith.cmpi slt, %select_n3A_507, %lt3A_512 : i32
        %ne3A_514 = arith.xori %lt3A_511, %lt3A_513 : i1
        %and3A_515 = arith.andi %ne3A_514, %ne3A_510 : i1
        %add3A_516 = arith.addi %rem3A_508, %select_n3A_507 : i32
        %select_n3A_517 = arith.select %and3A_515, %add3A_516, %rem3A_508 : i32
        %broadcast_in_dim3A = vector.broadcast %select_n3A_503 : i32 to vector<16xi32>
        %add3A_518 = arith.constant 0 : i32
        %add3A_519 = vector.broadcast %add3A_518 : i32 to vector<16xi32>
        %add3A_520 = arith.addi %iota3A, %add3A_519 : vector<16xi32>
        %mul3A_521 = arith.constant 8 : i32
        %mul3A_522 = arith.muli %select_n3A_517, %mul3A_521 : i32
        %shift_right_arithmetic3A = arith.constant 3 : i32
        %shift_right_arithmetic3A_523 = vector.broadcast %shift_right_arithmetic3A : i32 to vector<16xi32>
        %shift_right_arithmetic3A_524 = arith.shrsi %add3A_520, %shift_right_arithmetic3A_523 : vector<16xi32>
        %add3A_525 = vector.broadcast %mul3A_522 : i32 to vector<16xi32>
        %add3A_526 = arith.addi %add3A_525, %shift_right_arithmetic3A_524 : vector<16xi32>
        %and3A_527 = arith.constant 7 : i32
        %and3A_528 = vector.broadcast %and3A_527 : i32 to vector<16xi32>
        %and3A_529 = arith.andi %add3A_520, %and3A_528 : vector<16xi32>
        %mul3A_530 = arith.constant 4 : i32
        %mul3A_531 = vector.broadcast %mul3A_530 : i32 to vector<16xi32>
        %mul3A_532 = arith.muli %mul3A_531, %and3A_529 : vector<16xi32>
        %add3A_533 = vector.broadcast %add3A_43 : i32 to vector<16xi32>
        %add3A_534 = arith.addi %add3A_533, %mul3A_532 : vector<16xi32>
        %gather3A = tpu.vector_load_idx %arg8[%broadcast_in_dim3A, %add3A_526, %add3A_534] : memref<8x128x64xf32, #tpu.memory_space<vmem>>[vector<16xi32>, vector<16xi32>, vector<16xi32>], vector<16xf32>,
        %and3A_535 = arith.constant 7 : i32
        %and3A_536 = vector.broadcast %and3A_535 : i32 to vector<16xi32>
        %and3A_537 = arith.andi %add3A_520, %and3A_536 : vector<16xi32>
        %add3A_538 = vector.broadcast %mul3A_45 : i32 to vector<16xi32>
        %add3A_539 = arith.addi %add3A_538, %and3A_537 : vector<16xi32>
        %gather3A_540 = tpu.vector_load_idx %arg7[%broadcast_in_dim3A, %add3A_526, %add3A_539] : memref<8x128x16xf32, #tpu.memory_space<vmem>>[vector<16xi32>, vector<16xi32>, vector<16xi32>], vector<16xf32>,
        %mul3A_541 = arith.mulf %gather3A_540, %gather3A : vector<16xf32>
        %swap3A = arith.index_cast %scan3A_479 : i32 to index
        %swap3A_542 = arith.constant 0 : index
        %swap3A_543 = tpu.vector_load %arg9[%swap3A, %swap3A_542] {strides = array<i32>} : memref<128x64xf32, #tpu.memory_space<vmem>>, vector<16xf32>,
        tpu.vector_store %arg9[%swap3A, %swap3A_542], %mul3A_541 {strides = array<i32>} : memref<128x64xf32, #tpu.memory_space<vmem>>, vector<16xf32>,
        %add3A_544 = arith.constant 16 : i32
        %add3A_545 = vector.broadcast %add3A_544 : i32 to vector<16xi32>
        %add3A_546 = arith.addi %iota3A, %add3A_545 : vector<16xi32>
        %mul3A_547 = arith.constant 8 : i32
        %mul3A_548 = arith.muli %select_n3A_517, %mul3A_547 : i32
        %shift_right_arithmetic3A_549 = arith.constant 3 : i32
        %shift_right_arithmetic3A_550 = vector.broadcast %shift_right_arithmetic3A_549 : i32 to vector<16xi32>
        %shift_right_arithmetic3A_551 = arith.shrsi %add3A_546, %shift_right_arithmetic3A_550 : vector<16xi32>
        %add3A_552 = vector.broadcast %mul3A_548 : i32 to vector<16xi32>
        %add3A_553 = arith.addi %add3A_552, %shift_right_arithmetic3A_551 : vector<16xi32>
        %and3A_554 = arith.constant 7 : i32
        %and3A_555 = vector.broadcast %and3A_554 : i32 to vector<16xi32>
        %and3A_556 = arith.andi %add3A_546, %and3A_555 : vector<16xi32>
        %mul3A_557 = arith.constant 4 : i32
        %mul3A_558 = vector.broadcast %mul3A_557 : i32 to vector<16xi32>
        %mul3A_559 = arith.muli %mul3A_558, %and3A_556 : vector<16xi32>
        %add3A_560 = vector.broadcast %add3A_43 : i32 to vector<16xi32>
        %add3A_561 = arith.addi %add3A_560, %mul3A_559 : vector<16xi32>
        %gather3A_562 = tpu.vector_load_idx %arg8[%broadcast_in_dim3A, %add3A_553, %add3A_561] : memref<8x128x64xf32, #tpu.memory_space<vmem>>[vector<16xi32>, vector<16xi32>, vector<16xi32>], vector<16xf32>,
        %and3A_563 = arith.constant 7 : i32
        %and3A_564 = vector.broadcast %and3A_563 : i32 to vector<16xi32>
        %and3A_565 = arith.andi %add3A_546, %and3A_564 : vector<16xi32>
        %add3A_566 = vector.broadcast %mul3A_45 : i32 to vector<16xi32>
        %add3A_567 = arith.addi %add3A_566, %and3A_565 : vector<16xi32>
        %gather3A_568 = tpu.vector_load_idx %arg7[%broadcast_in_dim3A, %add3A_553, %add3A_567] : memref<8x128x16xf32, #tpu.memory_space<vmem>>[vector<16xi32>, vector<16xi32>, vector<16xi32>], vector<16xf32>,
        %mul3A_569 = arith.mulf %gather3A_568, %gather3A_562 : vector<16xf32>
        %swap3A_570 = arith.index_cast %scan3A_479 : i32 to index
        %swap3A_571 = arith.constant 16 : index
        %swap3A_572 = tpu.vector_load %arg9[%swap3A_570, %swap3A_571] {strides = array<i32>} : memref<128x64xf32, #tpu.memory_space<vmem>>, vector<16xf32>,
        tpu.vector_store %arg9[%swap3A_570, %swap3A_571], %mul3A_569 {strides = array<i32>} : memref<128x64xf32, #tpu.memory_space<vmem>>, vector<16xf32>,
        %add3A_573 = arith.constant 32 : i32
        %add3A_574 = vector.broadcast %add3A_573 : i32 to vector<16xi32>
        %add3A_575 = arith.addi %iota3A, %add3A_574 : vector<16xi32>
        %mul3A_576 = arith.constant 8 : i32
        %mul3A_577 = arith.muli %select_n3A_517, %mul3A_576 : i32
        %shift_right_arithmetic3A_578 = arith.constant 3 : i32
        %shift_right_arithmetic3A_579 = vector.broadcast %shift_right_arithmetic3A_578 : i32 to vector<16xi32>
        %shift_right_arithmetic3A_580 = arith.shrsi %add3A_575, %shift_right_arithmetic3A_579 : vector<16xi32>
        %add3A_581 = vector.broadcast %mul3A_577 : i32 to vector<16xi32>
        %add3A_582 = arith.addi %add3A_581, %shift_right_arithmetic3A_580 : vector<16xi32>
        %and3A_583 = arith.constant 7 : i32
        %and3A_584 = vector.broadcast %and3A_583 : i32 to vector<16xi32>
        %and3A_585 = arith.andi %add3A_575, %and3A_584 : vector<16xi32>
        %mul3A_586 = arith.constant 4 : i32
        %mul3A_587 = vector.broadcast %mul3A_586 : i32 to vector<16xi32>
        %mul3A_588 = arith.muli %mul3A_587, %and3A_585 : vector<16xi32>
        %add3A_589 = vector.broadcast %add3A_43 : i32 to vector<16xi32>
        %add3A_590 = arith.addi %add3A_589, %mul3A_588 : vector<16xi32>
        %gather3A_591 = tpu.vector_load_idx %arg8[%broadcast_in_dim3A, %add3A_582, %add3A_590] : memref<8x128x64xf32, #tpu.memory_space<vmem>>[vector<16xi32>, vector<16xi32>, vector<16xi32>], vector<16xf32>,
        %and3A_592 = arith.constant 7 : i32
        %and3A_593 = vector.broadcast %and3A_592 : i32 to vector<16xi32>
        %and3A_594 = arith.andi %add3A_575, %and3A_593 : vector<16xi32>
        %add3A_595 = vector.broadcast %mul3A_45 : i32 to vector<16xi32>
        %add3A_596 = arith.addi %add3A_595, %and3A_594 : vector<16xi32>
        %gather3A_597 = tpu.vector_load_idx %arg7[%broadcast_in_dim3A, %add3A_582, %add3A_596] : memref<8x128x16xf32, #tpu.memory_space<vmem>>[vector<16xi32>, vector<16xi32>, vector<16xi32>], vector<16xf32>,
        %mul3A_598 = arith.mulf %gather3A_597, %gather3A_591 : vector<16xf32>
        %swap3A_599 = arith.index_cast %scan3A_479 : i32 to index
        %swap3A_600 = arith.constant 32 : index
        %swap3A_601 = tpu.vector_load %arg9[%swap3A_599, %swap3A_600] {strides = array<i32>} : memref<128x64xf32, #tpu.memory_space<vmem>>, vector<16xf32>,
        tpu.vector_store %arg9[%swap3A_599, %swap3A_600], %mul3A_598 {strides = array<i32>} : memref<128x64xf32, #tpu.memory_space<vmem>>, vector<16xf32>,
        %add3A_602 = arith.constant 48 : i32
        %add3A_603 = vector.broadcast %add3A_602 : i32 to vector<16xi32>
        %add3A_604 = arith.addi %iota3A, %add3A_603 : vector<16xi32>
        %mul3A_605 = arith.constant 8 : i32
        %mul3A_606 = arith.muli %select_n3A_517, %mul3A_605 : i32
        %shift_right_arithmetic3A_607 = arith.constant 3 : i32
        %shift_right_arithmetic3A_608 = vector.broadcast %shift_right_arithmetic3A_607 : i32 to vector<16xi32>
        %shift_right_arithmetic3A_609 = arith.shrsi %add3A_604, %shift_right_arithmetic3A_608 : vector<16xi32>
        %add3A_610 = vector.broadcast %mul3A_606 : i32 to vector<16xi32>
        %add3A_611 = arith.addi %add3A_610, %shift_right_arithmetic3A_609 : vector<16xi32>
        %and3A_612 = arith.constant 7 : i32
        %and3A_613 = vector.broadcast %and3A_612 : i32 to vector<16xi32>
        %and3A_614 = arith.andi %add3A_604, %and3A_613 : vector<16xi32>
        %mul3A_615 = arith.constant 4 : i32
        %mul3A_616 = vector.broadcast %mul3A_615 : i32 to vector<16xi32>
        %mul3A_617 = arith.muli %mul3A_616, %and3A_614 : vector<16xi32>
        %add3A_618 = vector.broadcast %add3A_43 : i32 to vector<16xi32>
        %add3A_619 = arith.addi %add3A_618, %mul3A_617 : vector<16xi32>
        %gather3A_620 = tpu.vector_load_idx %arg8[%broadcast_in_dim3A, %add3A_611, %add3A_619] : memref<8x128x64xf32, #tpu.memory_space<vmem>>[vector<16xi32>, vector<16xi32>, vector<16xi32>], vector<16xf32>,
        %and3A_621 = arith.constant 7 : i32
        %and3A_622 = vector.broadcast %and3A_621 : i32 to vector<16xi32>
        %and3A_623 = arith.andi %add3A_604, %and3A_622 : vector<16xi32>
        %add3A_624 = vector.broadcast %mul3A_45 : i32 to vector<16xi32>
        %add3A_625 = arith.addi %add3A_624, %and3A_623 : vector<16xi32>
        %gather3A_626 = tpu.vector_load_idx %arg7[%broadcast_in_dim3A, %add3A_611, %add3A_625] : memref<8x128x16xf32, #tpu.memory_space<vmem>>[vector<16xi32>, vector<16xi32>, vector<16xi32>], vector<16xf32>,
        %mul3A_627 = arith.mulf %gather3A_626, %gather3A_620 : vector<16xf32>
        %swap3A_628 = arith.index_cast %scan3A_479 : i32 to index
        %swap3A_629 = arith.constant 48 : index
        %swap3A_630 = tpu.vector_load %arg9[%swap3A_628, %swap3A_629] {strides = array<i32>} : memref<128x64xf32, #tpu.memory_space<vmem>>, vector<16xf32>,
        tpu.vector_store %arg9[%swap3A_628, %swap3A_629], %mul3A_627 {strides = array<i32>} : memref<128x64xf32, #tpu.memory_space<vmem>>, vector<16xf32>,
      }
      %scan3A_473 = arith.constant 128 : i32
      %mul3A_474 = arith.constant 512 : i32
      %mul3A_475 = arith.muli %add3A, %mul3A_474 : i32
      %mul3A_476 = arith.constant 128 : i32
      %mul3A_477 = arith.muli %scan3A_53, %mul3A_476 : i32
      %add3A_478 = arith.addi %mul3A_475, %mul3A_477 : i32
      "tpu.region"() ({
        %run_scoped3A = tpu.sem_alloc : memref<!tpu.dma_semaphore, #tpu.memory_space<semaphore_mem>>
        %dma_start3A_479 = arith.constant 0 : i32
        %dma_start3A_480 = tpu.memref_slice %arg5[%add3A_478, %dma_start3A_479] : memref<16384x64xf32, #tpu.memory_space<hbm>> -> memref<128x64xf32, #tpu.memory_space<hbm>>
        %dma_start3A_481 = arith.constant 0 : i32
        %dma_start3A_482 = tpu.memref_slice %arg5[%add3A_478, %dma_start3A_481] : memref<16384x64xf32, #tpu.memory_space<hbm>> -> memref<128x64xf32, #tpu.memory_space<hbm>>
        tpu.enqueue_dma source(%arg9 : memref<128x64xf32, #tpu.memory_space<vmem>>) target(%dma_start3A_482 : memref<128x64xf32, #tpu.memory_space<hbm>>) target_semaphore(%run_scoped3A : memref<!tpu.dma_semaphore, #tpu.memory_space<semaphore_mem>>)
        %dma_wait3A_483 = arith.constant 0 : i32
        %dma_wait3A_484 = tpu.memref_slice %arg5[%add3A_478, %dma_wait3A_483] : memref<16384x64xf32, #tpu.memory_space<hbm>> -> memref<128x64xf32, #tpu.memory_space<hbm>>
        %dma_wait3A_485 = arith.constant 0 : i32
        %dma_wait3A_486 = tpu.memref_slice %arg5[%add3A_478, %dma_wait3A_485] : memref<16384x64xf32, #tpu.memory_space<hbm>> -> memref<128x64xf32, #tpu.memory_space<hbm>>
        tpu.wait_dma2 semaphore(%run_scoped3A : memref<!tpu.dma_semaphore, #tpu.memory_space<semaphore_mem>>) src(%arg9 : memref<128x64xf32, #tpu.memory_space<vmem>>) dst(%dma_wait3A_486 : memref<128x64xf32, #tpu.memory_space<hbm>>)
        tpu.yield
      }) : () -> ()
    }
    %scan3A_52 = arith.constant 4 : i32
    return
  }
}

#map = affine_map<(d0, d1) -> (0, 0, 0)>
#map1 = affine_map<(d0, d1) -> (0, 0)>
module attributes {stable_mosaic.version = 14 : i64} {
  func.func @_scatter_body(%arg0: i32, %arg1: i32, %arg2: memref<2048x128x16xf32, #tpu.memory_space<hbm>>, %arg3: memref<2048x128xi32, #tpu.memory_space<hbm>>, %arg4: memref<16384x16xf32, #tpu.memory_space<hbm>>, %arg5: memref<16384x16xf32, #tpu.memory_space<hbm>>, %arg6: memref<16384x16xf32, #tpu.memory_space<hbm>>, %arg7: memref<16384x16xf32, #tpu.memory_space<vmem_shared>>, %arg8: memref<8x128x16xf32, #tpu.memory_space<vmem>>, %arg9: memref<64x128xi32, #tpu.memory_space<vmem>>, %arg10: memref<!tpu.dma_semaphore, #tpu.memory_space<semaphore_mem>>) attributes {dimension_semantics = [#tpu.dimension_semantics<core_parallel>, #tpu.dimension_semantics<subcore_parallel>], iteration_bounds = array<i64: 2, 16>, scalar_prefetch = 0 : i64, scratch_operands = 4 : i64, tpu.core_type = #tpu.core_type<sc_vector_subcore>, window_params = [{transform_indices = #map}, {transform_indices = #map1}, {transform_indices = #map1}, {transform_indices = #map1}, {transform_indices = #map1}]} {
    %mul3A = arith.constant 2 : i32
    %mul3A_0 = arith.muli %arg1, %mul3A : i32
    %add3A = arith.addi %mul3A_0, %arg0 : i32
    %mul3A_1 = arith.constant 1024 : i32
    %mul3A_2 = arith.muli %arg1, %mul3A_1 : i32
    %mul3A_3 = arith.constant 1024 : i32
    %mul3A_4 = arith.muli %arg1, %mul3A_3 : i32
    "tpu.region"() ({
      %run_scoped3A = tpu.sem_alloc : memref<!tpu.dma_semaphore, #tpu.memory_space<semaphore_mem>>
      %dma_start3A = arith.constant 0 : i32
      %dma_start3A_20 = tpu.memref_slice %arg7[%mul3A_4, %dma_start3A] : memref<16384x16xf32, #tpu.memory_space<vmem_shared>> -> memref<1024x16xf32, #tpu.memory_space<vmem_shared>>
      %dma_start3A_21 = arith.constant 0 : i32
      %dma_start3A_22 = tpu.memref_slice %arg4[%mul3A_2, %dma_start3A_21] : memref<16384x16xf32, #tpu.memory_space<hbm>> -> memref<1024x16xf32, #tpu.memory_space<hbm>>
      tpu.enqueue_dma source(%dma_start3A_22 : memref<1024x16xf32, #tpu.memory_space<hbm>>) target(%dma_start3A_20 : memref<1024x16xf32, #tpu.memory_space<vmem_shared>>) target_semaphore(%run_scoped3A : memref<!tpu.dma_semaphore, #tpu.memory_space<semaphore_mem>>)
      %dma_wait3A = arith.constant 0 : i32
      %dma_wait3A_23 = tpu.memref_slice %arg7[%mul3A_4, %dma_wait3A] : memref<16384x16xf32, #tpu.memory_space<vmem_shared>> -> memref<1024x16xf32, #tpu.memory_space<vmem_shared>>
      %dma_wait3A_24 = arith.constant 0 : i32
      %dma_wait3A_25 = tpu.memref_slice %arg4[%mul3A_2, %dma_wait3A_24] : memref<16384x16xf32, #tpu.memory_space<hbm>> -> memref<1024x16xf32, #tpu.memory_space<hbm>>
      tpu.wait_dma2 semaphore(%run_scoped3A : memref<!tpu.dma_semaphore, #tpu.memory_space<semaphore_mem>>) src(%dma_wait3A_25 : memref<1024x16xf32, #tpu.memory_space<hbm>>) dst(%dma_wait3A_23 : memref<1024x16xf32, #tpu.memory_space<vmem_shared>>)
      tpu.yield
    }) : () -> ()
    %barrier3A = arith.constant 0 : index
    tpu.barrier barrier_id(%barrier3A)
    %mul3A_5 = arith.constant 64 : i32
    %mul3A_6 = arith.muli %add3A, %mul3A_5 : i32
    "tpu.region"() ({
      %run_scoped3A = tpu.sem_alloc : memref<!tpu.dma_semaphore, #tpu.memory_space<semaphore_mem>>
      %dma_start3A = arith.constant 0 : i32
      %dma_start3A_20 = tpu.memref_slice %arg3[%mul3A_6, %dma_start3A] : memref<2048x128xi32, #tpu.memory_space<hbm>> -> memref<64x128xi32, #tpu.memory_space<hbm>>
      %dma_start3A_21 = arith.constant 0 : i32
      %dma_start3A_22 = tpu.memref_slice %arg3[%mul3A_6, %dma_start3A_21] : memref<2048x128xi32, #tpu.memory_space<hbm>> -> memref<64x128xi32, #tpu.memory_space<hbm>>
      tpu.enqueue_dma source(%dma_start3A_22 : memref<64x128xi32, #tpu.memory_space<hbm>>) target(%arg9 : memref<64x128xi32, #tpu.memory_space<vmem>>) target_semaphore(%run_scoped3A : memref<!tpu.dma_semaphore, #tpu.memory_space<semaphore_mem>>)
      %dma_wait3A = arith.constant 0 : i32
      %dma_wait3A_23 = tpu.memref_slice %arg3[%mul3A_6, %dma_wait3A] : memref<2048x128xi32, #tpu.memory_space<hbm>> -> memref<64x128xi32, #tpu.memory_space<hbm>>
      %dma_wait3A_24 = arith.constant 0 : i32
      %dma_wait3A_25 = tpu.memref_slice %arg3[%mul3A_6, %dma_wait3A_24] : memref<2048x128xi32, #tpu.memory_space<hbm>> -> memref<64x128xi32, #tpu.memory_space<hbm>>
      tpu.wait_dma2 semaphore(%run_scoped3A : memref<!tpu.dma_semaphore, #tpu.memory_space<semaphore_mem>>) src(%dma_wait3A_25 : memref<64x128xi32, #tpu.memory_space<hbm>>) dst(%arg9 : memref<64x128xi32, #tpu.memory_space<vmem>>)
      tpu.yield
    }) : () -> ()
    %scan3A = arith.constant 0 : i32
    %scan3A_7 = arith.constant 0 : i32
    %scan3A_8 = arith.constant 8 : i32
    %scan3A_9 = arith.addi %scan3A_7, %scan3A_8 : i32
    %scan3A_10 = arith.constant 1 : i32
    scf.for %scan3A_20 = %scan3A_7 to %scan3A_9 step %scan3A_10  : i32 {
      %mul3A_21 = arith.constant 8 : i32
      %mul3A_22 = arith.muli %scan3A_20, %mul3A_21 : i32
      %add3A_23 = arith.addi %mul3A_6, %mul3A_22 : i32
      %dma_start3A = arith.constant 0 : i32
      %dma_start3A_24 = arith.constant 0 : i32
      %dma_start3A_25 = tpu.memref_slice %arg2[%add3A_23, %dma_start3A, %dma_start3A_24] : memref<2048x128x16xf32, #tpu.memory_space<hbm>> -> memref<8x128x16xf32, #tpu.memory_space<hbm>>
      %dma_start3A_26 = arith.constant 0 : i32
      %dma_start3A_27 = arith.constant 0 : i32
      %dma_start3A_28 = tpu.memref_slice %arg2[%add3A_23, %dma_start3A_26, %dma_start3A_27] : memref<2048x128x16xf32, #tpu.memory_space<hbm>> -> memref<8x128x16xf32, #tpu.memory_space<hbm>>
      tpu.enqueue_dma source(%dma_start3A_28 : memref<8x128x16xf32, #tpu.memory_space<hbm>>) target(%arg8 : memref<8x128x16xf32, #tpu.memory_space<vmem>>) target_semaphore(%arg10 : memref<!tpu.dma_semaphore, #tpu.memory_space<semaphore_mem>>)
      %dma_wait3A = arith.constant 0 : i32
      %dma_wait3A_29 = arith.constant 0 : i32
      %dma_wait3A_30 = tpu.memref_slice %arg2[%add3A_23, %dma_wait3A, %dma_wait3A_29] : memref<2048x128x16xf32, #tpu.memory_space<hbm>> -> memref<8x128x16xf32, #tpu.memory_space<hbm>>
      %dma_wait3A_31 = arith.constant 0 : i32
      %dma_wait3A_32 = arith.constant 0 : i32
      %dma_wait3A_33 = tpu.memref_slice %arg2[%add3A_23, %dma_wait3A_31, %dma_wait3A_32] : memref<2048x128x16xf32, #tpu.memory_space<hbm>> -> memref<8x128x16xf32, #tpu.memory_space<hbm>>
      tpu.wait_dma2 semaphore(%arg10 : memref<!tpu.dma_semaphore, #tpu.memory_space<semaphore_mem>>) src(%dma_wait3A_33 : memref<8x128x16xf32, #tpu.memory_space<hbm>>) dst(%arg8 : memref<8x128x16xf32, #tpu.memory_space<vmem>>)
      %mul3A_34 = arith.constant 8 : i32
      %mul3A_35 = arith.muli %scan3A_20, %mul3A_34 : i32
      %add3A_36 = arith.constant 0 : i32
      %add3A_37 = arith.addi %mul3A_35, %add3A_36 : i32
      %dma_start3A_38 = arith.constant 0 : i32
      %dma_start3A_39 = arith.constant 0 : i32
      %dma_start3A_40 = arith.constant 0 : i32
      %dma_start3A_41 = tpu.memref_slice %arg8[%dma_start3A_38, %dma_start3A_39, %dma_start3A_40] : memref<8x128x16xf32, #tpu.memory_space<vmem>> -> memref<1x128x16xf32, #tpu.memory_space<vmem>>
      %dma_start3A_42 = tpu.memref_squeeze %dma_start3A_41 : memref<1x128x16xf32, #tpu.memory_space<vmem>> -> memref<128x16xf32, #tpu.memory_space<vmem>>
      %dma_start3A_43 = arith.constant 0 : i32
      %dma_start3A_44 = tpu.memref_slice %arg9[%add3A_37, %dma_start3A_43] : memref<64x128xi32, #tpu.memory_space<vmem>> -> memref<1x128xi32, #tpu.memory_space<vmem>>
      %dma_start3A_45 = tpu.memref_squeeze %dma_start3A_44 : memref<1x128xi32, #tpu.memory_space<vmem>> -> memref<128xi32, #tpu.memory_space<vmem>>
      %dma_start3A_46 = arith.constant 0 : i32
      %dma_start3A_47 = arith.constant 0 : i32
      %dma_start3A_48 = tpu.memref_slice %arg7[%dma_start3A_46, %dma_start3A_47] : memref<16384x16xf32, #tpu.memory_space<vmem_shared>> -> memref<16384x16xf32, #tpu.memory_space<vmem_shared>>
      tpu.enqueue_indirect_dma source(%dma_start3A_42 : memref<128x16xf32, #tpu.memory_space<vmem>>) target(%dma_start3A_48 : memref<16384x16xf32, #tpu.memory_space<vmem_shared>>) offsets(%dma_start3A_45 : memref<128xi32, #tpu.memory_space<vmem>>) semaphore(%arg10 : memref<!tpu.dma_semaphore, #tpu.memory_space<semaphore_mem>>) {add = true}
      %mul3A_49 = arith.constant 8 : i32
      %mul3A_50 = arith.muli %scan3A_20, %mul3A_49 : i32
      %add3A_51 = arith.constant 1 : i32
      %add3A_52 = arith.addi %mul3A_50, %add3A_51 : i32
      %dma_start3A_53 = arith.constant 1 : i32
      %dma_start3A_54 = arith.constant 0 : i32
      %dma_start3A_55 = arith.constant 0 : i32
      %dma_start3A_56 = tpu.memref_slice %arg8[%dma_start3A_53, %dma_start3A_54, %dma_start3A_55] : memref<8x128x16xf32, #tpu.memory_space<vmem>> -> memref<1x128x16xf32, #tpu.memory_space<vmem>>
      %dma_start3A_57 = tpu.memref_squeeze %dma_start3A_56 : memref<1x128x16xf32, #tpu.memory_space<vmem>> -> memref<128x16xf32, #tpu.memory_space<vmem>>
      %dma_start3A_58 = arith.constant 0 : i32
      %dma_start3A_59 = tpu.memref_slice %arg9[%add3A_52, %dma_start3A_58] : memref<64x128xi32, #tpu.memory_space<vmem>> -> memref<1x128xi32, #tpu.memory_space<vmem>>
      %dma_start3A_60 = tpu.memref_squeeze %dma_start3A_59 : memref<1x128xi32, #tpu.memory_space<vmem>> -> memref<128xi32, #tpu.memory_space<vmem>>
      %dma_start3A_61 = arith.constant 0 : i32
      %dma_start3A_62 = arith.constant 0 : i32
      %dma_start3A_63 = tpu.memref_slice %arg7[%dma_start3A_61, %dma_start3A_62] : memref<16384x16xf32, #tpu.memory_space<vmem_shared>> -> memref<16384x16xf32, #tpu.memory_space<vmem_shared>>
      tpu.enqueue_indirect_dma source(%dma_start3A_57 : memref<128x16xf32, #tpu.memory_space<vmem>>) target(%dma_start3A_63 : memref<16384x16xf32, #tpu.memory_space<vmem_shared>>) offsets(%dma_start3A_60 : memref<128xi32, #tpu.memory_space<vmem>>) semaphore(%arg10 : memref<!tpu.dma_semaphore, #tpu.memory_space<semaphore_mem>>) {add = true}
      %mul3A_64 = arith.constant 8 : i32
      %mul3A_65 = arith.muli %scan3A_20, %mul3A_64 : i32
      %add3A_66 = arith.constant 2 : i32
      %add3A_67 = arith.addi %mul3A_65, %add3A_66 : i32
      %dma_start3A_68 = arith.constant 2 : i32
      %dma_start3A_69 = arith.constant 0 : i32
      %dma_start3A_70 = arith.constant 0 : i32
      %dma_start3A_71 = tpu.memref_slice %arg8[%dma_start3A_68, %dma_start3A_69, %dma_start3A_70] : memref<8x128x16xf32, #tpu.memory_space<vmem>> -> memref<1x128x16xf32, #tpu.memory_space<vmem>>
      %dma_start3A_72 = tpu.memref_squeeze %dma_start3A_71 : memref<1x128x16xf32, #tpu.memory_space<vmem>> -> memref<128x16xf32, #tpu.memory_space<vmem>>
      %dma_start3A_73 = arith.constant 0 : i32
      %dma_start3A_74 = tpu.memref_slice %arg9[%add3A_67, %dma_start3A_73] : memref<64x128xi32, #tpu.memory_space<vmem>> -> memref<1x128xi32, #tpu.memory_space<vmem>>
      %dma_start3A_75 = tpu.memref_squeeze %dma_start3A_74 : memref<1x128xi32, #tpu.memory_space<vmem>> -> memref<128xi32, #tpu.memory_space<vmem>>
      %dma_start3A_76 = arith.constant 0 : i32
      %dma_start3A_77 = arith.constant 0 : i32
      %dma_start3A_78 = tpu.memref_slice %arg7[%dma_start3A_76, %dma_start3A_77] : memref<16384x16xf32, #tpu.memory_space<vmem_shared>> -> memref<16384x16xf32, #tpu.memory_space<vmem_shared>>
      tpu.enqueue_indirect_dma source(%dma_start3A_72 : memref<128x16xf32, #tpu.memory_space<vmem>>) target(%dma_start3A_78 : memref<16384x16xf32, #tpu.memory_space<vmem_shared>>) offsets(%dma_start3A_75 : memref<128xi32, #tpu.memory_space<vmem>>) semaphore(%arg10 : memref<!tpu.dma_semaphore, #tpu.memory_space<semaphore_mem>>) {add = true}
      %mul3A_79 = arith.constant 8 : i32
      %mul3A_80 = arith.muli %scan3A_20, %mul3A_79 : i32
      %add3A_81 = arith.constant 3 : i32
      %add3A_82 = arith.addi %mul3A_80, %add3A_81 : i32
      %dma_start3A_83 = arith.constant 3 : i32
      %dma_start3A_84 = arith.constant 0 : i32
      %dma_start3A_85 = arith.constant 0 : i32
      %dma_start3A_86 = tpu.memref_slice %arg8[%dma_start3A_83, %dma_start3A_84, %dma_start3A_85] : memref<8x128x16xf32, #tpu.memory_space<vmem>> -> memref<1x128x16xf32, #tpu.memory_space<vmem>>
      %dma_start3A_87 = tpu.memref_squeeze %dma_start3A_86 : memref<1x128x16xf32, #tpu.memory_space<vmem>> -> memref<128x16xf32, #tpu.memory_space<vmem>>
      %dma_start3A_88 = arith.constant 0 : i32
      %dma_start3A_89 = tpu.memref_slice %arg9[%add3A_82, %dma_start3A_88] : memref<64x128xi32, #tpu.memory_space<vmem>> -> memref<1x128xi32, #tpu.memory_space<vmem>>
      %dma_start3A_90 = tpu.memref_squeeze %dma_start3A_89 : memref<1x128xi32, #tpu.memory_space<vmem>> -> memref<128xi32, #tpu.memory_space<vmem>>
      %dma_start3A_91 = arith.constant 0 : i32
      %dma_start3A_92 = arith.constant 0 : i32
      %dma_start3A_93 = tpu.memref_slice %arg7[%dma_start3A_91, %dma_start3A_92] : memref<16384x16xf32, #tpu.memory_space<vmem_shared>> -> memref<16384x16xf32, #tpu.memory_space<vmem_shared>>
      tpu.enqueue_indirect_dma source(%dma_start3A_87 : memref<128x16xf32, #tpu.memory_space<vmem>>) target(%dma_start3A_93 : memref<16384x16xf32, #tpu.memory_space<vmem_shared>>) offsets(%dma_start3A_90 : memref<128xi32, #tpu.memory_space<vmem>>) semaphore(%arg10 : memref<!tpu.dma_semaphore, #tpu.memory_space<semaphore_mem>>) {add = true}
      %mul3A_94 = arith.constant 8 : i32
      %mul3A_95 = arith.muli %scan3A_20, %mul3A_94 : i32
      %add3A_96 = arith.constant 4 : i32
      %add3A_97 = arith.addi %mul3A_95, %add3A_96 : i32
      %dma_start3A_98 = arith.constant 4 : i32
      %dma_start3A_99 = arith.constant 0 : i32
      %dma_start3A_100 = arith.constant 0 : i32
      %dma_start3A_101 = tpu.memref_slice %arg8[%dma_start3A_98, %dma_start3A_99, %dma_start3A_100] : memref<8x128x16xf32, #tpu.memory_space<vmem>> -> memref<1x128x16xf32, #tpu.memory_space<vmem>>
      %dma_start3A_102 = tpu.memref_squeeze %dma_start3A_101 : memref<1x128x16xf32, #tpu.memory_space<vmem>> -> memref<128x16xf32, #tpu.memory_space<vmem>>
      %dma_start3A_103 = arith.constant 0 : i32
      %dma_start3A_104 = tpu.memref_slice %arg9[%add3A_97, %dma_start3A_103] : memref<64x128xi32, #tpu.memory_space<vmem>> -> memref<1x128xi32, #tpu.memory_space<vmem>>
      %dma_start3A_105 = tpu.memref_squeeze %dma_start3A_104 : memref<1x128xi32, #tpu.memory_space<vmem>> -> memref<128xi32, #tpu.memory_space<vmem>>
      %dma_start3A_106 = arith.constant 0 : i32
      %dma_start3A_107 = arith.constant 0 : i32
      %dma_start3A_108 = tpu.memref_slice %arg7[%dma_start3A_106, %dma_start3A_107] : memref<16384x16xf32, #tpu.memory_space<vmem_shared>> -> memref<16384x16xf32, #tpu.memory_space<vmem_shared>>
      tpu.enqueue_indirect_dma source(%dma_start3A_102 : memref<128x16xf32, #tpu.memory_space<vmem>>) target(%dma_start3A_108 : memref<16384x16xf32, #tpu.memory_space<vmem_shared>>) offsets(%dma_start3A_105 : memref<128xi32, #tpu.memory_space<vmem>>) semaphore(%arg10 : memref<!tpu.dma_semaphore, #tpu.memory_space<semaphore_mem>>) {add = true}
      %mul3A_109 = arith.constant 8 : i32
      %mul3A_110 = arith.muli %scan3A_20, %mul3A_109 : i32
      %add3A_111 = arith.constant 5 : i32
      %add3A_112 = arith.addi %mul3A_110, %add3A_111 : i32
      %dma_start3A_113 = arith.constant 5 : i32
      %dma_start3A_114 = arith.constant 0 : i32
      %dma_start3A_115 = arith.constant 0 : i32
      %dma_start3A_116 = tpu.memref_slice %arg8[%dma_start3A_113, %dma_start3A_114, %dma_start3A_115] : memref<8x128x16xf32, #tpu.memory_space<vmem>> -> memref<1x128x16xf32, #tpu.memory_space<vmem>>
      %dma_start3A_117 = tpu.memref_squeeze %dma_start3A_116 : memref<1x128x16xf32, #tpu.memory_space<vmem>> -> memref<128x16xf32, #tpu.memory_space<vmem>>
      %dma_start3A_118 = arith.constant 0 : i32
      %dma_start3A_119 = tpu.memref_slice %arg9[%add3A_112, %dma_start3A_118] : memref<64x128xi32, #tpu.memory_space<vmem>> -> memref<1x128xi32, #tpu.memory_space<vmem>>
      %dma_start3A_120 = tpu.memref_squeeze %dma_start3A_119 : memref<1x128xi32, #tpu.memory_space<vmem>> -> memref<128xi32, #tpu.memory_space<vmem>>
      %dma_start3A_121 = arith.constant 0 : i32
      %dma_start3A_122 = arith.constant 0 : i32
      %dma_start3A_123 = tpu.memref_slice %arg7[%dma_start3A_121, %dma_start3A_122] : memref<16384x16xf32, #tpu.memory_space<vmem_shared>> -> memref<16384x16xf32, #tpu.memory_space<vmem_shared>>
      tpu.enqueue_indirect_dma source(%dma_start3A_117 : memref<128x16xf32, #tpu.memory_space<vmem>>) target(%dma_start3A_123 : memref<16384x16xf32, #tpu.memory_space<vmem_shared>>) offsets(%dma_start3A_120 : memref<128xi32, #tpu.memory_space<vmem>>) semaphore(%arg10 : memref<!tpu.dma_semaphore, #tpu.memory_space<semaphore_mem>>) {add = true}
      %mul3A_124 = arith.constant 8 : i32
      %mul3A_125 = arith.muli %scan3A_20, %mul3A_124 : i32
      %add3A_126 = arith.constant 6 : i32
      %add3A_127 = arith.addi %mul3A_125, %add3A_126 : i32
      %dma_start3A_128 = arith.constant 6 : i32
      %dma_start3A_129 = arith.constant 0 : i32
      %dma_start3A_130 = arith.constant 0 : i32
      %dma_start3A_131 = tpu.memref_slice %arg8[%dma_start3A_128, %dma_start3A_129, %dma_start3A_130] : memref<8x128x16xf32, #tpu.memory_space<vmem>> -> memref<1x128x16xf32, #tpu.memory_space<vmem>>
      %dma_start3A_132 = tpu.memref_squeeze %dma_start3A_131 : memref<1x128x16xf32, #tpu.memory_space<vmem>> -> memref<128x16xf32, #tpu.memory_space<vmem>>
      %dma_start3A_133 = arith.constant 0 : i32
      %dma_start3A_134 = tpu.memref_slice %arg9[%add3A_127, %dma_start3A_133] : memref<64x128xi32, #tpu.memory_space<vmem>> -> memref<1x128xi32, #tpu.memory_space<vmem>>
      %dma_start3A_135 = tpu.memref_squeeze %dma_start3A_134 : memref<1x128xi32, #tpu.memory_space<vmem>> -> memref<128xi32, #tpu.memory_space<vmem>>
      %dma_start3A_136 = arith.constant 0 : i32
      %dma_start3A_137 = arith.constant 0 : i32
      %dma_start3A_138 = tpu.memref_slice %arg7[%dma_start3A_136, %dma_start3A_137] : memref<16384x16xf32, #tpu.memory_space<vmem_shared>> -> memref<16384x16xf32, #tpu.memory_space<vmem_shared>>
      tpu.enqueue_indirect_dma source(%dma_start3A_132 : memref<128x16xf32, #tpu.memory_space<vmem>>) target(%dma_start3A_138 : memref<16384x16xf32, #tpu.memory_space<vmem_shared>>) offsets(%dma_start3A_135 : memref<128xi32, #tpu.memory_space<vmem>>) semaphore(%arg10 : memref<!tpu.dma_semaphore, #tpu.memory_space<semaphore_mem>>) {add = true}
      %mul3A_139 = arith.constant 8 : i32
      %mul3A_140 = arith.muli %scan3A_20, %mul3A_139 : i32
      %add3A_141 = arith.constant 7 : i32
      %add3A_142 = arith.addi %mul3A_140, %add3A_141 : i32
      %dma_start3A_143 = arith.constant 7 : i32
      %dma_start3A_144 = arith.constant 0 : i32
      %dma_start3A_145 = arith.constant 0 : i32
      %dma_start3A_146 = tpu.memref_slice %arg8[%dma_start3A_143, %dma_start3A_144, %dma_start3A_145] : memref<8x128x16xf32, #tpu.memory_space<vmem>> -> memref<1x128x16xf32, #tpu.memory_space<vmem>>
      %dma_start3A_147 = tpu.memref_squeeze %dma_start3A_146 : memref<1x128x16xf32, #tpu.memory_space<vmem>> -> memref<128x16xf32, #tpu.memory_space<vmem>>
      %dma_start3A_148 = arith.constant 0 : i32
      %dma_start3A_149 = tpu.memref_slice %arg9[%add3A_142, %dma_start3A_148] : memref<64x128xi32, #tpu.memory_space<vmem>> -> memref<1x128xi32, #tpu.memory_space<vmem>>
      %dma_start3A_150 = tpu.memref_squeeze %dma_start3A_149 : memref<1x128xi32, #tpu.memory_space<vmem>> -> memref<128xi32, #tpu.memory_space<vmem>>
      %dma_start3A_151 = arith.constant 0 : i32
      %dma_start3A_152 = arith.constant 0 : i32
      %dma_start3A_153 = tpu.memref_slice %arg7[%dma_start3A_151, %dma_start3A_152] : memref<16384x16xf32, #tpu.memory_space<vmem_shared>> -> memref<16384x16xf32, #tpu.memory_space<vmem_shared>>
      tpu.enqueue_indirect_dma source(%dma_start3A_147 : memref<128x16xf32, #tpu.memory_space<vmem>>) target(%dma_start3A_153 : memref<16384x16xf32, #tpu.memory_space<vmem_shared>>) offsets(%dma_start3A_150 : memref<128xi32, #tpu.memory_space<vmem>>) semaphore(%arg10 : memref<!tpu.dma_semaphore, #tpu.memory_space<semaphore_mem>>) {add = true}
      %dma_wait3A_154 = arith.constant 0 : i32
      %dma_wait3A_155 = arith.constant 0 : i32
      %dma_wait3A_156 = arith.constant 0 : i32
      %dma_wait3A_157 = tpu.memref_slice %arg8[%dma_wait3A_154, %dma_wait3A_155, %dma_wait3A_156] : memref<8x128x16xf32, #tpu.memory_space<vmem>> -> memref<1x128x16xf32, #tpu.memory_space<vmem>>
      %dma_wait3A_158 = tpu.memref_squeeze %dma_wait3A_157 : memref<1x128x16xf32, #tpu.memory_space<vmem>> -> memref<128x16xf32, #tpu.memory_space<vmem>>
      %dma_wait3A_159 = arith.constant 0 : i32
      %dma_wait3A_160 = tpu.memref_slice %arg9[%add3A_37, %dma_wait3A_159] : memref<64x128xi32, #tpu.memory_space<vmem>> -> memref<1x128xi32, #tpu.memory_space<vmem>>
      %dma_wait3A_161 = tpu.memref_squeeze %dma_wait3A_160 : memref<1x128xi32, #tpu.memory_space<vmem>> -> memref<128xi32, #tpu.memory_space<vmem>>
      %dma_wait3A_162 = arith.constant 0 : i32
      %dma_wait3A_163 = arith.constant 0 : i32
      %dma_wait3A_164 = tpu.memref_slice %arg7[%dma_wait3A_162, %dma_wait3A_163] : memref<16384x16xf32, #tpu.memory_space<vmem_shared>> -> memref<16384x16xf32, #tpu.memory_space<vmem_shared>>
      tpu.wait_indirect_dma semaphore(%arg10 : memref<!tpu.dma_semaphore, #tpu.memory_space<semaphore_mem>>) src(%dma_wait3A_158 : memref<128x16xf32, #tpu.memory_space<vmem>>) dst(%dma_wait3A_164 : memref<16384x16xf32, #tpu.memory_space<vmem_shared>>)
      %dma_wait3A_165 = arith.constant 1 : i32
      %dma_wait3A_166 = arith.constant 0 : i32
      %dma_wait3A_167 = arith.constant 0 : i32
      %dma_wait3A_168 = tpu.memref_slice %arg8[%dma_wait3A_165, %dma_wait3A_166, %dma_wait3A_167] : memref<8x128x16xf32, #tpu.memory_space<vmem>> -> memref<1x128x16xf32, #tpu.memory_space<vmem>>
      %dma_wait3A_169 = tpu.memref_squeeze %dma_wait3A_168 : memref<1x128x16xf32, #tpu.memory_space<vmem>> -> memref<128x16xf32, #tpu.memory_space<vmem>>
      %dma_wait3A_170 = arith.constant 0 : i32
      %dma_wait3A_171 = tpu.memref_slice %arg9[%add3A_52, %dma_wait3A_170] : memref<64x128xi32, #tpu.memory_space<vmem>> -> memref<1x128xi32, #tpu.memory_space<vmem>>
      %dma_wait3A_172 = tpu.memref_squeeze %dma_wait3A_171 : memref<1x128xi32, #tpu.memory_space<vmem>> -> memref<128xi32, #tpu.memory_space<vmem>>
      %dma_wait3A_173 = arith.constant 0 : i32
      %dma_wait3A_174 = arith.constant 0 : i32
      %dma_wait3A_175 = tpu.memref_slice %arg7[%dma_wait3A_173, %dma_wait3A_174] : memref<16384x16xf32, #tpu.memory_space<vmem_shared>> -> memref<16384x16xf32, #tpu.memory_space<vmem_shared>>
      tpu.wait_indirect_dma semaphore(%arg10 : memref<!tpu.dma_semaphore, #tpu.memory_space<semaphore_mem>>) src(%dma_wait3A_169 : memref<128x16xf32, #tpu.memory_space<vmem>>) dst(%dma_wait3A_175 : memref<16384x16xf32, #tpu.memory_space<vmem_shared>>)
      %dma_wait3A_176 = arith.constant 2 : i32
      %dma_wait3A_177 = arith.constant 0 : i32
      %dma_wait3A_178 = arith.constant 0 : i32
      %dma_wait3A_179 = tpu.memref_slice %arg8[%dma_wait3A_176, %dma_wait3A_177, %dma_wait3A_178] : memref<8x128x16xf32, #tpu.memory_space<vmem>> -> memref<1x128x16xf32, #tpu.memory_space<vmem>>
      %dma_wait3A_180 = tpu.memref_squeeze %dma_wait3A_179 : memref<1x128x16xf32, #tpu.memory_space<vmem>> -> memref<128x16xf32, #tpu.memory_space<vmem>>
      %dma_wait3A_181 = arith.constant 0 : i32
      %dma_wait3A_182 = tpu.memref_slice %arg9[%add3A_67, %dma_wait3A_181] : memref<64x128xi32, #tpu.memory_space<vmem>> -> memref<1x128xi32, #tpu.memory_space<vmem>>
      %dma_wait3A_183 = tpu.memref_squeeze %dma_wait3A_182 : memref<1x128xi32, #tpu.memory_space<vmem>> -> memref<128xi32, #tpu.memory_space<vmem>>
      %dma_wait3A_184 = arith.constant 0 : i32
      %dma_wait3A_185 = arith.constant 0 : i32
      %dma_wait3A_186 = tpu.memref_slice %arg7[%dma_wait3A_184, %dma_wait3A_185] : memref<16384x16xf32, #tpu.memory_space<vmem_shared>> -> memref<16384x16xf32, #tpu.memory_space<vmem_shared>>
      tpu.wait_indirect_dma semaphore(%arg10 : memref<!tpu.dma_semaphore, #tpu.memory_space<semaphore_mem>>) src(%dma_wait3A_180 : memref<128x16xf32, #tpu.memory_space<vmem>>) dst(%dma_wait3A_186 : memref<16384x16xf32, #tpu.memory_space<vmem_shared>>)
      %dma_wait3A_187 = arith.constant 3 : i32
      %dma_wait3A_188 = arith.constant 0 : i32
      %dma_wait3A_189 = arith.constant 0 : i32
      %dma_wait3A_190 = tpu.memref_slice %arg8[%dma_wait3A_187, %dma_wait3A_188, %dma_wait3A_189] : memref<8x128x16xf32, #tpu.memory_space<vmem>> -> memref<1x128x16xf32, #tpu.memory_space<vmem>>
      %dma_wait3A_191 = tpu.memref_squeeze %dma_wait3A_190 : memref<1x128x16xf32, #tpu.memory_space<vmem>> -> memref<128x16xf32, #tpu.memory_space<vmem>>
      %dma_wait3A_192 = arith.constant 0 : i32
      %dma_wait3A_193 = tpu.memref_slice %arg9[%add3A_82, %dma_wait3A_192] : memref<64x128xi32, #tpu.memory_space<vmem>> -> memref<1x128xi32, #tpu.memory_space<vmem>>
      %dma_wait3A_194 = tpu.memref_squeeze %dma_wait3A_193 : memref<1x128xi32, #tpu.memory_space<vmem>> -> memref<128xi32, #tpu.memory_space<vmem>>
      %dma_wait3A_195 = arith.constant 0 : i32
      %dma_wait3A_196 = arith.constant 0 : i32
      %dma_wait3A_197 = tpu.memref_slice %arg7[%dma_wait3A_195, %dma_wait3A_196] : memref<16384x16xf32, #tpu.memory_space<vmem_shared>> -> memref<16384x16xf32, #tpu.memory_space<vmem_shared>>
      tpu.wait_indirect_dma semaphore(%arg10 : memref<!tpu.dma_semaphore, #tpu.memory_space<semaphore_mem>>) src(%dma_wait3A_191 : memref<128x16xf32, #tpu.memory_space<vmem>>) dst(%dma_wait3A_197 : memref<16384x16xf32, #tpu.memory_space<vmem_shared>>)
      %dma_wait3A_198 = arith.constant 4 : i32
      %dma_wait3A_199 = arith.constant 0 : i32
      %dma_wait3A_200 = arith.constant 0 : i32
      %dma_wait3A_201 = tpu.memref_slice %arg8[%dma_wait3A_198, %dma_wait3A_199, %dma_wait3A_200] : memref<8x128x16xf32, #tpu.memory_space<vmem>> -> memref<1x128x16xf32, #tpu.memory_space<vmem>>
      %dma_wait3A_202 = tpu.memref_squeeze %dma_wait3A_201 : memref<1x128x16xf32, #tpu.memory_space<vmem>> -> memref<128x16xf32, #tpu.memory_space<vmem>>
      %dma_wait3A_203 = arith.constant 0 : i32
      %dma_wait3A_204 = tpu.memref_slice %arg9[%add3A_97, %dma_wait3A_203] : memref<64x128xi32, #tpu.memory_space<vmem>> -> memref<1x128xi32, #tpu.memory_space<vmem>>
      %dma_wait3A_205 = tpu.memref_squeeze %dma_wait3A_204 : memref<1x128xi32, #tpu.memory_space<vmem>> -> memref<128xi32, #tpu.memory_space<vmem>>
      %dma_wait3A_206 = arith.constant 0 : i32
      %dma_wait3A_207 = arith.constant 0 : i32
      %dma_wait3A_208 = tpu.memref_slice %arg7[%dma_wait3A_206, %dma_wait3A_207] : memref<16384x16xf32, #tpu.memory_space<vmem_shared>> -> memref<16384x16xf32, #tpu.memory_space<vmem_shared>>
      tpu.wait_indirect_dma semaphore(%arg10 : memref<!tpu.dma_semaphore, #tpu.memory_space<semaphore_mem>>) src(%dma_wait3A_202 : memref<128x16xf32, #tpu.memory_space<vmem>>) dst(%dma_wait3A_208 : memref<16384x16xf32, #tpu.memory_space<vmem_shared>>)
      %dma_wait3A_209 = arith.constant 5 : i32
      %dma_wait3A_210 = arith.constant 0 : i32
      %dma_wait3A_211 = arith.constant 0 : i32
      %dma_wait3A_212 = tpu.memref_slice %arg8[%dma_wait3A_209, %dma_wait3A_210, %dma_wait3A_211] : memref<8x128x16xf32, #tpu.memory_space<vmem>> -> memref<1x128x16xf32, #tpu.memory_space<vmem>>
      %dma_wait3A_213 = tpu.memref_squeeze %dma_wait3A_212 : memref<1x128x16xf32, #tpu.memory_space<vmem>> -> memref<128x16xf32, #tpu.memory_space<vmem>>
      %dma_wait3A_214 = arith.constant 0 : i32
      %dma_wait3A_215 = tpu.memref_slice %arg9[%add3A_112, %dma_wait3A_214] : memref<64x128xi32, #tpu.memory_space<vmem>> -> memref<1x128xi32, #tpu.memory_space<vmem>>
      %dma_wait3A_216 = tpu.memref_squeeze %dma_wait3A_215 : memref<1x128xi32, #tpu.memory_space<vmem>> -> memref<128xi32, #tpu.memory_space<vmem>>
      %dma_wait3A_217 = arith.constant 0 : i32
      %dma_wait3A_218 = arith.constant 0 : i32
      %dma_wait3A_219 = tpu.memref_slice %arg7[%dma_wait3A_217, %dma_wait3A_218] : memref<16384x16xf32, #tpu.memory_space<vmem_shared>> -> memref<16384x16xf32, #tpu.memory_space<vmem_shared>>
      tpu.wait_indirect_dma semaphore(%arg10 : memref<!tpu.dma_semaphore, #tpu.memory_space<semaphore_mem>>) src(%dma_wait3A_213 : memref<128x16xf32, #tpu.memory_space<vmem>>) dst(%dma_wait3A_219 : memref<16384x16xf32, #tpu.memory_space<vmem_shared>>)
      %dma_wait3A_220 = arith.constant 6 : i32
      %dma_wait3A_221 = arith.constant 0 : i32
      %dma_wait3A_222 = arith.constant 0 : i32
      %dma_wait3A_223 = tpu.memref_slice %arg8[%dma_wait3A_220, %dma_wait3A_221, %dma_wait3A_222] : memref<8x128x16xf32, #tpu.memory_space<vmem>> -> memref<1x128x16xf32, #tpu.memory_space<vmem>>
      %dma_wait3A_224 = tpu.memref_squeeze %dma_wait3A_223 : memref<1x128x16xf32, #tpu.memory_space<vmem>> -> memref<128x16xf32, #tpu.memory_space<vmem>>
      %dma_wait3A_225 = arith.constant 0 : i32
      %dma_wait3A_226 = tpu.memref_slice %arg9[%add3A_127, %dma_wait3A_225] : memref<64x128xi32, #tpu.memory_space<vmem>> -> memref<1x128xi32, #tpu.memory_space<vmem>>
      %dma_wait3A_227 = tpu.memref_squeeze %dma_wait3A_226 : memref<1x128xi32, #tpu.memory_space<vmem>> -> memref<128xi32, #tpu.memory_space<vmem>>
      %dma_wait3A_228 = arith.constant 0 : i32
      %dma_wait3A_229 = arith.constant 0 : i32
      %dma_wait3A_230 = tpu.memref_slice %arg7[%dma_wait3A_228, %dma_wait3A_229] : memref<16384x16xf32, #tpu.memory_space<vmem_shared>> -> memref<16384x16xf32, #tpu.memory_space<vmem_shared>>
      tpu.wait_indirect_dma semaphore(%arg10 : memref<!tpu.dma_semaphore, #tpu.memory_space<semaphore_mem>>) src(%dma_wait3A_224 : memref<128x16xf32, #tpu.memory_space<vmem>>) dst(%dma_wait3A_230 : memref<16384x16xf32, #tpu.memory_space<vmem_shared>>)
      %dma_wait3A_231 = arith.constant 7 : i32
      %dma_wait3A_232 = arith.constant 0 : i32
      %dma_wait3A_233 = arith.constant 0 : i32
      %dma_wait3A_234 = tpu.memref_slice %arg8[%dma_wait3A_231, %dma_wait3A_232, %dma_wait3A_233] : memref<8x128x16xf32, #tpu.memory_space<vmem>> -> memref<1x128x16xf32, #tpu.memory_space<vmem>>
      %dma_wait3A_235 = tpu.memref_squeeze %dma_wait3A_234 : memref<1x128x16xf32, #tpu.memory_space<vmem>> -> memref<128x16xf32, #tpu.memory_space<vmem>>
      %dma_wait3A_236 = arith.constant 0 : i32
      %dma_wait3A_237 = tpu.memref_slice %arg9[%add3A_142, %dma_wait3A_236] : memref<64x128xi32, #tpu.memory_space<vmem>> -> memref<1x128xi32, #tpu.memory_space<vmem>>
      %dma_wait3A_238 = tpu.memref_squeeze %dma_wait3A_237 : memref<1x128xi32, #tpu.memory_space<vmem>> -> memref<128xi32, #tpu.memory_space<vmem>>
      %dma_wait3A_239 = arith.constant 0 : i32
      %dma_wait3A_240 = arith.constant 0 : i32
      %dma_wait3A_241 = tpu.memref_slice %arg7[%dma_wait3A_239, %dma_wait3A_240] : memref<16384x16xf32, #tpu.memory_space<vmem_shared>> -> memref<16384x16xf32, #tpu.memory_space<vmem_shared>>
      tpu.wait_indirect_dma semaphore(%arg10 : memref<!tpu.dma_semaphore, #tpu.memory_space<semaphore_mem>>) src(%dma_wait3A_235 : memref<128x16xf32, #tpu.memory_space<vmem>>) dst(%dma_wait3A_241 : memref<16384x16xf32, #tpu.memory_space<vmem_shared>>)
    }
    %scan3A_11 = arith.constant 8 : i32
    %barrier3A_12 = arith.constant 0 : index
    tpu.barrier barrier_id(%barrier3A_12)
    %eq3A = arith.constant 0 : i32
    %eq3A_13 = arith.cmpi eq, %arg0, %eq3A : i32
    %convert_element_type3A = arith.extui %eq3A_13 : i1 to i32
    %cond3A = arith.constant 0 : i32
    %cond3A_14 = arith.cmpi ne, %convert_element_type3A, %cond3A : i32
    scf.if %cond3A_14 {
      %mul3A_20 = arith.constant 1024 : i32
      %mul3A_21 = arith.muli %arg1, %mul3A_20 : i32
      %mul3A_22 = arith.constant 1024 : i32
      %mul3A_23 = arith.muli %arg1, %mul3A_22 : i32
      "tpu.region"() ({
        %run_scoped3A = tpu.sem_alloc : memref<!tpu.dma_semaphore, #tpu.memory_space<semaphore_mem>>
        %dma_start3A = arith.constant 0 : i32
        %dma_start3A_24 = tpu.memref_slice %arg5[%mul3A_23, %dma_start3A] : memref<16384x16xf32, #tpu.memory_space<hbm>> -> memref<1024x16xf32, #tpu.memory_space<hbm>>
        %dma_start3A_25 = arith.constant 0 : i32
        %dma_start3A_26 = tpu.memref_slice %arg7[%mul3A_21, %dma_start3A_25] : memref<16384x16xf32, #tpu.memory_space<vmem_shared>> -> memref<1024x16xf32, #tpu.memory_space<vmem_shared>>
        tpu.enqueue_dma source(%dma_start3A_26 : memref<1024x16xf32, #tpu.memory_space<vmem_shared>>) target(%dma_start3A_24 : memref<1024x16xf32, #tpu.memory_space<hbm>>) target_semaphore(%run_scoped3A : memref<!tpu.dma_semaphore, #tpu.memory_space<semaphore_mem>>)
        %dma_wait3A = arith.constant 0 : i32
        %dma_wait3A_27 = tpu.memref_slice %arg5[%mul3A_23, %dma_wait3A] : memref<16384x16xf32, #tpu.memory_space<hbm>> -> memref<1024x16xf32, #tpu.memory_space<hbm>>
        %dma_wait3A_28 = arith.constant 0 : i32
        %dma_wait3A_29 = tpu.memref_slice %arg7[%mul3A_21, %dma_wait3A_28] : memref<16384x16xf32, #tpu.memory_space<vmem_shared>> -> memref<1024x16xf32, #tpu.memory_space<vmem_shared>>
        tpu.wait_dma2 semaphore(%run_scoped3A : memref<!tpu.dma_semaphore, #tpu.memory_space<semaphore_mem>>) src(%dma_wait3A_29 : memref<1024x16xf32, #tpu.memory_space<vmem_shared>>) dst(%dma_wait3A_27 : memref<1024x16xf32, #tpu.memory_space<hbm>>)
        tpu.yield
      }) : () -> ()
    } else {
    }
    %eq3A_15 = arith.constant 1 : i32
    %eq3A_16 = arith.cmpi eq, %arg0, %eq3A_15 : i32
    %convert_element_type3A_17 = arith.extui %eq3A_16 : i1 to i32
    %cond3A_18 = arith.constant 0 : i32
    %cond3A_19 = arith.cmpi ne, %convert_element_type3A_17, %cond3A_18 : i32
    scf.if %cond3A_19 {
      %mul3A_20 = arith.constant 1024 : i32
      %mul3A_21 = arith.muli %arg1, %mul3A_20 : i32
      %mul3A_22 = arith.constant 1024 : i32
      %mul3A_23 = arith.muli %arg1, %mul3A_22 : i32
      "tpu.region"() ({
        %run_scoped3A = tpu.sem_alloc : memref<!tpu.dma_semaphore, #tpu.memory_space<semaphore_mem>>
        %dma_start3A = arith.constant 0 : i32
        %dma_start3A_24 = tpu.memref_slice %arg6[%mul3A_23, %dma_start3A] : memref<16384x16xf32, #tpu.memory_space<hbm>> -> memref<1024x16xf32, #tpu.memory_space<hbm>>
        %dma_start3A_25 = arith.constant 0 : i32
        %dma_start3A_26 = tpu.memref_slice %arg7[%mul3A_21, %dma_start3A_25] : memref<16384x16xf32, #tpu.memory_space<vmem_shared>> -> memref<1024x16xf32, #tpu.memory_space<vmem_shared>>
        tpu.enqueue_dma source(%dma_start3A_26 : memref<1024x16xf32, #tpu.memory_space<vmem_shared>>) target(%dma_start3A_24 : memref<1024x16xf32, #tpu.memory_space<hbm>>) target_semaphore(%run_scoped3A : memref<!tpu.dma_semaphore, #tpu.memory_space<semaphore_mem>>)
        %dma_wait3A = arith.constant 0 : i32
        %dma_wait3A_27 = tpu.memref_slice %arg6[%mul3A_23, %dma_wait3A] : memref<16384x16xf32, #tpu.memory_space<hbm>> -> memref<1024x16xf32, #tpu.memory_space<hbm>>
        %dma_wait3A_28 = arith.constant 0 : i32
        %dma_wait3A_29 = tpu.memref_slice %arg7[%mul3A_21, %dma_wait3A_28] : memref<16384x16xf32, #tpu.memory_space<vmem_shared>> -> memref<1024x16xf32, #tpu.memory_space<vmem_shared>>
        tpu.wait_dma2 semaphore(%run_scoped3A : memref<!tpu.dma_semaphore, #tpu.memory_space<semaphore_mem>>) src(%dma_wait3A_29 : memref<1024x16xf32, #tpu.memory_space<vmem_shared>>) dst(%dma_wait3A_27 : memref<1024x16xf32, #tpu.memory_space<hbm>>)
        tpu.yield
      }) : () -> ()
    } else {
    }
    return
  }
}

module attributes {stable_mosaic.version = 14 : i64} {
  func.func @_enc_body(%arg0: i32, %arg1: memref<512x64xf32, #tpu.memory_space<vmem>>, %arg2: memref<64x640xf32, #tpu.memory_space<vmem>>, %arg3: memref<1x640xf32, #tpu.memory_space<vmem>>, %arg4: memref<640x160xf32, #tpu.memory_space<vmem>>, %arg5: memref<1x160xf32, #tpu.memory_space<vmem>>, %arg6: memref<160x16xf32, #tpu.memory_space<vmem>>, %arg7: memref<1x16xf32, #tpu.memory_space<vmem>>, %arg8: memref<16x16xf32, #tpu.memory_space<vmem>>, %arg9: memref<16x16xf32, #tpu.memory_space<vmem>>, %arg10: memref<1x16xf32, #tpu.memory_space<vmem>>, %arg11: memref<1x16xf32, #tpu.memory_space<vmem>>, %arg12: memref<640x16xf32, #tpu.memory_space<vmem>>, %arg13: memref<16x640xf32, #tpu.memory_space<vmem>>, %arg14: memref<160x4xf32, #tpu.memory_space<vmem>>, %arg15: memref<4x160xf32, #tpu.memory_space<vmem>>, %arg16: memref<512x16xf32, #tpu.memory_space<vmem>>, %arg17: memref<512x16xf32, #tpu.memory_space<vmem>>, %arg18: memref<512x16xf32, #tpu.memory_space<vmem>>) attributes {dimension_semantics = [#tpu.dimension_semantics<arbitrary>], iteration_bounds = array<i64: 32>, scalar_prefetch = 0 : i64, scratch_operands = 0 : i64, tpu.core_type = #tpu.core_type<tc>, window_params = [{transform_indices = @transform_0, window_bounds = array<i64: 512, 64>}, {pipeline_mode = #tpu.pipeline_mode<synchronous>, transform_indices = @transform_1, window_bounds = array<i64: 64, 640>}, {pipeline_mode = #tpu.pipeline_mode<synchronous>, transform_indices = @transform_2, window_bounds = array<i64: 1, 640>}, {pipeline_mode = #tpu.pipeline_mode<synchronous>, transform_indices = @transform_3, window_bounds = array<i64: 640, 160>}, {pipeline_mode = #tpu.pipeline_mode<synchronous>, transform_indices = @transform_4, window_bounds = array<i64: 1, 160>}, {pipeline_mode = #tpu.pipeline_mode<synchronous>, transform_indices = @transform_5, window_bounds = array<i64: 160, 16>}, {pipeline_mode = #tpu.pipeline_mode<synchronous>, transform_indices = @transform_6, window_bounds = array<i64: 1, 16>}, {pipeline_mode = #tpu.pipeline_mode<synchronous>, transform_indices = @transform_7, window_bounds = array<i64: 16, 16>}, {pipeline_mode = #tpu.pipeline_mode<synchronous>, transform_indices = @transform_8, window_bounds = array<i64: 16, 16>}, {pipeline_mode = #tpu.pipeline_mode<synchronous>, transform_indices = @transform_9, window_bounds = array<i64: 1, 16>}, {pipeline_mode = #tpu.pipeline_mode<synchronous>, transform_indices = @transform_10, window_bounds = array<i64: 1, 16>}, {pipeline_mode = #tpu.pipeline_mode<synchronous>, transform_indices = @transform_11, window_bounds = array<i64: 640, 16>}, {pipeline_mode = #tpu.pipeline_mode<synchronous>, transform_indices = @transform_12, window_bounds = array<i64: 16, 640>}, {pipeline_mode = #tpu.pipeline_mode<synchronous>, transform_indices = @transform_13, window_bounds = array<i64: 160, 4>}, {pipeline_mode = #tpu.pipeline_mode<synchronous>, transform_indices = @transform_14, window_bounds = array<i64: 4, 160>}, {transform_indices = @transform_15, window_bounds = array<i64: 512, 16>}, {transform_indices = @transform_16, window_bounds = array<i64: 512, 16>}, {transform_indices = @transform_17, window_bounds = array<i64: 512, 16>}]} {
    %get3A = arith.constant 0 : index
    %get3A_0 = arith.constant 0 : index
    %get3A_1 = vector.load %arg12[%get3A, %get3A_0] : memref<640x16xf32, #tpu.memory_space<vmem>>, vector<640x16xf32>
    %get3A_2 = arith.constant 0 : index
    %get3A_3 = arith.constant 0 : index
    %get3A_4 = vector.load %arg13[%get3A_2, %get3A_3] : memref<16x640xf32, #tpu.memory_space<vmem>>, vector<16x640xf32>
    %get3A_5 = arith.constant 0 : index
    %get3A_6 = arith.constant 0 : index
    %get3A_7 = vector.load %arg14[%get3A_5, %get3A_6] : memref<160x4xf32, #tpu.memory_space<vmem>>, vector<160x4xf32>
    %get3A_8 = arith.constant 0 : index
    %get3A_9 = arith.constant 0 : index
    %get3A_10 = vector.load %arg15[%get3A_8, %get3A_9] : memref<4x160xf32, #tpu.memory_space<vmem>>, vector<4x160xf32>
    %get3A_11 = arith.constant 0 : index
    %get3A_12 = arith.constant 0 : index
    %get3A_13 = vector.load %arg1[%get3A_11, %get3A_12] : memref<512x64xf32, #tpu.memory_space<vmem>>, vector<512x64xf32>
    %get3A_14 = arith.constant 0 : index
    %get3A_15 = arith.constant 0 : index
    %get3A_16 = vector.load %arg2[%get3A_14, %get3A_15] : memref<64x640xf32, #tpu.memory_space<vmem>>, vector<64x640xf32>
    %dot_general3A = arith.constant dense<0.000000e+00> : vector<512x640xf32>
    %dot_general3A_17 = tpu.matmul %get3A_13, %get3A_16, %dot_general3A {dimension_numbers = #tpu.dot_dimension_numbers<[1], [0], [0], [1], [0, 0, 1, 1], [], []>, transpose_lhs_hint = false} : vector<512x64xf32>, vector<64x640xf32>, vector<512x640xf32> -> vector<512x640xf32>
    %get3A_18 = arith.constant 0 : index
    %get3A_19 = arith.constant 0 : index
    %get3A_20 = vector.load %arg3[%get3A_18, %get3A_19] : memref<1x640xf32, #tpu.memory_space<vmem>>, vector<1x640xf32>
    %add3A = vector.broadcast %get3A_20 : vector<1x640xf32> to vector<512x640xf32>
    %add3A_21 = arith.addf %dot_general3A_17, %add3A : vector<512x640xf32>
    %dot_general3A_22 = arith.constant dense<0.000000e+00> : vector<512x16xf32>
    %dot_general3A_23 = tpu.matmul %add3A_21, %get3A_1, %dot_general3A_22 {dimension_numbers = #tpu.dot_dimension_numbers<[1], [0], [0], [1], [0, 0, 1, 1], [], []>, precision = #tpu.contract_precision<fp32>, transpose_lhs_hint = false} : vector<512x640xf32>, vector<640x16xf32>, vector<512x16xf32> -> vector<512x16xf32>
    %mul3A = arith.constant 2.500000e-02 : f32
    %mul3A_24 = vector.broadcast %mul3A : f32 to vector<512x16xf32>
    %mul3A_25 = arith.mulf %dot_general3A_23, %mul3A_24 : vector<512x16xf32>
    %dot_general3A_26 = arith.constant dense<0.000000e+00> : vector<512x640xf32>
    %dot_general3A_27 = tpu.matmul %mul3A_25, %get3A_4, %dot_general3A_26 {dimension_numbers = #tpu.dot_dimension_numbers<[1], [0], [0], [1], [0, 0, 1, 1], [], []>, precision = #tpu.contract_precision<fp32>, transpose_lhs_hint = false} : vector<512x16xf32>, vector<16x640xf32>, vector<512x640xf32> -> vector<512x640xf32>
    %sub3A = arith.subf %add3A_21, %dot_general3A_27 : vector<512x640xf32>
    %mul3A_28 = arith.mulf %sub3A, %sub3A : vector<512x640xf32>
    %dot_general3A_29 = arith.constant dense<0.000000e+00> : vector<512x16xf32>
    %dot_general3A_30 = tpu.matmul %mul3A_28, %get3A_1, %dot_general3A_29 {dimension_numbers = #tpu.dot_dimension_numbers<[1], [0], [0], [1], [0, 0, 1, 1], [], []>, precision = #tpu.contract_precision<fp32>, transpose_lhs_hint = false} : vector<512x640xf32>, vector<640x16xf32>, vector<512x16xf32> -> vector<512x16xf32>
    %mul3A_31 = arith.constant 2.500000e-02 : f32
    %mul3A_32 = vector.broadcast %mul3A_31 : f32 to vector<512x16xf32>
    %mul3A_33 = arith.mulf %dot_general3A_30, %mul3A_32 : vector<512x16xf32>
    %dot_general3A_34 = arith.constant dense<0.000000e+00> : vector<512x640xf32>
    %dot_general3A_35 = tpu.matmul %mul3A_33, %get3A_4, %dot_general3A_34 {dimension_numbers = #tpu.dot_dimension_numbers<[1], [0], [0], [1], [0, 0, 1, 1], [], []>, precision = #tpu.contract_precision<fp32>, transpose_lhs_hint = false} : vector<512x16xf32>, vector<16x640xf32>, vector<512x640xf32> -> vector<512x640xf32>
    %add3A_36 = arith.constant 9.99999997E-7 : f32
    %add3A_37 = vector.broadcast %add3A_36 : f32 to vector<512x640xf32>
    %add3A_38 = arith.addf %dot_general3A_35, %add3A_37 : vector<512x640xf32>
    %sqrt3A = math.sqrt %add3A_38 : vector<512x640xf32>
    %div3A = arith.divf %sub3A, %sqrt3A : vector<512x640xf32>
    %max3A = arith.constant 0.000000e+00 : f32
    %max3A_39 = vector.broadcast %max3A : f32 to vector<512x640xf32>
    %max3A_40 = arith.maximumf %div3A, %max3A_39 : vector<512x640xf32>
    %get3A_41 = arith.constant 0 : index
    %get3A_42 = arith.constant 0 : index
    %get3A_43 = vector.load %arg4[%get3A_41, %get3A_42] : memref<640x160xf32, #tpu.memory_space<vmem>>, vector<640x160xf32>
    %dot_general3A_44 = arith.constant dense<0.000000e+00> : vector<512x160xf32>
    %dot_general3A_45 = tpu.matmul %max3A_40, %get3A_43, %dot_general3A_44 {dimension_numbers = #tpu.dot_dimension_numbers<[1], [0], [0], [1], [0, 0, 1, 1], [], []>, transpose_lhs_hint = false} : vector<512x640xf32>, vector<640x160xf32>, vector<512x160xf32> -> vector<512x160xf32>
    %get3A_46 = arith.constant 0 : index
    %get3A_47 = arith.constant 0 : index
    %get3A_48 = vector.load %arg5[%get3A_46, %get3A_47] : memref<1x160xf32, #tpu.memory_space<vmem>>, vector<1x160xf32>
    %add3A_49 = vector.broadcast %get3A_48 : vector<1x160xf32> to vector<512x160xf32>
    %add3A_50 = arith.addf %dot_general3A_45, %add3A_49 : vector<512x160xf32>
    %dot_general3A_51 = arith.constant dense<0.000000e+00> : vector<512x4xf32>
    %dot_general3A_52 = tpu.matmul %add3A_50, %get3A_7, %dot_general3A_51 {dimension_numbers = #tpu.dot_dimension_numbers<[1], [0], [0], [1], [0, 0, 1, 1], [], []>, precision = #tpu.contract_precision<fp32>, transpose_lhs_hint = false} : vector<512x160xf32>, vector<160x4xf32>, vector<512x4xf32> -> vector<512x4xf32>
    %mul3A_53 = arith.constant 2.500000e-02 : f32
    %mul3A_54 = vector.broadcast %mul3A_53 : f32 to vector<512x4xf32>
    %mul3A_55 = arith.mulf %dot_general3A_52, %mul3A_54 : vector<512x4xf32>
    %dot_general3A_56 = arith.constant dense<0.000000e+00> : vector<512x160xf32>
    %dot_general3A_57 = tpu.matmul %mul3A_55, %get3A_10, %dot_general3A_56 {dimension_numbers = #tpu.dot_dimension_numbers<[1], [0], [0], [1], [0, 0, 1, 1], [], []>, precision = #tpu.contract_precision<fp32>, transpose_lhs_hint = false} : vector<512x4xf32>, vector<4x160xf32>, vector<512x160xf32> -> vector<512x160xf32>
    %sub3A_58 = arith.subf %add3A_50, %dot_general3A_57 : vector<512x160xf32>
    %mul3A_59 = arith.mulf %sub3A_58, %sub3A_58 : vector<512x160xf32>
    %dot_general3A_60 = arith.constant dense<0.000000e+00> : vector<512x4xf32>
    %dot_general3A_61 = tpu.matmul %mul3A_59, %get3A_7, %dot_general3A_60 {dimension_numbers = #tpu.dot_dimension_numbers<[1], [0], [0], [1], [0, 0, 1, 1], [], []>, precision = #tpu.contract_precision<fp32>, transpose_lhs_hint = false} : vector<512x160xf32>, vector<160x4xf32>, vector<512x4xf32> -> vector<512x4xf32>
    %mul3A_62 = arith.constant 2.500000e-02 : f32
    %mul3A_63 = vector.broadcast %mul3A_62 : f32 to vector<512x4xf32>
    %mul3A_64 = arith.mulf %dot_general3A_61, %mul3A_63 : vector<512x4xf32>
    %dot_general3A_65 = arith.constant dense<0.000000e+00> : vector<512x160xf32>
    %dot_general3A_66 = tpu.matmul %mul3A_64, %get3A_10, %dot_general3A_65 {dimension_numbers = #tpu.dot_dimension_numbers<[1], [0], [0], [1], [0, 0, 1, 1], [], []>, precision = #tpu.contract_precision<fp32>, transpose_lhs_hint = false} : vector<512x4xf32>, vector<4x160xf32>, vector<512x160xf32> -> vector<512x160xf32>
    %add3A_67 = arith.constant 9.99999997E-7 : f32
    %add3A_68 = vector.broadcast %add3A_67 : f32 to vector<512x160xf32>
    %add3A_69 = arith.addf %dot_general3A_66, %add3A_68 : vector<512x160xf32>
    %sqrt3A_70 = math.sqrt %add3A_69 : vector<512x160xf32>
    %div3A_71 = arith.divf %sub3A_58, %sqrt3A_70 : vector<512x160xf32>
    %max3A_72 = arith.constant 0.000000e+00 : f32
    %max3A_73 = vector.broadcast %max3A_72 : f32 to vector<512x160xf32>
    %max3A_74 = arith.maximumf %div3A_71, %max3A_73 : vector<512x160xf32>
    %get3A_75 = arith.constant 0 : index
    %get3A_76 = arith.constant 0 : index
    %get3A_77 = vector.load %arg6[%get3A_75, %get3A_76] : memref<160x16xf32, #tpu.memory_space<vmem>>, vector<160x16xf32>
    %dot_general3A_78 = arith.constant dense<0.000000e+00> : vector<512x16xf32>
    %dot_general3A_79 = tpu.matmul %max3A_74, %get3A_77, %dot_general3A_78 {dimension_numbers = #tpu.dot_dimension_numbers<[1], [0], [0], [1], [0, 0, 1, 1], [], []>, transpose_lhs_hint = false} : vector<512x160xf32>, vector<160x16xf32>, vector<512x16xf32> -> vector<512x16xf32>
    %get3A_80 = arith.constant 0 : index
    %get3A_81 = arith.constant 0 : index
    %get3A_82 = vector.load %arg7[%get3A_80, %get3A_81] : memref<1x16xf32, #tpu.memory_space<vmem>>, vector<1x16xf32>
    %add3A_83 = vector.broadcast %get3A_82 : vector<1x16xf32> to vector<512x16xf32>
    %add3A_84 = arith.addf %dot_general3A_79, %add3A_83 : vector<512x16xf32>
    %max3A_85 = arith.constant 0.000000e+00 : f32
    %max3A_86 = vector.broadcast %max3A_85 : f32 to vector<512x16xf32>
    %max3A_87 = arith.maximumf %add3A_84, %max3A_86 : vector<512x16xf32>
    %swap3A = arith.constant 0 : index
    %swap3A_88 = arith.constant 0 : index
    %swap3A_89 = vector.load %arg16[%swap3A, %swap3A_88] : memref<512x16xf32, #tpu.memory_space<vmem>>, vector<512x16xf32>
    tpu.vector_store %arg16[%swap3A, %swap3A_88], %max3A_87 {strides = array<i32>} : memref<512x16xf32, #tpu.memory_space<vmem>>, vector<512x16xf32>,
    %get3A_90 = arith.constant 0 : index
    %get3A_91 = arith.constant 0 : index
    %get3A_92 = vector.load %arg8[%get3A_90, %get3A_91] : memref<16x16xf32, #tpu.memory_space<vmem>>, vector<16x16xf32>
    %dot_general3A_93 = arith.constant dense<0.000000e+00> : vector<512x16xf32>
    %dot_general3A_94 = tpu.matmul %max3A_87, %get3A_92, %dot_general3A_93 {dimension_numbers = #tpu.dot_dimension_numbers<[1], [0], [0], [1], [0, 0, 1, 1], [], []>, transpose_lhs_hint = false} : vector<512x16xf32>, vector<16x16xf32>, vector<512x16xf32> -> vector<512x16xf32>
    %get3A_95 = arith.constant 0 : index
    %get3A_96 = arith.constant 0 : index
    %get3A_97 = vector.load %arg10[%get3A_95, %get3A_96] : memref<1x16xf32, #tpu.memory_space<vmem>>, vector<1x16xf32>
    %add3A_98 = vector.broadcast %get3A_97 : vector<1x16xf32> to vector<512x16xf32>
    %add3A_99 = arith.addf %dot_general3A_94, %add3A_98 : vector<512x16xf32>
    %swap3A_100 = arith.constant 0 : index
    %swap3A_101 = arith.constant 0 : index
    %swap3A_102 = vector.load %arg17[%swap3A_100, %swap3A_101] : memref<512x16xf32, #tpu.memory_space<vmem>>, vector<512x16xf32>
    tpu.vector_store %arg17[%swap3A_100, %swap3A_101], %add3A_99 {strides = array<i32>} : memref<512x16xf32, #tpu.memory_space<vmem>>, vector<512x16xf32>,
    %get3A_103 = arith.constant 0 : index
    %get3A_104 = arith.constant 0 : index
    %get3A_105 = vector.load %arg9[%get3A_103, %get3A_104] : memref<16x16xf32, #tpu.memory_space<vmem>>, vector<16x16xf32>
    %dot_general3A_106 = arith.constant dense<0.000000e+00> : vector<512x16xf32>
    %dot_general3A_107 = tpu.matmul %max3A_87, %get3A_105, %dot_general3A_106 {dimension_numbers = #tpu.dot_dimension_numbers<[1], [0], [0], [1], [0, 0, 1, 1], [], []>, transpose_lhs_hint = false} : vector<512x16xf32>, vector<16x16xf32>, vector<512x16xf32> -> vector<512x16xf32>
    %get3A_108 = arith.constant 0 : index
    %get3A_109 = arith.constant 0 : index
    %get3A_110 = vector.load %arg11[%get3A_108, %get3A_109] : memref<1x16xf32, #tpu.memory_space<vmem>>, vector<1x16xf32>
    %add3A_111 = vector.broadcast %get3A_110 : vector<1x16xf32> to vector<512x16xf32>
    %add3A_112 = arith.addf %dot_general3A_107, %add3A_111 : vector<512x16xf32>
    %swap3A_113 = arith.constant 0 : index
    %swap3A_114 = arith.constant 0 : index
    %swap3A_115 = vector.load %arg18[%swap3A_113, %swap3A_114] : memref<512x16xf32, #tpu.memory_space<vmem>>, vector<512x16xf32>
    tpu.vector_store %arg18[%swap3A_113, %swap3A_114], %add3A_112 {strides = array<i32>} : memref<512x16xf32, #tpu.memory_space<vmem>>, vector<512x16xf32>,
    return
  }
  func.func @transform_0(%arg0: i32) -> (i32, i32) {
    %c0_i32 = arith.constant 0 : i32
    %c0_i32_0 = arith.constant 0 : i32
    return %arg0, %c0_i32 : i32, i32
  }
  func.func @transform_1(%arg0: i32) -> (i32, i32) {
    %c0_i32 = arith.constant 0 : i32
    %c0_i32_0 = arith.constant 0 : i32
    %c0_i32_1 = arith.constant 0 : i32
    return %c0_i32, %c0_i32_0 : i32, i32
  }
  func.func @transform_2(%arg0: i32) -> (i32, i32) {
    %c0_i32 = arith.constant 0 : i32
    %c0_i32_0 = arith.constant 0 : i32
    %c0_i32_1 = arith.constant 0 : i32
    return %c0_i32, %c0_i32_0 : i32, i32
  }
  func.func @transform_3(%arg0: i32) -> (i32, i32) {
    %c0_i32 = arith.constant 0 : i32
    %c0_i32_0 = arith.constant 0 : i32
    %c0_i32_1 = arith.constant 0 : i32
    return %c0_i32, %c0_i32_0 : i32, i32
  }
  func.func @transform_4(%arg0: i32) -> (i32, i32) {
    %c0_i32 = arith.constant 0 : i32
    %c0_i32_0 = arith.constant 0 : i32
    %c0_i32_1 = arith.constant 0 : i32
    return %c0_i32, %c0_i32_0 : i32, i32
  }
  func.func @transform_5(%arg0: i32) -> (i32, i32) {
    %c0_i32 = arith.constant 0 : i32
    %c0_i32_0 = arith.constant 0 : i32
    %c0_i32_1 = arith.constant 0 : i32
    return %c0_i32, %c0_i32_0 : i32, i32
  }
  func.func @transform_6(%arg0: i32) -> (i32, i32) {
    %c0_i32 = arith.constant 0 : i32
    %c0_i32_0 = arith.constant 0 : i32
    %c0_i32_1 = arith.constant 0 : i32
    return %c0_i32, %c0_i32_0 : i32, i32
  }
  func.func @transform_7(%arg0: i32) -> (i32, i32) {
    %c0_i32 = arith.constant 0 : i32
    %c0_i32_0 = arith.constant 0 : i32
    %c0_i32_1 = arith.constant 0 : i32
    return %c0_i32, %c0_i32_0 : i32, i32
  }
  func.func @transform_8(%arg0: i32) -> (i32, i32) {
    %c0_i32 = arith.constant 0 : i32
    %c0_i32_0 = arith.constant 0 : i32
    %c0_i32_1 = arith.constant 0 : i32
    return %c0_i32, %c0_i32_0 : i32, i32
  }
  func.func @transform_9(%arg0: i32) -> (i32, i32) {
    %c0_i32 = arith.constant 0 : i32
    %c0_i32_0 = arith.constant 0 : i32
    %c0_i32_1 = arith.constant 0 : i32
    return %c0_i32, %c0_i32_0 : i32, i32
  }
  func.func @transform_10(%arg0: i32) -> (i32, i32) {
    %c0_i32 = arith.constant 0 : i32
    %c0_i32_0 = arith.constant 0 : i32
    %c0_i32_1 = arith.constant 0 : i32
    return %c0_i32, %c0_i32_0 : i32, i32
  }
  func.func @transform_11(%arg0: i32) -> (i32, i32) {
    %c0_i32 = arith.constant 0 : i32
    %c0_i32_0 = arith.constant 0 : i32
    %c0_i32_1 = arith.constant 0 : i32
    return %c0_i32, %c0_i32_0 : i32, i32
  }
  func.func @transform_12(%arg0: i32) -> (i32, i32) {
    %c0_i32 = arith.constant 0 : i32
    %c0_i32_0 = arith.constant 0 : i32
    %c0_i32_1 = arith.constant 0 : i32
    return %c0_i32, %c0_i32_0 : i32, i32
  }
  func.func @transform_13(%arg0: i32) -> (i32, i32) {
    %c0_i32 = arith.constant 0 : i32
    %c0_i32_0 = arith.constant 0 : i32
    %c0_i32_1 = arith.constant 0 : i32
    return %c0_i32, %c0_i32_0 : i32, i32
  }
  func.func @transform_14(%arg0: i32) -> (i32, i32) {
    %c0_i32 = arith.constant 0 : i32
    %c0_i32_0 = arith.constant 0 : i32
    %c0_i32_1 = arith.constant 0 : i32
    return %c0_i32, %c0_i32_0 : i32, i32
  }
  func.func @transform_15(%arg0: i32) -> (i32, i32) {
    %c0_i32 = arith.constant 0 : i32
    %c0_i32_0 = arith.constant 0 : i32
    return %arg0, %c0_i32 : i32, i32
  }
  func.func @transform_16(%arg0: i32) -> (i32, i32) {
    %c0_i32 = arith.constant 0 : i32
    %c0_i32_0 = arith.constant 0 : i32
    return %arg0, %c0_i32 : i32, i32
  }
  func.func @transform_17(%arg0: i32) -> (i32, i32) {
    %c0_i32 = arith.constant 0 : i32
    %c0_i32_0 = arith.constant 0 : i32
    return %arg0, %c0_i32 : i32, i32
  }
}

module attributes {stable_mosaic.version = 14 : i64} {
  func.func @_emlp_body(%arg0: i32, %arg1: memref<4096x128xf32, #tpu.memory_space<vmem>>, %arg2: memref<4096x128xf32, #tpu.memory_space<vmem>>, %arg3: memref<128x128xf32, #tpu.memory_space<vmem>>, %arg4: memref<1x128xf32, #tpu.memory_space<vmem>>, %arg5: memref<128x128xf32, #tpu.memory_space<vmem>>, %arg6: memref<1x128xf32, #tpu.memory_space<vmem>>, %arg7: memref<4096x128xf32, #tpu.memory_space<vmem>>) attributes {dimension_semantics = [#tpu.dimension_semantics<arbitrary>], iteration_bounds = array<i64: 8>, scalar_prefetch = 0 : i64, scratch_operands = 0 : i64, tpu.core_type = #tpu.core_type<tc>, window_params = [{transform_indices = @transform_0, window_bounds = array<i64: 4096, 128>}, {transform_indices = @transform_1, window_bounds = array<i64: 4096, 128>}, {pipeline_mode = #tpu.pipeline_mode<synchronous>, transform_indices = @transform_2, window_bounds = array<i64: 128, 128>}, {pipeline_mode = #tpu.pipeline_mode<synchronous>, transform_indices = @transform_3, window_bounds = array<i64: 1, 128>}, {pipeline_mode = #tpu.pipeline_mode<synchronous>, transform_indices = @transform_4, window_bounds = array<i64: 128, 128>}, {pipeline_mode = #tpu.pipeline_mode<synchronous>, transform_indices = @transform_5, window_bounds = array<i64: 1, 128>}, {transform_indices = @transform_6, window_bounds = array<i64: 4096, 128>}]} {
    %get3A = arith.constant 0 : index
    %get3A_0 = arith.constant 0 : index
    %get3A_1 = vector.load %arg1[%get3A, %get3A_0] : memref<4096x128xf32, #tpu.memory_space<vmem>>, vector<4096x128xf32>
    %get3A_2 = arith.constant 0 : index
    %get3A_3 = arith.constant 0 : index
    %get3A_4 = vector.load %arg2[%get3A_2, %get3A_3] : memref<4096x128xf32, #tpu.memory_space<vmem>>, vector<4096x128xf32>
    %add3A = arith.addf %get3A_1, %get3A_4 : vector<4096x128xf32>
    %max3A = arith.constant 0.000000e+00 : f32
    %max3A_5 = vector.broadcast %max3A : f32 to vector<4096x128xf32>
    %max3A_6 = arith.maximumf %add3A, %max3A_5 : vector<4096x128xf32>
    %get3A_7 = arith.constant 0 : index
    %get3A_8 = arith.constant 0 : index
    %get3A_9 = vector.load %arg3[%get3A_7, %get3A_8] : memref<128x128xf32, #tpu.memory_space<vmem>>, vector<128x128xf32>
    %dot_general3A = arith.constant dense<0.000000e+00> : vector<4096x128xf32>
    %dot_general3A_10 = tpu.matmul %max3A_6, %get3A_9, %dot_general3A {dimension_numbers = #tpu.dot_dimension_numbers<[1], [0], [0], [1], [0, 0, 1, 1], [], []>, transpose_lhs_hint = false} : vector<4096x128xf32>, vector<128x128xf32>, vector<4096x128xf32> -> vector<4096x128xf32>
    %get3A_11 = arith.constant 0 : index
    %get3A_12 = arith.constant 0 : index
    %get3A_13 = vector.load %arg4[%get3A_11, %get3A_12] : memref<1x128xf32, #tpu.memory_space<vmem>>, vector<1x128xf32>
    %add3A_14 = vector.broadcast %get3A_13 : vector<1x128xf32> to vector<4096x128xf32>
    %add3A_15 = arith.addf %dot_general3A_10, %add3A_14 : vector<4096x128xf32>
    %max3A_16 = arith.constant 0.000000e+00 : f32
    %max3A_17 = vector.broadcast %max3A_16 : f32 to vector<4096x128xf32>
    %max3A_18 = arith.maximumf %add3A_15, %max3A_17 : vector<4096x128xf32>
    %get3A_19 = arith.constant 0 : index
    %get3A_20 = arith.constant 0 : index
    %get3A_21 = vector.load %arg5[%get3A_19, %get3A_20] : memref<128x128xf32, #tpu.memory_space<vmem>>, vector<128x128xf32>
    %dot_general3A_22 = arith.constant dense<0.000000e+00> : vector<4096x128xf32>
    %dot_general3A_23 = tpu.matmul %max3A_18, %get3A_21, %dot_general3A_22 {dimension_numbers = #tpu.dot_dimension_numbers<[1], [0], [0], [1], [0, 0, 1, 1], [], []>, transpose_lhs_hint = false} : vector<4096x128xf32>, vector<128x128xf32>, vector<4096x128xf32> -> vector<4096x128xf32>
    %get3A_24 = arith.constant 0 : index
    %get3A_25 = arith.constant 0 : index
    %get3A_26 = vector.load %arg6[%get3A_24, %get3A_25] : memref<1x128xf32, #tpu.memory_space<vmem>>, vector<1x128xf32>
    %add3A_27 = vector.broadcast %get3A_26 : vector<1x128xf32> to vector<4096x128xf32>
    %add3A_28 = arith.addf %dot_general3A_23, %add3A_27 : vector<4096x128xf32>
    %max3A_29 = arith.constant 0.000000e+00 : f32
    %max3A_30 = vector.broadcast %max3A_29 : f32 to vector<4096x128xf32>
    %max3A_31 = arith.maximumf %add3A_28, %max3A_30 : vector<4096x128xf32>
    %swap3A = arith.constant 0 : index
    %swap3A_32 = arith.constant 0 : index
    %swap3A_33 = vector.load %arg7[%swap3A, %swap3A_32] : memref<4096x128xf32, #tpu.memory_space<vmem>>, vector<4096x128xf32>
    tpu.vector_store %arg7[%swap3A, %swap3A_32], %max3A_31 {strides = array<i32>} : memref<4096x128xf32, #tpu.memory_space<vmem>>, vector<4096x128xf32>,
    return
  }
  func.func @transform_0(%arg0: i32) -> (i32, i32) {
    %c0_i32 = arith.constant 0 : i32
    %c0_i32_0 = arith.constant 0 : i32
    return %arg0, %c0_i32 : i32, i32
  }
  func.func @transform_1(%arg0: i32) -> (i32, i32) {
    %c0_i32 = arith.constant 0 : i32
    %c0_i32_0 = arith.constant 0 : i32
    return %arg0, %c0_i32 : i32, i32
  }
  func.func @transform_2(%arg0: i32) -> (i32, i32) {
    %c0_i32 = arith.constant 0 : i32
    %c0_i32_0 = arith.constant 0 : i32
    %c0_i32_1 = arith.constant 0 : i32
    return %c0_i32, %c0_i32_0 : i32, i32
  }
  func.func @transform_3(%arg0: i32) -> (i32, i32) {
    %c0_i32 = arith.constant 0 : i32
    %c0_i32_0 = arith.constant 0 : i32
    %c0_i32_1 = arith.constant 0 : i32
    return %c0_i32, %c0_i32_0 : i32, i32
  }
  func.func @transform_4(%arg0: i32) -> (i32, i32) {
    %c0_i32 = arith.constant 0 : i32
    %c0_i32_0 = arith.constant 0 : i32
    %c0_i32_1 = arith.constant 0 : i32
    return %c0_i32, %c0_i32_0 : i32, i32
  }
  func.func @transform_5(%arg0: i32) -> (i32, i32) {
    %c0_i32 = arith.constant 0 : i32
    %c0_i32_0 = arith.constant 0 : i32
    %c0_i32_1 = arith.constant 0 : i32
    return %c0_i32, %c0_i32_0 : i32, i32
  }
  func.func @transform_6(%arg0: i32) -> (i32, i32) {
    %c0_i32 = arith.constant 0 : i32
    %c0_i32_0 = arith.constant 0 : i32
    return %arg0, %c0_i32 : i32, i32
  }
}

module attributes {stable_mosaic.version = 14 : i64} {
  func.func @_psum_body(%arg0: i32, %arg1: memref<1024x512xf32, #tpu.memory_space<vmem>>, %arg2: memref<1024x512xf32, #tpu.memory_space<vmem>>, %arg3: memref<128x1024xf32, #tpu.memory_space<vmem>>, %arg4: memref<1x512x64xf32, #tpu.memory_space<vmem>>, %arg5: memref<1x128x64xf32, #tpu.memory_space<vmem>>) attributes {dimension_semantics = [#tpu.dimension_semantics<arbitrary>], iteration_bounds = array<i64: 8>, scalar_prefetch = 0 : i64, scratch_operands = 0 : i64, tpu.core_type = #tpu.core_type<tc>, window_params = [{transform_indices = @transform_0, window_bounds = array<i64: 1024, 512>}, {transform_indices = @transform_1, window_bounds = array<i64: 1024, 512>}, {pipeline_mode = #tpu.pipeline_mode<synchronous>, transform_indices = @transform_2, window_bounds = array<i64: 128, 1024>}, {transform_indices = @transform_3, window_bounds = array<i64: 1, 512, 64>}, {transform_indices = @transform_4, window_bounds = array<i64: 1, 128, 64>}]} {
    %get3A = arith.constant 0 : index
    %get3A_0 = arith.constant 0 : index
    %get3A_1 = vector.load %arg3[%get3A, %get3A_0] : memref<128x1024xf32, #tpu.memory_space<vmem>>, vector<128x1024xf32>
    %get3A_2 = arith.constant 0 : index
    %get3A_3 = arith.constant 0 : index
    %get3A_4 = vector.load %arg1[%get3A_2, %get3A_3] : memref<1024x512xf32, #tpu.memory_space<vmem>>, vector<1024x512xf32>
    %dot_general3A = arith.constant dense<0.000000e+00> : vector<128x512xf32>
    %dot_general3A_5 = tpu.matmul %get3A_1, %get3A_4, %dot_general3A {dimension_numbers = #tpu.dot_dimension_numbers<[1], [0], [0], [1], [0, 0, 1, 1], [], []>, precision = #tpu.contract_precision<fp32>, transpose_lhs_hint = false} : vector<128x1024xf32>, vector<1024x512xf32>, vector<128x512xf32> -> vector<128x512xf32>
    %get3A_6 = arith.constant 0 : index
    %get3A_7 = arith.constant 0 : index
    %get3A_8 = arith.constant 0 : index
    %get3A_9 = vector.load %arg4[%get3A_6, %get3A_7, %get3A_8] : memref<1x512x64xf32, #tpu.memory_space<vmem>>, vector<1x512x64xf32>
    %get3A_10 = vector.shape_cast %get3A_9 : vector<1x512x64xf32> to vector<512x64xf32>
    %dot_general3A_11 = arith.constant dense<0.000000e+00> : vector<128x64xf32>
    %dot_general3A_12 = tpu.matmul %dot_general3A_5, %get3A_10, %dot_general3A_11 {dimension_numbers = #tpu.dot_dimension_numbers<[1], [0], [0], [1], [0, 0, 1, 1], [], []>, precision = #tpu.contract_precision<fp32>, transpose_lhs_hint = false} : vector<128x512xf32>, vector<512x64xf32>, vector<128x64xf32> -> vector<128x64xf32>
    %get3A_13 = arith.constant 0 : index
    %get3A_14 = arith.constant 0 : index
    %get3A_15 = vector.load %arg3[%get3A_13, %get3A_14] : memref<128x1024xf32, #tpu.memory_space<vmem>>, vector<128x1024xf32>
    %get3A_16 = arith.constant 0 : index
    %get3A_17 = arith.constant 0 : index
    %get3A_18 = vector.load %arg2[%get3A_16, %get3A_17] : memref<1024x512xf32, #tpu.memory_space<vmem>>, vector<1024x512xf32>
    %dot_general3A_19 = arith.constant dense<0.000000e+00> : vector<128x512xf32>
    %dot_general3A_20 = tpu.matmul %get3A_15, %get3A_18, %dot_general3A_19 {dimension_numbers = #tpu.dot_dimension_numbers<[1], [0], [0], [1], [0, 0, 1, 1], [], []>, precision = #tpu.contract_precision<fp32>, transpose_lhs_hint = false} : vector<128x1024xf32>, vector<1024x512xf32>, vector<128x512xf32> -> vector<128x512xf32>
    %get3A_21 = arith.constant 0 : index
    %get3A_22 = arith.constant 0 : index
    %get3A_23 = arith.constant 0 : index
    %get3A_24 = vector.load %arg4[%get3A_21, %get3A_22, %get3A_23] : memref<1x512x64xf32, #tpu.memory_space<vmem>>, vector<1x512x64xf32>
    %get3A_25 = vector.shape_cast %get3A_24 : vector<1x512x64xf32> to vector<512x64xf32>
    %dot_general3A_26 = arith.constant dense<0.000000e+00> : vector<128x64xf32>
    %dot_general3A_27 = tpu.matmul %dot_general3A_20, %get3A_25, %dot_general3A_26 {dimension_numbers = #tpu.dot_dimension_numbers<[1], [0], [0], [1], [0, 0, 1, 1], [], []>, precision = #tpu.contract_precision<fp32>, transpose_lhs_hint = false} : vector<128x512xf32>, vector<512x64xf32>, vector<128x64xf32> -> vector<128x64xf32>
    %add3A = arith.constant 9.99999993E-9 : f32
    %add3A_28 = vector.broadcast %add3A : f32 to vector<128x64xf32>
    %add3A_29 = arith.addf %dot_general3A_12, %add3A_28 : vector<128x64xf32>
    %div3A = arith.divf %dot_general3A_27, %add3A_29 : vector<128x64xf32>
    %round3A = math.roundeven %div3A : vector<128x64xf32>
    %swap3A = arith.constant 0 : index
    %swap3A_30 = arith.constant 0 : index
    %swap3A_31 = arith.constant 0 : index
    %swap3A_32 = vector.load %arg5[%swap3A, %swap3A_30, %swap3A_31] : memref<1x128x64xf32, #tpu.memory_space<vmem>>, vector<1x128x64xf32>
    %swap3A_33 = vector.shape_cast %swap3A_32 : vector<1x128x64xf32> to vector<128x64xf32>
    %swap3A_34 = vector.shape_cast %round3A : vector<128x64xf32> to vector<1x128x64xf32>
    tpu.vector_store %arg5[%swap3A, %swap3A_30, %swap3A_31], %swap3A_34 {strides = array<i32>} : memref<1x128x64xf32, #tpu.memory_space<vmem>>, vector<1x128x64xf32>,
    return
  }
  func.func @transform_0(%arg0: i32) -> (i32, i32) {
    %c0_i32 = arith.constant 0 : i32
    %c0_i32_0 = arith.constant 0 : i32
    return %c0_i32, %arg0 : i32, i32
  }
  func.func @transform_1(%arg0: i32) -> (i32, i32) {
    %c0_i32 = arith.constant 0 : i32
    %c0_i32_0 = arith.constant 0 : i32
    return %c0_i32, %arg0 : i32, i32
  }
  func.func @transform_2(%arg0: i32) -> (i32, i32) {
    %c0_i32 = arith.constant 0 : i32
    %c0_i32_0 = arith.constant 0 : i32
    %c0_i32_1 = arith.constant 0 : i32
    return %c0_i32, %c0_i32_0 : i32, i32
  }
  func.func @transform_3(%arg0: i32) -> (i32, i32, i32) {
    %c0_i32 = arith.constant 0 : i32
    %c0_i32_0 = arith.constant 0 : i32
    %c0_i32_1 = arith.constant 0 : i32
    return %arg0, %c0_i32, %c0_i32_0 : i32, i32, i32
  }
  func.func @transform_4(%arg0: i32) -> (i32, i32, i32) {
    %c0_i32 = arith.constant 0 : i32
    %c0_i32_0 = arith.constant 0 : i32
    %c0_i32_1 = arith.constant 0 : i32
    return %arg0, %c0_i32, %c0_i32_0 : i32, i32, i32
  }
}

module attributes {stable_mosaic.version = 14 : i64} {
  func.func @_node_body(%arg0: i32, %arg1: memref<1024x128xf32, #tpu.memory_space<vmem>>, %arg2: memref<1024x128xf32, #tpu.memory_space<vmem>>, %arg3: memref<1024x128xf32, #tpu.memory_space<vmem>>, %arg4: memref<1024x8xf32, #tpu.memory_space<vmem>>, %arg5: memref<128x128xf32, #tpu.memory_space<vmem>>, %arg6: memref<128x128xf32, #tpu.memory_space<vmem>>, %arg7: memref<1x128xf32, #tpu.memory_space<vmem>>, %arg8: memref<128x128xf32, #tpu.memory_space<vmem>>, %arg9: memref<1x128xf32, #tpu.memory_space<vmem>>, %arg10: memref<128x128xf32, #tpu.memory_space<vmem>>, %arg11: memref<1x128xf32, #tpu.memory_space<vmem>>, %arg12: memref<128x128xf32, #tpu.memory_space<vmem>>, %arg13: memref<1x128xf32, #tpu.memory_space<vmem>>, %arg14: memref<8x128xf32, #tpu.memory_space<vmem>>, %arg15: memref<128x8xf32, #tpu.memory_space<vmem>>, %arg16: memref<128x128xf32, #tpu.memory_space<vmem>>, %arg17: memref<128x16xf32, #tpu.memory_space<vmem>>, %arg18: memref<1024x8xf32, #tpu.memory_space<vmem>>, %arg19: memref<1024x16xf32, #tpu.memory_space<vmem>>) attributes {dimension_semantics = [#tpu.dimension_semantics<arbitrary>], iteration_bounds = array<i64: 2>, scalar_prefetch = 0 : i64, scratch_operands = 0 : i64, tpu.core_type = #tpu.core_type<tc>, window_params = [{transform_indices = @transform_0, window_bounds = array<i64: 1024, 128>}, {transform_indices = @transform_1, window_bounds = array<i64: 1024, 128>}, {transform_indices = @transform_2, window_bounds = array<i64: 1024, 128>}, {transform_indices = @transform_3, window_bounds = array<i64: 1024, 8>}, {pipeline_mode = #tpu.pipeline_mode<synchronous>, transform_indices = @transform_4, window_bounds = array<i64: 128, 128>}, {pipeline_mode = #tpu.pipeline_mode<synchronous>, transform_indices = @transform_5, window_bounds = array<i64: 128, 128>}, {pipeline_mode = #tpu.pipeline_mode<synchronous>, transform_indices = @transform_6, window_bounds = array<i64: 1, 128>}, {pipeline_mode = #tpu.pipeline_mode<synchronous>, transform_indices = @transform_7, window_bounds = array<i64: 128, 128>}, {pipeline_mode = #tpu.pipeline_mode<synchronous>, transform_indices = @transform_8, window_bounds = array<i64: 1, 128>}, {pipeline_mode = #tpu.pipeline_mode<synchronous>, transform_indices = @transform_9, window_bounds = array<i64: 128, 128>}, {pipeline_mode = #tpu.pipeline_mode<synchronous>, transform_indices = @transform_10, window_bounds = array<i64: 1, 128>}, {pipeline_mode = #tpu.pipeline_mode<synchronous>, transform_indices = @transform_11, window_bounds = array<i64: 128, 128>}, {pipeline_mode = #tpu.pipeline_mode<synchronous>, transform_indices = @transform_12, window_bounds = array<i64: 1, 128>}, {pipeline_mode = #tpu.pipeline_mode<synchronous>, transform_indices = @transform_13, window_bounds = array<i64: 8, 128>}, {pipeline_mode = #tpu.pipeline_mode<synchronous>, transform_indices = @transform_14, window_bounds = array<i64: 128, 8>}, {pipeline_mode = #tpu.pipeline_mode<synchronous>, transform_indices = @transform_15, window_bounds = array<i64: 128, 128>}, {pipeline_mode = #tpu.pipeline_mode<synchronous>, transform_indices = @transform_16, window_bounds = array<i64: 128, 16>}, {transform_indices = @transform_17, window_bounds = array<i64: 1024, 8>}, {transform_indices = @transform_18, window_bounds = array<i64: 1024, 16>}]} {
    %get3A = arith.constant 0 : index
    %get3A_0 = arith.constant 0 : index
    %get3A_1 = vector.load %arg2[%get3A, %get3A_0] : memref<1024x128xf32, #tpu.memory_space<vmem>>, vector<1024x128xf32>
    %get3A_2 = arith.constant 0 : index
    %get3A_3 = arith.constant 0 : index
    %get3A_4 = vector.load %arg3[%get3A_2, %get3A_3] : memref<1024x128xf32, #tpu.memory_space<vmem>>, vector<1024x128xf32>
    %add3A = arith.addf %get3A_1, %get3A_4 : vector<1024x128xf32>
    %get3A_5 = arith.constant 0 : index
    %get3A_6 = arith.constant 0 : index
    %get3A_7 = vector.load %arg1[%get3A_5, %get3A_6] : memref<1024x128xf32, #tpu.memory_space<vmem>>, vector<1024x128xf32>
    %get3A_8 = arith.constant 0 : index
    %get3A_9 = arith.constant 0 : index
    %get3A_10 = vector.load %arg5[%get3A_8, %get3A_9] : memref<128x128xf32, #tpu.memory_space<vmem>>, vector<128x128xf32>
    %dot_general3A = arith.constant dense<0.000000e+00> : vector<1024x128xf32>
    %dot_general3A_11 = tpu.matmul %get3A_7, %get3A_10, %dot_general3A {dimension_numbers = #tpu.dot_dimension_numbers<[1], [0], [0], [1], [0, 0, 1, 1], [], []>, transpose_lhs_hint = false} : vector<1024x128xf32>, vector<128x128xf32>, vector<1024x128xf32> -> vector<1024x128xf32>
    %get3A_12 = arith.constant 0 : index
    %get3A_13 = arith.constant 0 : index
    %get3A_14 = vector.load %arg6[%get3A_12, %get3A_13] : memref<128x128xf32, #tpu.memory_space<vmem>>, vector<128x128xf32>
    %dot_general3A_15 = arith.constant dense<0.000000e+00> : vector<1024x128xf32>
    %dot_general3A_16 = tpu.matmul %add3A, %get3A_14, %dot_general3A_15 {dimension_numbers = #tpu.dot_dimension_numbers<[1], [0], [0], [1], [0, 0, 1, 1], [], []>, transpose_lhs_hint = false} : vector<1024x128xf32>, vector<128x128xf32>, vector<1024x128xf32> -> vector<1024x128xf32>
    %add3A_17 = arith.addf %dot_general3A_11, %dot_general3A_16 : vector<1024x128xf32>
    %get3A_18 = arith.constant 0 : index
    %get3A_19 = arith.constant 0 : index
    %get3A_20 = vector.load %arg7[%get3A_18, %get3A_19] : memref<1x128xf32, #tpu.memory_space<vmem>>, vector<1x128xf32>
    %add3A_21 = vector.broadcast %get3A_20 : vector<1x128xf32> to vector<1024x128xf32>
    %add3A_22 = arith.addf %add3A_17, %add3A_21 : vector<1024x128xf32>
    %max3A = arith.constant 0.000000e+00 : f32
    %max3A_23 = vector.broadcast %max3A : f32 to vector<1024x128xf32>
    %max3A_24 = arith.maximumf %add3A_22, %max3A_23 : vector<1024x128xf32>
    %get3A_25 = arith.constant 0 : index
    %get3A_26 = arith.constant 0 : index
    %get3A_27 = vector.load %arg8[%get3A_25, %get3A_26] : memref<128x128xf32, #tpu.memory_space<vmem>>, vector<128x128xf32>
    %dot_general3A_28 = arith.constant dense<0.000000e+00> : vector<1024x128xf32>
    %dot_general3A_29 = tpu.matmul %max3A_24, %get3A_27, %dot_general3A_28 {dimension_numbers = #tpu.dot_dimension_numbers<[1], [0], [0], [1], [0, 0, 1, 1], [], []>, transpose_lhs_hint = false} : vector<1024x128xf32>, vector<128x128xf32>, vector<1024x128xf32> -> vector<1024x128xf32>
    %get3A_30 = arith.constant 0 : index
    %get3A_31 = arith.constant 0 : index
    %get3A_32 = vector.load %arg9[%get3A_30, %get3A_31] : memref<1x128xf32, #tpu.memory_space<vmem>>, vector<1x128xf32>
    %add3A_33 = vector.broadcast %get3A_32 : vector<1x128xf32> to vector<1024x128xf32>
    %add3A_34 = arith.addf %dot_general3A_29, %add3A_33 : vector<1024x128xf32>
    %max3A_35 = arith.constant 0.000000e+00 : f32
    %max3A_36 = vector.broadcast %max3A_35 : f32 to vector<1024x128xf32>
    %max3A_37 = arith.maximumf %add3A_34, %max3A_36 : vector<1024x128xf32>
    %get3A_38 = arith.constant 0 : index
    %get3A_39 = arith.constant 0 : index
    %get3A_40 = vector.load %arg10[%get3A_38, %get3A_39] : memref<128x128xf32, #tpu.memory_space<vmem>>, vector<128x128xf32>
    %dot_general3A_41 = arith.constant dense<0.000000e+00> : vector<1024x128xf32>
    %dot_general3A_42 = tpu.matmul %max3A_37, %get3A_40, %dot_general3A_41 {dimension_numbers = #tpu.dot_dimension_numbers<[1], [0], [0], [1], [0, 0, 1, 1], [], []>, transpose_lhs_hint = false} : vector<1024x128xf32>, vector<128x128xf32>, vector<1024x128xf32> -> vector<1024x128xf32>
    %get3A_43 = arith.constant 0 : index
    %get3A_44 = arith.constant 0 : index
    %get3A_45 = vector.load %arg11[%get3A_43, %get3A_44] : memref<1x128xf32, #tpu.memory_space<vmem>>, vector<1x128xf32>
    %add3A_46 = vector.broadcast %get3A_45 : vector<1x128xf32> to vector<1024x128xf32>
    %add3A_47 = arith.addf %dot_general3A_42, %add3A_46 : vector<1024x128xf32>
    %max3A_48 = arith.constant 0.000000e+00 : f32
    %max3A_49 = vector.broadcast %max3A_48 : f32 to vector<1024x128xf32>
    %max3A_50 = arith.maximumf %add3A_47, %max3A_49 : vector<1024x128xf32>
    %get3A_51 = arith.constant 0 : index
    %get3A_52 = arith.constant 0 : index
    %get3A_53 = vector.load %arg12[%get3A_51, %get3A_52] : memref<128x128xf32, #tpu.memory_space<vmem>>, vector<128x128xf32>
    %dot_general3A_54 = arith.constant dense<0.000000e+00> : vector<1024x128xf32>
    %dot_general3A_55 = tpu.matmul %max3A_50, %get3A_53, %dot_general3A_54 {dimension_numbers = #tpu.dot_dimension_numbers<[1], [0], [0], [1], [0, 0, 1, 1], [], []>, transpose_lhs_hint = false} : vector<1024x128xf32>, vector<128x128xf32>, vector<1024x128xf32> -> vector<1024x128xf32>
    %get3A_56 = arith.constant 0 : index
    %get3A_57 = arith.constant 0 : index
    %get3A_58 = vector.load %arg13[%get3A_56, %get3A_57] : memref<1x128xf32, #tpu.memory_space<vmem>>, vector<1x128xf32>
    %add3A_59 = vector.broadcast %get3A_58 : vector<1x128xf32> to vector<1024x128xf32>
    %add3A_60 = arith.addf %dot_general3A_55, %add3A_59 : vector<1024x128xf32>
    %get3A_61 = arith.constant 0 : index
    %get3A_62 = arith.constant 0 : index
    %get3A_63 = vector.load %arg16[%get3A_61, %get3A_62] : memref<128x128xf32, #tpu.memory_space<vmem>>, vector<128x128xf32>
    %dot_general3A_64 = arith.constant dense<0.000000e+00> : vector<1024x128xf32>
    %dot_general3A_65 = tpu.matmul %add3A_60, %get3A_63, %dot_general3A_64 {dimension_numbers = #tpu.dot_dimension_numbers<[1], [0], [0], [1], [0, 0, 1, 1], [], []>, precision = #tpu.contract_precision<fp32>, transpose_lhs_hint = false} : vector<1024x128xf32>, vector<128x128xf32>, vector<1024x128xf32> -> vector<1024x128xf32>
    %max3A_66 = arith.maximumf %add3A_60, %dot_general3A_65 : vector<1024x128xf32>
    %sub3A = arith.subf %add3A_60, %max3A_66 : vector<1024x128xf32>
    %exp3A = math.exp %sub3A : vector<1024x128xf32>
    %sub3A_67 = arith.subf %dot_general3A_65, %max3A_66 : vector<1024x128xf32>
    %exp3A_68 = math.exp %sub3A_67 : vector<1024x128xf32>
    %add3A_69 = arith.addf %exp3A, %exp3A_68 : vector<1024x128xf32>
    %log3A = math.log %add3A_69 : vector<1024x128xf32>
    %add3A_70 = arith.addf %max3A_66, %log3A : vector<1024x128xf32>
    %sub3A_71 = arith.subf %add3A_60, %add3A_70 : vector<1024x128xf32>
    %sub3A_72 = arith.subf %dot_general3A_65, %add3A_70 : vector<1024x128xf32>
    %get3A_73 = arith.constant 0 : index
    %get3A_74 = arith.constant 0 : index
    %get3A_75 = vector.load %arg4[%get3A_73, %get3A_74] : memref<1024x8xf32, #tpu.memory_space<vmem>>, vector<1024x8xf32>
    %get3A_76 = arith.constant 0 : index
    %get3A_77 = arith.constant 0 : index
    %get3A_78 = vector.load %arg14[%get3A_76, %get3A_77] : memref<8x128xf32, #tpu.memory_space<vmem>>, vector<8x128xf32>
    %dot_general3A_79 = arith.constant dense<0.000000e+00> : vector<1024x128xf32>
    %dot_general3A_80 = tpu.matmul %get3A_75, %get3A_78, %dot_general3A_79 {dimension_numbers = #tpu.dot_dimension_numbers<[1], [0], [0], [1], [0, 0, 1, 1], [], []>, precision = #tpu.contract_precision<fp32>, transpose_lhs_hint = false} : vector<1024x8xf32>, vector<8x128xf32>, vector<1024x128xf32> -> vector<1024x128xf32>
    %sub3A_81 = arith.constant 1.000000e+00 : f32
    %sub3A_82 = vector.broadcast %sub3A_81 : f32 to vector<1024x128xf32>
    %sub3A_83 = arith.subf %sub3A_82, %dot_general3A_80 : vector<1024x128xf32>
    %mul3A = arith.mulf %sub3A_83, %sub3A_71 : vector<1024x128xf32>
    %mul3A_84 = arith.mulf %dot_general3A_80, %sub3A_72 : vector<1024x128xf32>
    %add3A_85 = arith.addf %mul3A, %mul3A_84 : vector<1024x128xf32>
    %neg3A = arith.constant 0.000000e+00 : f32
    %neg3A_86 = vector.broadcast %neg3A : f32 to vector<1024x128xf32>
    %neg3A_87 = arith.subf %neg3A_86, %add3A_85 : vector<1024x128xf32>
    %get3A_88 = arith.constant 0 : index
    %get3A_89 = arith.constant 0 : index
    %get3A_90 = vector.load %arg15[%get3A_88, %get3A_89] : memref<128x8xf32, #tpu.memory_space<vmem>>, vector<128x8xf32>
    %dot_general3A_91 = arith.constant dense<0.000000e+00> : vector<1024x8xf32>
    %dot_general3A_92 = tpu.matmul %neg3A_87, %get3A_90, %dot_general3A_91 {dimension_numbers = #tpu.dot_dimension_numbers<[1], [0], [0], [1], [0, 0, 1, 1], [], []>, precision = #tpu.contract_precision<fp32>, transpose_lhs_hint = false} : vector<1024x128xf32>, vector<128x8xf32>, vector<1024x8xf32> -> vector<1024x8xf32>
    %swap3A = arith.constant 0 : index
    %swap3A_93 = arith.constant 0 : index
    %swap3A_94 = vector.load %arg18[%swap3A, %swap3A_93] : memref<1024x8xf32, #tpu.memory_space<vmem>>, vector<1024x8xf32>
    tpu.vector_store %arg18[%swap3A, %swap3A_93], %dot_general3A_92 {strides = array<i32>} : memref<1024x8xf32, #tpu.memory_space<vmem>>, vector<1024x8xf32>,
    %get3A_95 = arith.constant 0 : index
    %get3A_96 = arith.constant 0 : index
    %get3A_97 = vector.load %arg17[%get3A_95, %get3A_96] : memref<128x16xf32, #tpu.memory_space<vmem>>, vector<128x16xf32>
    %dot_general3A_98 = arith.constant dense<0.000000e+00> : vector<1024x16xf32>
    %dot_general3A_99 = tpu.matmul %add3A_60, %get3A_97, %dot_general3A_98 {dimension_numbers = #tpu.dot_dimension_numbers<[1], [0], [0], [1], [0, 0, 1, 1], [], []>, precision = #tpu.contract_precision<fp32>, transpose_lhs_hint = false} : vector<1024x128xf32>, vector<128x16xf32>, vector<1024x16xf32> -> vector<1024x16xf32>
    %swap3A_100 = arith.constant 0 : index
    %swap3A_101 = arith.constant 0 : index
    %swap3A_102 = vector.load %arg19[%swap3A_100, %swap3A_101] : memref<1024x16xf32, #tpu.memory_space<vmem>>, vector<1024x16xf32>
    tpu.vector_store %arg19[%swap3A_100, %swap3A_101], %dot_general3A_99 {strides = array<i32>} : memref<1024x16xf32, #tpu.memory_space<vmem>>, vector<1024x16xf32>,
    return
  }
  func.func @transform_0(%arg0: i32) -> (i32, i32) {
    %c0_i32 = arith.constant 0 : i32
    %c0_i32_0 = arith.constant 0 : i32
    return %arg0, %c0_i32 : i32, i32
  }
  func.func @transform_1(%arg0: i32) -> (i32, i32) {
    %c0_i32 = arith.constant 0 : i32
    %c0_i32_0 = arith.constant 0 : i32
    return %arg0, %c0_i32 : i32, i32
  }
  func.func @transform_2(%arg0: i32) -> (i32, i32) {
    %c0_i32 = arith.constant 0 : i32
    %c0_i32_0 = arith.constant 0 : i32
    return %arg0, %c0_i32 : i32, i32
  }
  func.func @transform_3(%arg0: i32) -> (i32, i32) {
    %c0_i32 = arith.constant 0 : i32
    %c0_i32_0 = arith.constant 0 : i32
    return %arg0, %c0_i32 : i32, i32
  }
  func.func @transform_4(%arg0: i32) -> (i32, i32) {
    %c0_i32 = arith.constant 0 : i32
    %c0_i32_0 = arith.constant 0 : i32
    %c0_i32_1 = arith.constant 0 : i32
    return %c0_i32, %c0_i32_0 : i32, i32
  }
  func.func @transform_5(%arg0: i32) -> (i32, i32) {
    %c0_i32 = arith.constant 0 : i32
    %c0_i32_0 = arith.constant 0 : i32
    %c0_i32_1 = arith.constant 0 : i32
    return %c0_i32, %c0_i32_0 : i32, i32
  }
  func.func @transform_6(%arg0: i32) -> (i32, i32) {
    %c0_i32 = arith.constant 0 : i32
    %c0_i32_0 = arith.constant 0 : i32
    %c0_i32_1 = arith.constant 0 : i32
    return %c0_i32, %c0_i32_0 : i32, i32
  }
  func.func @transform_7(%arg0: i32) -> (i32, i32) {
    %c0_i32 = arith.constant 0 : i32
    %c0_i32_0 = arith.constant 0 : i32
    %c0_i32_1 = arith.constant 0 : i32
    return %c0_i32, %c0_i32_0 : i32, i32
  }
  func.func @transform_8(%arg0: i32) -> (i32, i32) {
    %c0_i32 = arith.constant 0 : i32
    %c0_i32_0 = arith.constant 0 : i32
    %c0_i32_1 = arith.constant 0 : i32
    return %c0_i32, %c0_i32_0 : i32, i32
  }
  func.func @transform_9(%arg0: i32) -> (i32, i32) {
    %c0_i32 = arith.constant 0 : i32
    %c0_i32_0 = arith.constant 0 : i32
    %c0_i32_1 = arith.constant 0 : i32
    return %c0_i32, %c0_i32_0 : i32, i32
  }
  func.func @transform_10(%arg0: i32) -> (i32, i32) {
    %c0_i32 = arith.constant 0 : i32
    %c0_i32_0 = arith.constant 0 : i32
    %c0_i32_1 = arith.constant 0 : i32
    return %c0_i32, %c0_i32_0 : i32, i32
  }
  func.func @transform_11(%arg0: i32) -> (i32, i32) {
    %c0_i32 = arith.constant 0 : i32
    %c0_i32_0 = arith.constant 0 : i32
    %c0_i32_1 = arith.constant 0 : i32
    return %c0_i32, %c0_i32_0 : i32, i32
  }
  func.func @transform_12(%arg0: i32) -> (i32, i32) {
    %c0_i32 = arith.constant 0 : i32
    %c0_i32_0 = arith.constant 0 : i32
    %c0_i32_1 = arith.constant 0 : i32
    return %c0_i32, %c0_i32_0 : i32, i32
  }
  func.func @transform_13(%arg0: i32) -> (i32, i32) {
    %c0_i32 = arith.constant 0 : i32
    %c0_i32_0 = arith.constant 0 : i32
    %c0_i32_1 = arith.constant 0 : i32
    return %c0_i32, %c0_i32_0 : i32, i32
  }
  func.func @transform_14(%arg0: i32) -> (i32, i32) {
    %c0_i32 = arith.constant 0 : i32
    %c0_i32_0 = arith.constant 0 : i32
    %c0_i32_1 = arith.constant 0 : i32
    return %c0_i32, %c0_i32_0 : i32, i32
  }
  func.func @transform_15(%arg0: i32) -> (i32, i32) {
    %c0_i32 = arith.constant 0 : i32
    %c0_i32_0 = arith.constant 0 : i32
    %c0_i32_1 = arith.constant 0 : i32
    return %c0_i32, %c0_i32_0 : i32, i32
  }
  func.func @transform_16(%arg0: i32) -> (i32, i32) {
    %c0_i32 = arith.constant 0 : i32
    %c0_i32_0 = arith.constant 0 : i32
    %c0_i32_1 = arith.constant 0 : i32
    return %c0_i32, %c0_i32_0 : i32, i32
  }
  func.func @transform_17(%arg0: i32) -> (i32, i32) {
    %c0_i32 = arith.constant 0 : i32
    %c0_i32_0 = arith.constant 0 : i32
    return %arg0, %c0_i32 : i32, i32
  }
  func.func @transform_18(%arg0: i32) -> (i32, i32) {
    %c0_i32 = arith.constant 0 : i32
    %c0_i32_0 = arith.constant 0 : i32
    return %arg0, %c0_i32 : i32, i32
  }
}

</mosaic_0001>

<sc_bundles>
// kernel: kernel.12.cloned.1.call-start
scs
__scs_entry_jumppad:
0x0: {  	(pc) =	sbr.rel $0x88, $3  }
0x1: {  	(tag) =	ssettag $0x0;
	lr =	simm.s32 $0x1  }
0x2: {  	[smem:$0x3F89] =	sst lr;
	_ =	strace $0xD0000000  }
0x3: {  	_ = 	snop  }
0x4: {  	_ = 	snop  }
0x5: {  	_ = 	snop  }
0x6: {  	_ = 	snop  }
0x7: {  	_ = 	snop  }
__scs_overlays_trampoline_lowered:
0x8: {  	[smem:$0x3F98] =	sst s0  }
0x9: {  	[smem:$0x3F99] =	sst s1  }
0xa: {  	[smem:$0x3F9A] =	sst s2  }
0xb: {  	[smem:$0x3F9B] =	sst s3  }
0xc: {  	[smem:$0x3F9C] =	sst s4  }
0xd: {  	[smem:$0x3F9D] =	sst s5  }
0xe: {  	[smem:$0x3F9E] =	sst s6  }
0xf: {  	[smem:$0x3F9F] =	sst s7  }
0x10: {  	[smem:$0x3FA0] =	sst s8  }
0x11: {  	[smem:$0x3FA1] =	sst s9;
	s0 =	simm.s32 @!p0 $0x0  }
0x12: {  	s1 =	sld [smem:$0x3F87];
	s0 =	simm.s32 @p0 $0x1  }
0x13: {  	[smem:$0x3FA2] =	sst s0;
	s0 =	simm.s32 @!p1 $0x0  }
0x14: {  	s2 =	sld [smem:$0x3F86];
	s0 =	simm.s32 @p1 $0x1  }
0x15: {  	[smem:$0x3FA3] =	sst s0;
	s0 =	simm.s32 @!p2 $0x0  }
0x16: {  	s3 =	sld [smem:$0x3FDB];
	s0 =	simm.s32 @p2 $0x1  }
0x17: {  	s4 =	simm.s32 $0x1BF5;
	[smem:$0x3FA5] =	sst s0  }
0x18: {  	s0 =	sld [smem:$0x3F88];
	_ =	swait.ge [sflag:s4], $0x0  }
0x19: {  	s7 =	sld [smem:$0x3F89]  }
0x1a: {  	s8 =	sadd.s32 $0xFFFFE003, lr  }
0x1b: {  	s9 =	sadd.s32 $0xFFFFFEF7, lr;
	s5 =	simm.s32 $0xFFFFFFFF;
	p2 =	slt.u32 s8, $0xFFFFF086  }
0x1c: {  	p1 =	slt.u32 s9, $0xF7A;
	s5 =	simm.s32 @!p2 $0x0  }
0x1d: {  	s5 =	simm.s32 @p1 $0x1;
	p0 =	seq.s32 s7, s2  }
0x1e: {  	s7 =	smul.u32 @!p0 $0xF7A, s2;
	p2 =	seq.s32 @!p0 s5, $0x0  }
0x1f: {  	s9 =	smul.u32 $0xF7A, s1;
	s8 =	simm.s32 @!p0 $0x1BF5;
	p2 =	por !p2, p0  }
0x20: {  	[sflag:s8] =	ssyncset.s32 @!p0 $0xFFFFF086;
	s6 =	sadd.s32 @!p0 s3, s7;
	s7 =	simm.s32 @!p0 $0x108  }
0x21: {  	s3 =	sadd.s32 s3, s9;
	s6 =	sadd.s32 @!p0 $0x88, s6;
	s7 =	simm.s32 @p2 $0x1082  }
0x22: {  	[simem:s7], [sflag:s8] =	dma.local @!p0 [hbm:s6], $0xF7A  }
0x23: {  	s9 =	sor.u32 $0xD0000000, s2;
	s6 =	simm.s32 $0x108;
	_ =	swait.ge @!p0 [sflag:s8], $0x0  }
0x24: {  	s3 =	sadd.s32 $0x88, s3;
	s6 =	simm.s32 @!p1 $0x1082;
	[sflag:s4] =	ssyncset.s32 $0xFFFFF086  }
0x25: {  	[simem:s6], [sflag:s4] =	dma.local [hbm:s3], $0xF7A  }
0x26: {  	[smem:$0x3F89] =	sst s1;
	(tag) =	ssettag s2;
	_ =	strace s9  }
0x27: {  	s1 =	sld [smem:$0x3F99]  }
0x28: {  	s2 =	sld [smem:$0x3F9A]  }
0x29: {  	s4 =	sld [smem:$0x3F9C]  }
0x2a: {  	p0 =	seq.s32 s5, $0x0;
	s5 =	sld [smem:$0x3F9D]  }
0x2b: {  	s6 =	sld [smem:$0x3F9E]  }
0x2c: {  	s7 =	sld [smem:$0x3F9F]  }
0x2d: {  	s3 =	simm.s32 $0x108;
	s8 =	sld [smem:$0x3FA0]  }
0x2e: {  	s3 =	simm.s32 @!p0 $0x1082;
	s9 =	sld [smem:$0x3FA1]  }
0x2f: {  	lr =	sadd.s32 s0, s3;
	s0 =	sld [smem:$0x3F98]  }
0x30: {  	s3 =	sld [smem:$0x3F9B]  }
0x31: {  	[smem:$0x3FA4] =	sst s10  }
0x32: {  	s10 =	sld [smem:$0x3FA2];
	_ =	sdelay $0x3  }
0x33: {  	p0 =	seq.s32 s10, $0x1;
	s10 =	sld [smem:$0x3FA4];
	_ =	sdelay $0x3  }
0x34: {  	[smem:$0x3FA4] =	sst s10  }
0x35: {  	s10 =	sld [smem:$0x3FA3];
	_ =	sdelay $0x3  }
0x36: {  	p1 =	seq.s32 s10, $0x1;
	s10 =	sld [smem:$0x3FA4];
	_ =	sdelay $0x3  }
0x37: {  	[smem:$0x3FA4] =	sst s10  }
0x38: {  	s10 =	sld [smem:$0x3FA5]  }
0x39: {  	_ = 	snop;
	(pc) =	sbr.ind lr, $3  }
0x3a: {  	_ = 	snop  }
0x3b: {  	_ = 	snop  }
0x3c: {  	p2 =	seq.s32 s10, $0x1;
	s10 =	sld [smem:$0x3FA4]  }
0x3d: {  	_ =	shalt  }
0x3e: {  	_ =	shalt  }
0x3f: {  	_ =	shalt  }
0x40: {  	_ =	shalt  }
0x41: {  	_ =	shalt  }
0x42: {  	_ =	shalt  }
0x43: {  	_ =	shalt  }
0x44: {  	_ =	shalt  }
0x45: {  	_ =	shalt  }
0x46: {  	_ =	shalt  }
0x47: {  	_ =	shalt  }
0x48: {  	_ =	shalt  }
0x49: {  	_ =	shalt  }
0x4a: {  	_ =	shalt  }
0x4b: {  	_ =	shalt  }
0x4c: {  	_ =	shalt  }
0x4d: {  	_ =	shalt  }
0x4e: {  	_ =	shalt  }
0x4f: {  	_ =	shalt  }
0x50: {  	_ =	shalt  }
0x51: {  	_ =	shalt  }
0x52: {  	_ =	shalt  }
0x53: {  	_ =	shalt  }
0x54: {  	_ =	shalt  }
0x55: {  	_ =	shalt  }
0x56: {  	_ =	shalt  }
0x57: {  	_ =	shalt  }
0x58: {  	_ =	shalt  }
0x59: {  	_ =	shalt  }
0x5a: {  	_ =	shalt  }
0x5b: {  	_ =	shalt  }
0x5c: {  	_ =	shalt  }
0x5d: {  	_ =	shalt  }
0x5e: {  	_ =	shalt  }
0x5f: {  	_ =	shalt  }
0x60: {  	_ =	shalt  }
0x61: {  	_ =	shalt  }
0x62: {  	_ =	shalt  }
0x63: {  	_ =	shalt  }
0x64: {  	_ =	shalt  }
0x65: {  	_ =	shalt  }
0x66: {  	_ =	shalt  }
0x67: {  	_ =	shalt  }
0x68: {  	_ =	shalt  }
0x69: {  	_ =	shalt  }
0x6a: {  	_ =	shalt  }
0x6b: {  	_ =	shalt  }
0x6c: {  	_ =	shalt  }
0x6d: {  	_ =	shalt  }
0x6e: {  	_ =	shalt  }
0x6f: {  	_ =	shalt  }
0x70: {  	_ =	shalt  }
0x71: {  	_ =	shalt  }
0x72: {  	_ =	shalt  }
0x73: {  	_ =	shalt  }
0x74: {  	_ =	shalt  }
0x75: {  	_ =	shalt  }
0x76: {  	_ =	shalt  }
0x77: {  	_ =	shalt  }
0x78: {  	_ =	shalt  }
0x79: {  	_ =	shalt  }
0x7a: {  	_ =	shalt  }
0x7b: {  	_ =	shalt  }
0x7c: {  	_ =	shalt  }
0x7d: {  	_ =	shalt  }
0x7e: {  	_ =	shalt  }
0x7f: {  	_ =	shalt  }
0x80: {  	_ =	shalt  }
0x81: {  	_ =	shalt  }
0x82: {  	_ =	shalt  }
0x83: {  	_ =	shalt  }
0x84: {  	_ =	shalt  }
0x85: {  	_ =	shalt  }
0x86: {  	_ =	shalt  }
0x87: {  	_ =	shalt  }
.Lfunc_end0:
.L_simem_size_0:
called_computation.1_lowered:
.L_overlay_start_0:
0x88: {  	s2 =	sld [smem:$0x3FD9]  }
0x89: {  	s3 =	sld [smem:$0x3FFE];
	_ =	sdelay $0x1  }
0x8a: {  	s1 =	srdreg.scid  }
0x8b: {  	s0 =	sand.u32 $0x1, s1  }
0x8c: {  	s16 =	sshll.u32 s0, $0xA;
	s2 =	sadd.s32 s3, s2  }
0x8d: {  	s2 =	sadd.s32 s2, s16  }
0x8e: {  	[smem:$0x3FB0] =	sst s2  }
0x8f: {  	_ = 	snop  }
0x90: {  	(tm) =	ssettm $0x1  }
0x91: {  	s17 =	sld [smem:$0x3FFB];
	_ =	sdelay $0x3  }
0x92: {  	_ =	strace s17  }
0x93: {  	s2 =	sld [smem:$0x3FFC];
	_ =	sdelay $0x3  }
0x94: {  	_ =	strace s2  }
0x95: {  	s2 =	sld [smem:$0x3FFD];
	_ =	sdelay $0x3  }
0x96: {  	_ =	strace s2  }
0x97: {  	_ =	strace $0x8FFFFFFF  }
0x98: {  	s18 =	sld [smem:$0x3FDB];
	_ =	sdelay $0x1  }
0x99: {  	s19 =	simm.s32 $_scs_section_size  }
0x9a: {  	s4 =	simm.s32 $_size__tile_overlayer_lowered;
	s5 =	simm.s32 $_tile_overlayer_lowered  }
0x9b: {  	s22 =	simm.s32 $0x1BFF;
	s21 =	sshll.u32 s5, $0x1;
	s2 =	sadd.s32 s19, s18  }
0x9c: {  	s6 =	simm.s32 $0x0;
	s20 =	sshll.u32 s4, $0x1;
	s4 =	sadd.s32 s21, s2  }
0x9d: {  	[timem:s6], [sflag:s22] =	dma.local [hbm:s4], s20  }
0x9e: {  	_ =	swait.ge [sflag:s22], s20  }
0x9f: {  	s3 =	ssub.s32 $0x0, s20;
	[sflag:s22] =	ssyncset.done $0x0  }
0xa0: {  	[sflag:s22] =	ssyncadd.s32 s3;
	_ =	sdelay $0x1  }
0xa1: {  	s23 =	simm.s32 $0x1B8B  }
0xa2: {  	_ =	swait.ge [sflag:s23], $0x1  }
0xa3: {  	[sflag:s23] =	ssyncset.done $0x0  }
0xa4: {  	s25 =	simm.s32 $0x1B8E;
	s24 =	sld [smem:$0x3FFE];
	[sflag:s23] =	ssyncadd.s32 $0xFFFFFFFF  }
0xa5: {  	s26 =	simm.s32 $execute0_lowered;
	[smem:$0x3FD2] =	sst s25  }
0xa6: {  	s4 =	sshll.u32 s26, $0x1;
	_ =	strace $0x80000049;
	[dreg:$0x1] =	wrdreg $0xFFFFFFFF  }
0xa7: {  	s28 =	simm.s32 $_size_execute0_lowered;
	s2 =	sadd.s32 s2, s4;
	[dreg:$0x0] =	wrdreg $0x0  }
0xa8: {  	s4 =	sshll.u32 s28, $0x1;
	[dreg:$0x2] =	wrdreg s2  }
0xa9: {  	[dreg:$0x3] =	wrdreg s4  }
0xaa: {  	[dreg:$0x4] =	wrdreg $0xC0  }
0xab: {  	_ =	task [dreg:s6], $0x5FFFF  }
0xac: {  	[dreg:$0x1] =	wrdreg $0xFFFFFFFF  }
0xad: {  	[dreg:$0x0] =	wrdreg $0x60  }
0xae: {  	[dreg:$0x2] =	wrdreg s24  }
0xaf: {  	[dreg:$0x3] =	wrdreg $0x9  }
0xb0: {  	_ =	task.clear_ibuf [dreg:s6], $0x4FFFF;
	_ =	strace $0x90000049  }
0xb1: {  	s29 =	simm.s32 $0x9;
	_ =	strace $0x8000004B  }
0xb2: {  	_ =	swait.ge [sflag:s29], $0x1  }
0xb3: {  	[sflag:s29] =	ssyncadd.s32 $0xFFFFFFFF  }
0xb4: {  	_ =	strace $0x9000004B  }
0xb5: {  	_ =	sfence  }
0xb6: {  	s30 =	sld [smem:$0x0];
	_ =	sdelay $0x2  }
0xb7: {  	s31 =	sshll.u32 s1, $0xD;
	s1 =	sshrl.u32 s1, $0x2  }
0xb8: {  	s3 =	sand.u32 $0x4000, s31;
	s1 =	sadd.s32 s1, s30  }
0xb9: {  	s0 =	sor.u32 s3, s0;
	s1 =	sshll.u32 s1, $0x11  }
0xba: {  	s0 =	sor.u32 s1, s0  }
0xbb: {  	s0 =	sadd.s32 $0x8F2B, s0  }
0xbc: {  	[sflag:s0] =	ssyncadd.remote.s32 $0x1  }
0xbd: {  	_ =	sfence.sel $0xFFFF  }
0xbe: {  	[dreg:$0x0] =	wrdreg $0xFFFFFFFF;
	(pc) =	sbr.abs _section_cstart, $3  }
0xbf: {  	[dreg:$0x1] =	wrdreg $0xFFFFFFFF  }
0xc0: {  	_ =	task.clear_ibuf [dreg:s6], $0x2FFFF;
	_ =	strace $0x9FFFFFFF  }
0xc1: {  	(tm) =	ssettm $0x7FFFFFFF  }
tec
execute0_lowered:
.L_overlay_start_1:
0x0: {  	(tag) =	ssettag $0x1  }
0x1: {  	s5 =	rddreg [dreg:$0x0]  }
0x2: {  	s2 =	srdreg.scid;
	s0 =	rddreg [dreg:$0x1]  }
0x3: {  	s1 =	stileid.u32;
	s25 =	simm.s32 $0x4800;
	s26 =	simm.s32 $0x8800  }
0x4: {  	s28 =	simm.s32 $0x5000;
	s29 =	simm.s32 $0x9000;
	s30 =	simm.s32 $0x5800  }
0x5: {  	s11 =	simm.s32 $0x9800;
	s31 =	simm.s32 $0x6000;
	s12 =	simm.s32 $0xA000  }
0x6: {  	s13 =	simm.s32 $0x6800;
	s8 =	sand.u32 $0x1, s2;
	s2 =	simm.s32 $0x0  }
0x7: {  	s15 =	simm.s32 $0xA800;
	s14 =	simm.s32 $0x8000;
	[smem:$0x7FF] =	sst s2  }
0x8: {  	s16 =	simm.s32 $0xB000;
	_ =	strace $0x8000004A;
	[dreg:$0x2] =	wrdreg s25  }
0x9: {  	s17 =	simm.s32 $0x7800;
	s18 =	simm.s32 $0xB800;
	[dreg:$0x3] =	wrdreg s26  }
0xa: {  	s19 =	simm.s32 $0x1;
	s20 =	simm.s32 $0x0;
	[dreg:$0x4] =	wrdreg s28  }
0xb: {  	s3 =	sshll.u32 s1, $0xB;
	s7 =	sshll.u32 s1, $0xF;
	[dreg:$0x5] =	wrdreg s29  }
0xc: {  	s4 =	sshll.u32 s8, $0xA;
	s9 =	ssub.s32 $0x2, s8;
	[dreg:$0x6] =	wrdreg s30  }
0xd: {  	s10 =	sadd.s32 s7, s5;
	s8 =	sshll.u32 s8, $0xE;
	[dreg:$0x7] =	wrdreg s11  }
0xe: {  	s3 =	sor.u32 s4, s3;
	s4 =	sadd.s32 $0xDC00, s5;
	[dreg:$0x8] =	wrdreg s31  }
0xf: {  	s23 =	sshrl.u32 s9, $0x1;
	s10 =	sadd.s32 s8, s10;
	[dreg:$0x9] =	wrdreg s12  }
0x10: {  	s11 =	simm.s32 $0x2000;
	s12 =	simm.s32 $0x80;
	[dreg:$0xa] =	wrdreg s13  }
0x11: {  	s13 =	simm.s32 $0x4000;
	[dreg:$0xb] =	wrdreg s15;
	s15 =	simm.s32 $0x7000  }
0x12: {  	s6 =	sadd.s32 s3, s5;
	s3 =	sadd.s32 $0x5C00, s5;
	s24 =	ssub.s32 s9, s23  }
0x13: {  	s8 =	sadd.s32 $0xB9C00, s10;
	s9 =	sadd.s32 $0x39C00, s10;
	s10 =	simm.s32 $0x2  }
0x14: {  	s5 =	sadd.s32 $0x29C00, s6;
	s6 =	sadd.s32 $0x31C00, s6;
	s7 =	smax.u32 s24, $0x1  }
.LBB2_1:
0x15: {  	[tilespmem:s2], [sflag:$0x2] =	stream.linear.gather [hbm4b:s5+s2], $0x2000, $0x38;
	[tilespmem:$0xC000] =	vst v63  }
0x16: {  	_ =	swait.ge [sflag:s10], $0x2000  }
0x17: {  	[sflag:s10] =	ssyncset.done $0x0  }
0x18: {  	[sflag:s10] =	ssyncadd.s32 $0xFFFFE000  }
0x19: {  	[tilespmem:s11], [sflag:$0x2] =	stream.linear.gather [hbm4b:s6+s2], $0x2000, $0x38;
	[tilespmem:$0xC000] =	vst v63  }
0x1a: {  	_ =	swait.ge [sflag:s10], $0x2000  }
0x1b: {  	[sflag:s10] =	ssyncset.done $0x0  }
0x1c: {  	s21 =	simm.s32 $0x0;
	[sflag:s10] =	ssyncadd.s32 $0xFFFFE000  }
0x1d: {  	[tilespmem:s13], [sflag:$0x1] =	stream.indirect.gather [hbm4b:s3+s12], $0x10, s21, s12, $0xb8;
	[tilespmem:$0xC000] =	vst v63  }
0x1e: {  	s23 =	simm.s32 $0x2000  }
0x1f: {  	[tilespmem:s14], [sflag:$0x1] =	stream.indirect.gather [hbm4b:s4+s12], $0x10, s23, s12, $0xb8;
	[tilespmem:$0xC000] =	vst v63  }
0x20: {  	s24 =	simm.s32 $0x80;
	s22 =	rddreg [dreg:$0x2]  }
0x21: {  	[tilespmem:s22], [sflag:$0x1] =	stream.indirect.gather [hbm4b:s3+s12], $0x10, s24, s12, $0xb8;
	[tilespmem:$0xC000] =	vst v63  }
0x22: {  	s25 =	simm.s32 $0x2080;
	s23 =	rddreg [dreg:$0x3]  }
0x23: {  	[tilespmem:s23], [sflag:$0x1] =	stream.indirect.gather [hbm4b:s4+s12], $0x10, s25, s12, $0xb8;
	[tilespmem:$0xC000] =	vst v63  }
0x24: {  	s28 =	simm.s32 $0x100;
	s26 =	rddreg [dreg:$0x4]  }
0x25: {  	[tilespmem:s26], [sflag:$0x1] =	stream.indirect.gather [hbm4b:s3+s12], $0x10, s28, s12, $0xb8;
	[tilespmem:$0xC000] =	vst v63  }
0x26: {  	s30 =	simm.s32 $0x2100;
	s29 =	rddreg [dreg:$0x5]  }
0x27: {  	[tilespmem:s29], [sflag:$0x1] =	stream.indirect.gather [hbm4b:s4+s12], $0x10, s30, s12, $0xb8;
	[tilespmem:$0xC000] =	vst v63  }
0x28: {  	s31 =	rddreg [dreg:$0x6];
	s23 =	simm.s32 $0x180  }
0x29: {  	[tilespmem:s31], [sflag:$0x1] =	stream.indirect.gather [hbm4b:s3+s12], $0x10, s23, s12, $0xb8;
	[tilespmem:$0xC000] =	vst v63  }
0x2a: {  	s24 =	rddreg [dreg:$0x7];
	s25 =	simm.s32 $0x2180  }
0x2b: {  	[tilespmem:s24], [sflag:$0x1] =	stream.indirect.gather [hbm4b:s4+s12], $0x10, s25, s12, $0xb8;
	[tilespmem:$0xC000] =	vst v63  }
0x2c: {  	s26 =	rddreg [dreg:$0x8];
	s28 =	simm.s32 $0x200  }
0x2d: {  	[tilespmem:s26], [sflag:$0x1] =	stream.indirect.gather [hbm4b:s3+s12], $0x10, s28, s12, $0xb8;
	[tilespmem:$0xC000] =	vst v63  }
0x2e: {  	s29 =	rddreg [dreg:$0x9];
	s30 =	simm.s32 $0x2200  }
0x2f: {  	[tilespmem:s29], [sflag:$0x1] =	stream.indirect.gather [hbm4b:s4+s12], $0x10, s30, s12, $0xb8;
	[tilespmem:$0xC000] =	vst v63  }
0x30: {  	s31 =	rddreg [dreg:$0xa];
	s24 =	simm.s32 $0x280  }
0x31: {  	[tilespmem:s31], [sflag:$0x1] =	stream.indirect.gather [hbm4b:s3+s12], $0x10, s24, s12, $0xb8;
	[tilespmem:$0xC000] =	vst v63  }
0x32: {  	s25 =	rddreg [dreg:$0xb];
	s26 =	simm.s32 $0x2280  }
0x33: {  	[tilespmem:s25], [sflag:$0x1] =	stream.indirect.gather [hbm4b:s4+s12], $0x10, s26, s12, $0xb8;
	[tilespmem:$0xC000] =	vst v63  }
0x34: {  	s28 =	simm.s32 $0x300  }
0x35: {  	[tilespmem:s15], [sflag:$0x1] =	stream.indirect.gather [hbm4b:s3+s12], $0x10, s28, s12, $0xb8;
	[tilespmem:$0xC000] =	vst v63  }
0x36: {  	s29 =	simm.s32 $0x2300  }
0x37: {  	[tilespmem:s16], [sflag:$0x1] =	stream.indirect.gather [hbm4b:s4+s12], $0x10, s29, s12, $0xb8;
	[tilespmem:$0xC000] =	vst v63  }
0x38: {  	s30 =	simm.s32 $0x380  }
0x39: {  	[tilespmem:s17], [sflag:$0x1] =	stream.indirect.gather [hbm4b:s3+s12], $0x10, s30, s12, $0xb8;
	[tilespmem:$0xC000] =	vst v63  }
0x3a: {  	s31 =	simm.s32 $0x2380  }
0x3b: {  	[tilespmem:s18], [sflag:$0x1] =	stream.indirect.gather [hbm4b:s4+s12], $0x10, s31, s12, $0xb8;
	[tilespmem:$0xC000] =	vst v63  }
0x3c: {  	_ =	swait.ge [sflag:s19], $0x800  }
0x3d: {  	[sflag:s19] =	ssyncset.done $0x0  }
0x3e: {  	[sflag:s19] =	ssyncadd.s32 $0xFFFFF800  }
0x3f: {  	_ =	swait.ge [sflag:s19], $0x800  }
0x40: {  	[sflag:s19] =	ssyncset.done $0x0  }
0x41: {  	[sflag:s19] =	ssyncadd.s32 $0xFFFFF800  }
0x42: {  	_ =	swait.ge [sflag:s19], $0x800  }
0x43: {  	[sflag:s19] =	ssyncset.done $0x0  }
0x44: {  	[sflag:s19] =	ssyncadd.s32 $0xFFFFF800  }
0x45: {  	_ =	swait.ge [sflag:s19], $0x800  }
0x46: {  	[sflag:s19] =	ssyncset.done $0x0  }
0x47: {  	[sflag:s19] =	ssyncadd.s32 $0xFFFFF800  }
0x48: {  	_ =	swait.ge [sflag:s19], $0x800  }
0x49: {  	[sflag:s19] =	ssyncset.done $0x0  }
0x4a: {  	[sflag:s19] =	ssyncadd.s32 $0xFFFFF800  }
0x4b: {  	_ =	swait.ge [sflag:s19], $0x800  }
0x4c: {  	[sflag:s19] =	ssyncset.done $0x0  }
0x4d: {  	[sflag:s19] =	ssyncadd.s32 $0xFFFFF800  }
0x4e: {  	_ =	swait.ge [sflag:s19], $0x800  }
0x4f: {  	[sflag:s19] =	ssyncset.done $0x0  }
0x50: {  	[sflag:s19] =	ssyncadd.s32 $0xFFFFF800  }
0x51: {  	_ =	swait.ge [sflag:s19], $0x800  }
0x52: {  	[sflag:s19] =	ssyncset.done $0x0  }
0x53: {  	[sflag:s19] =	ssyncadd.s32 $0xFFFFF800  }
0x54: {  	_ =	swait.ge [sflag:s19], $0x800  }
0x55: {  	[sflag:s19] =	ssyncset.done $0x0  }
0x56: {  	[sflag:s19] =	ssyncadd.s32 $0xFFFFF800  }
0x57: {  	_ =	swait.ge [sflag:s19], $0x800  }
0x58: {  	[sflag:s19] =	ssyncset.done $0x0  }
0x59: {  	[sflag:s19] =	ssyncadd.s32 $0xFFFFF800  }
0x5a: {  	_ =	swait.ge [sflag:s19], $0x800  }
0x5b: {  	[sflag:s19] =	ssyncset.done $0x0  }
0x5c: {  	[sflag:s19] =	ssyncadd.s32 $0xFFFFF800  }
0x5d: {  	_ =	swait.ge [sflag:s19], $0x800  }
0x5e: {  	[sflag:s19] =	ssyncset.done $0x0  }
0x5f: {  	[sflag:s19] =	ssyncadd.s32 $0xFFFFF800  }
0x60: {  	_ =	swait.ge [sflag:s19], $0x800  }
0x61: {  	[sflag:s19] =	ssyncset.done $0x0  }
0x62: {  	[sflag:s19] =	ssyncadd.s32 $0xFFFFF800  }
0x63: {  	_ =	swait.ge [sflag:s19], $0x800  }
0x64: {  	[sflag:s19] =	ssyncset.done $0x0  }
0x65: {  	[sflag:s19] =	ssyncadd.s32 $0xFFFFF800  }
0x66: {  	_ =	swait.ge [sflag:s19], $0x800  }
0x67: {  	[sflag:s19] =	ssyncset.done $0x0  }
0x68: {  	[sflag:s19] =	ssyncadd.s32 $0xFFFFF800  }
0x69: {  	_ =	swait.ge [sflag:s19], $0x800  }
0x6a: {  	[sflag:s19] =	ssyncset.done $0x0  }
0x6b: {  	[sflag:s19] =	ssyncadd.s32 $0xFFFFF800  }
0x6c: {  	[hbm4b:s9+s2] =	stream.linear.scatter [tilespmem:s13], [sflag:$0x2], $0x4000, $0x38;
	[tilespmem:$0xC000] =	vst v63  }
0x6d: {  	_ =	swait.ge [sflag:s10], $0x4000  }
0x6e: {  	[sflag:s10] =	ssyncset.done $0x0  }
0x6f: {  	[sflag:s10] =	ssyncadd.s32 $0xFFFFC000  }
0x70: {  	[hbm4b:s8+s2] =	stream.linear.scatter [tilespmem:s14], [sflag:$0x2], $0x4000, $0x38;
	[tilespmem:$0xC000] =	vst v63  }
0x71: {  	s21 =	sadd.s32 $0x800, s8;
	s22 =	sadd.s32 $0x800, s9;
	_ =	swait.ge [sflag:s10], $0x4000  }
0x72: {  	s23 =	simm.s32 $0x1000;
	s26 =	simm.s32 $0x2000;
	[sflag:s10] =	ssyncset.done $0x0  }
.LBB2_2:
0x73: {  	s25 =	sshra.s32 s23, $0x2;
	[sflag:s10] =	ssyncadd.s32 $0xFFFFC000  }
0x74: {  	[tilespmem:s13], [sflag:$0x1] =	stream.indirect.gather [hbm4b:s3+s12], $0x10, s25, s12, $0xb8;
	[tilespmem:$0xC000] =	vst v63  }
0x75: {  	s30 =	sadd.s32 $0x2000, s25  }
0x76: {  	[tilespmem:s14], [sflag:$0x1] =	stream.indirect.gather [hbm4b:s4+s12], $0x10, s30, s12, $0xb8;
	[tilespmem:$0xC000] =	vst v63  }
0x77: {  	s28 =	rddreg [dreg:$0x2];
	s31 =	sadd.s32 $0x80, s25  }
0x78: {  	[tilespmem:s28], [sflag:$0x1] =	stream.indirect.gather [hbm4b:s3+s12], $0x10, s31, s12, $0xb8;
	[tilespmem:$0xC000] =	vst v63  }
0x79: {  	s29 =	rddreg [dreg:$0x3];
	s30 =	sadd.s32 $0x2080, s25  }
0x7a: {  	[tilespmem:s29], [sflag:$0x1] =	stream.indirect.gather [hbm4b:s4+s12], $0x10, s30, s12, $0xb8;
	[tilespmem:$0xC000] =	vst v63  }
0x7b: {  	s28 =	rddreg [dreg:$0x4];
	s31 =	sadd.s32 $0x100, s25  }
0x7c: {  	[tilespmem:s28], [sflag:$0x1] =	stream.indirect.gather [hbm4b:s3+s12], $0x10, s31, s12, $0xb8;
	[tilespmem:$0xC000] =	vst v63  }
0x7d: {  	s30 =	rddreg [dreg:$0x5];
	s31 =	sadd.s32 $0x2100, s25  }
0x7e: {  	[tilespmem:s30], [sflag:$0x1] =	stream.indirect.gather [hbm4b:s4+s12], $0x10, s31, s12, $0xb8;
	[tilespmem:$0xC000] =	vst v63  }
0x7f: {  	s28 =	rddreg [dreg:$0x6];
	s30 =	sadd.s32 $0x180, s25  }
0x80: {  	[tilespmem:s28], [sflag:$0x1] =	stream.indirect.gather [hbm4b:s3+s12], $0x10, s30, s12, $0xb8;
	[tilespmem:$0xC000] =	vst v63  }
0x81: {  	s31 =	rddreg [dreg:$0x7];
	s30 =	sadd.s32 $0x2180, s25  }
0x82: {  	[tilespmem:s31], [sflag:$0x1] =	stream.indirect.gather [hbm4b:s4+s12], $0x10, s30, s12, $0xb8;
	[tilespmem:$0xC000] =	vst v63  }
0x83: {  	s28 =	rddreg [dreg:$0x8];
	s31 =	sadd.s32 $0x200, s25  }
0x84: {  	[tilespmem:s28], [sflag:$0x1] =	stream.indirect.gather [hbm4b:s3+s12], $0x10, s31, s12, $0xb8;
	[tilespmem:$0xC000] =	vst v63  }
0x85: {  	s30 =	rddreg [dreg:$0x9];
	s31 =	sadd.s32 $0x2200, s25  }
0x86: {  	[tilespmem:s30], [sflag:$0x1] =	stream.indirect.gather [hbm4b:s4+s12], $0x10, s31, s12, $0xb8;
	[tilespmem:$0xC000] =	vst v63  }
0x87: {  	s28 =	rddreg [dreg:$0xa];
	s30 =	sadd.s32 $0x280, s25  }
0x88: {  	[tilespmem:s28], [sflag:$0x1] =	stream.indirect.gather [hbm4b:s3+s12], $0x10, s30, s12, $0xb8;
	[tilespmem:$0xC000] =	vst v63  }
0x89: {  	s31 =	rddreg [dreg:$0xb];
	s28 =	sadd.s32 $0x2280, s25  }
0x8a: {  	[tilespmem:s31], [sflag:$0x1] =	stream.indirect.gather [hbm4b:s4+s12], $0x10, s28, s12, $0xb8;
	[tilespmem:$0xC000] =	vst v63  }
0x8b: {  	s29 =	sadd.s32 $0x300, s25  }
0x8c: {  	[tilespmem:s15], [sflag:$0x1] =	stream.indirect.gather [hbm4b:s3+s12], $0x10, s29, s12, $0xb8;
	[tilespmem:$0xC000] =	vst v63  }
0x8d: {  	s30 =	sadd.s32 $0x2300, s25  }
0x8e: {  	[tilespmem:s16], [sflag:$0x1] =	stream.indirect.gather [hbm4b:s4+s12], $0x10, s30, s12, $0xb8;
	[tilespmem:$0xC000] =	vst v63  }
0x8f: {  	s31 =	sadd.s32 $0x380, s25  }
0x90: {  	[tilespmem:s17], [sflag:$0x1] =	stream.indirect.gather [hbm4b:s3+s12], $0x10, s31, s12, $0xb8;
	[tilespmem:$0xC000] =	vst v63  }
0x91: {  	s25 =	sadd.s32 $0x2380, s25  }
0x92: {  	[tilespmem:s18], [sflag:$0x1] =	stream.indirect.gather [hbm4b:s4+s12], $0x10, s25, s12, $0xb8;
	[tilespmem:$0xC000] =	vst v63  }
0x93: {  	_ =	swait.ge [sflag:s19], $0x800  }
0x94: {  	[sflag:s19] =	ssyncset.done $0x0  }
0x95: {  	[sflag:s19] =	ssyncadd.s32 $0xFFFFF800  }
0x96: {  	_ =	swait.ge [sflag:s19], $0x800  }
0x97: {  	[sflag:s19] =	ssyncset.done $0x0  }
0x98: {  	[sflag:s19] =	ssyncadd.s32 $0xFFFFF800  }
0x99: {  	_ =	swait.ge [sflag:s19], $0x800  }
0x9a: {  	[sflag:s19] =	ssyncset.done $0x0  }
0x9b: {  	[sflag:s19] =	ssyncadd.s32 $0xFFFFF800  }
0x9c: {  	_ =	swait.ge [sflag:s19], $0x800  }
0x9d: {  	[sflag:s19] =	ssyncset.done $0x0  }
0x9e: {  	[sflag:s19] =	ssyncadd.s32 $0xFFFFF800  }
0x9f: {  	_ =	swait.ge [sflag:s19], $0x800  }
0xa0: {  	[sflag:s19] =	ssyncset.done $0x0  }
0xa1: {  	[sflag:s19] =	ssyncadd.s32 $0xFFFFF800  }
0xa2: {  	_ =	swait.ge [sflag:s19], $0x800  }
0xa3: {  	[sflag:s19] =	ssyncset.done $0x0  }
0xa4: {  	[sflag:s19] =	ssyncadd.s32 $0xFFFFF800  }
0xa5: {  	_ =	swait.ge [sflag:s19], $0x800  }
0xa6: {  	[sflag:s19] =	ssyncset.done $0x0  }
0xa7: {  	[sflag:s19] =	ssyncadd.s32 $0xFFFFF800  }
0xa8: {  	_ =	swait.ge [sflag:s19], $0x800  }
0xa9: {  	[sflag:s19] =	ssyncset.done $0x0  }
0xaa: {  	[sflag:s19] =	ssyncadd.s32 $0xFFFFF800  }
0xab: {  	_ =	swait.ge [sflag:s19], $0x800  }
0xac: {  	[sflag:s19] =	ssyncset.done $0x0  }
0xad: {  	[sflag:s19] =	ssyncadd.s32 $0xFFFFF800  }
0xae: {  	_ =	swait.ge [sflag:s19], $0x800  }
0xaf: {  	[sflag:s19] =	ssyncset.done $0x0  }
0xb0: {  	[sflag:s19] =	ssyncadd.s32 $0xFFFFF800  }
0xb1: {  	_ =	swait.ge [sflag:s19], $0x800  }
0xb2: {  	[sflag:s19] =	ssyncset.done $0x0  }
0xb3: {  	[sflag:s19] =	ssyncadd.s32 $0xFFFFF800  }
0xb4: {  	_ =	swait.ge [sflag:s19], $0x800  }
0xb5: {  	[sflag:s19] =	ssyncset.done $0x0  }
0xb6: {  	[sflag:s19] =	ssyncadd.s32 $0xFFFFF800  }
0xb7: {  	_ =	swait.ge [sflag:s19], $0x800  }
0xb8: {  	[sflag:s19] =	ssyncset.done $0x0  }
0xb9: {  	[sflag:s19] =	ssyncadd.s32 $0xFFFFF800  }
0xba: {  	_ =	swait.ge [sflag:s19], $0x800  }
0xbb: {  	[sflag:s19] =	ssyncset.done $0x0  }
0xbc: {  	[sflag:s19] =	ssyncadd.s32 $0xFFFFF800  }
0xbd: {  	_ =	swait.ge [sflag:s19], $0x800  }
0xbe: {  	[sflag:s19] =	ssyncset.done $0x0  }
0xbf: {  	[sflag:s19] =	ssyncadd.s32 $0xFFFFF800  }
0xc0: {  	_ =	swait.ge [sflag:s19], $0x800  }
0xc1: {  	[sflag:s19] =	ssyncset.done $0x0  }
0xc2: {  	[sflag:s19] =	ssyncadd.s32 $0xFFFFF800  }
0xc3: {  	[hbm4b:s22+s2] =	stream.linear.scatter [tilespmem:s13], [sflag:$0x2], $0x4000, $0x38;
	[tilespmem:$0xC000] =	vst v63  }
0xc4: {  	p0 =	sne.s32 s26, $0x7000;
	_ =	swait.ge [sflag:s10], $0x4000  }
.Ltmp0:
0xc5: {  	[sflag:s10] =	ssyncset.done $0x0;
	(pc) =	sbr.rel @p0 .LBB2_2-.Ltmp0, $4  }
0xc6: {  	s24 =	sadd.s32 $0x1000, s26;
	[sflag:s10] =	ssyncadd.s32 $0xFFFFC000  }
0xc7: {  	[hbm4b:s21+s2] =	stream.linear.scatter [tilespmem:s14], [sflag:$0x2], $0x4000, $0x38;
	[tilespmem:$0xC000] =	vst v63  }
0xc8: {  	s23 =	smov.u32 s26;
	s26 =	smov.u32 s24;
	_ =	swait.ge [sflag:s10], $0x4000  }
0xc9: {  	s22 =	sadd.s32 $0x800, s22;
	s21 =	sadd.s32 $0x800, s21;
	[sflag:s10] =	ssyncset.done $0x0  }
0xca: {  	s23 =	sshra.s32 s23, $0x2;
	[sflag:s10] =	ssyncadd.s32 $0xFFFFC000  }
0xcb: {  	[tilespmem:s13], [sflag:$0x1] =	stream.indirect.gather [hbm4b:s3+s12], $0x10, s23, s12, $0xb8;
	[tilespmem:$0xC000] =	vst v63  }
0xcc: {  	s24 =	sadd.s32 $0x2000, s23  }
0xcd: {  	[tilespmem:s14], [sflag:$0x1] =	stream.indirect.gather [hbm4b:s4+s12], $0x10, s24, s12, $0xb8;
	[tilespmem:$0xC000] =	vst v63  }
0xce: {  	s25 =	rddreg [dreg:$0x2];
	s31 =	sadd.s32 $0x80, s23  }
0xcf: {  	[tilespmem:s25], [sflag:$0x1] =	stream.indirect.gather [hbm4b:s3+s12], $0x10, s31, s12, $0xb8;
	[tilespmem:$0xC000] =	vst v63  }
0xd0: {  	s26 =	rddreg [dreg:$0x3];
	s28 =	sadd.s32 $0x2080, s23  }
0xd1: {  	[tilespmem:s26], [sflag:$0x1] =	stream.indirect.gather [hbm4b:s4+s12], $0x10, s28, s12, $0xb8;
	[tilespmem:$0xC000] =	vst v63  }
0xd2: {  	s29 =	rddreg [dreg:$0x4];
	s30 =	sadd.s32 $0x100, s23  }
0xd3: {  	[tilespmem:s29], [sflag:$0x1] =	stream.indirect.gather [hbm4b:s3+s12], $0x10, s30, s12, $0xb8;
	[tilespmem:$0xC000] =	vst v63  }
0xd4: {  	s31 =	rddreg [dreg:$0x5];
	s28 =	sadd.s32 $0x2100, s23  }
0xd5: {  	[tilespmem:s31], [sflag:$0x1] =	stream.indirect.gather [hbm4b:s4+s12], $0x10, s28, s12, $0xb8;
	[tilespmem:$0xC000] =	vst v63  }
0xd6: {  	s29 =	rddreg [dreg:$0x6];
	s30 =	sadd.s32 $0x180, s23  }
0xd7: {  	[tilespmem:s29], [sflag:$0x1] =	stream.indirect.gather [hbm4b:s3+s12], $0x10, s30, s12, $0xb8;
	[tilespmem:$0xC000] =	vst v63  }
0xd8: {  	s31 =	rddreg [dreg:$0x7];
	s28 =	sadd.s32 $0x2180, s23  }
0xd9: {  	[tilespmem:s31], [sflag:$0x1] =	stream.indirect.gather [hbm4b:s4+s12], $0x10, s28, s12, $0xb8;
	[tilespmem:$0xC000] =	vst v63  }
0xda: {  	s29 =	rddreg [dreg:$0x8];
	s30 =	sadd.s32 $0x200, s23  }
0xdb: {  	[tilespmem:s29], [sflag:$0x1] =	stream.indirect.gather [hbm4b:s3+s12], $0x10, s30, s12, $0xb8;
	[tilespmem:$0xC000] =	vst v63  }
0xdc: {  	s31 =	rddreg [dreg:$0x9];
	s28 =	sadd.s32 $0x2200, s23  }
0xdd: {  	[tilespmem:s31], [sflag:$0x1] =	stream.indirect.gather [hbm4b:s4+s12], $0x10, s28, s12, $0xb8;
	[tilespmem:$0xC000] =	vst v63  }
0xde: {  	s29 =	rddreg [dreg:$0xa];
	s30 =	sadd.s32 $0x280, s23  }
0xdf: {  	[tilespmem:s29], [sflag:$0x1] =	stream.indirect.gather [hbm4b:s3+s12], $0x10, s30, s12, $0xb8;
	[tilespmem:$0xC000] =	vst v63  }
0xe0: {  	s31 =	rddreg [dreg:$0xb];
	s28 =	sadd.s32 $0x2280, s23  }
0xe1: {  	[tilespmem:s31], [sflag:$0x1] =	stream.indirect.gather [hbm4b:s4+s12], $0x10, s28, s12, $0xb8;
	[tilespmem:$0xC000] =	vst v63  }
0xe2: {  	s29 =	sadd.s32 $0x300, s23  }
0xe3: {  	[tilespmem:s15], [sflag:$0x1] =	stream.indirect.gather [hbm4b:s3+s12], $0x10, s29, s12, $0xb8;
	[tilespmem:$0xC000] =	vst v63  }
0xe4: {  	s30 =	sadd.s32 $0x2300, s23  }
0xe5: {  	[tilespmem:s16], [sflag:$0x1] =	stream.indirect.gather [hbm4b:s4+s12], $0x10, s30, s12, $0xb8;
	[tilespmem:$0xC000] =	vst v63  }
0xe6: {  	s31 =	sadd.s32 $0x380, s23  }
0xe7: {  	[tilespmem:s17], [sflag:$0x1] =	stream.indirect.gather [hbm4b:s3+s12], $0x10, s31, s12, $0xb8;
	[tilespmem:$0xC000] =	vst v63  }
0xe8: {  	s23 =	sadd.s32 $0x2380, s23  }
0xe9: {  	[tilespmem:s18], [sflag:$0x1] =	stream.indirect.gather [hbm4b:s4+s12], $0x10, s23, s12, $0xb8;
	[tilespmem:$0xC000] =	vst v63  }
0xea: {  	_ =	swait.ge [sflag:s19], $0x800  }
0xeb: {  	[sflag:s19] =	ssyncset.done $0x0  }
0xec: {  	[sflag:s19] =	ssyncadd.s32 $0xFFFFF800  }
0xed: {  	_ =	swait.ge [sflag:s19], $0x800  }
0xee: {  	[sflag:s19] =	ssyncset.done $0x0  }
0xef: {  	[sflag:s19] =	ssyncadd.s32 $0xFFFFF800  }
0xf0: {  	_ =	swait.ge [sflag:s19], $0x800  }
0xf1: {  	[sflag:s19] =	ssyncset.done $0x0  }
0xf2: {  	[sflag:s19] =	ssyncadd.s32 $0xFFFFF800  }
0xf3: {  	_ =	swait.ge [sflag:s19], $0x800  }
0xf4: {  	[sflag:s19] =	ssyncset.done $0x0  }
0xf5: {  	[sflag:s19] =	ssyncadd.s32 $0xFFFFF800  }
0xf6: {  	_ =	swait.ge [sflag:s19], $0x800  }
0xf7: {  	[sflag:s19] =	ssyncset.done $0x0  }
0xf8: {  	[sflag:s19] =	ssyncadd.s32 $0xFFFFF800  }
0xf9: {  	_ =	swait.ge [sflag:s19], $0x800  }
0xfa: {  	[sflag:s19] =	ssyncset.done $0x0  }
0xfb: {  	[sflag:s19] =	ssyncadd.s32 $0xFFFFF800  }
0xfc: {  	_ =	swait.ge [sflag:s19], $0x800  }
0xfd: {  	[sflag:s19] =	ssyncset.done $0x0  }
0xfe: {  	[sflag:s19] =	ssyncadd.s32 $0xFFFFF800  }
0xff: {  	_ =	swait.ge [sflag:s19], $0x800  }
0x100: {  	[sflag:s19] =	ssyncset.done $0x0  }
0x101: {  	[sflag:s19] =	ssyncadd.s32 $0xFFFFF800  }
0x102: {  	_ =	swait.ge [sflag:s19], $0x800  }
0x103: {  	[sflag:s19] =	ssyncset.done $0x0  }
0x104: {  	[sflag:s19] =	ssyncadd.s32 $0xFFFFF800  }
0x105: {  	_ =	swait.ge [sflag:s19], $0x800  }
0x106: {  	[sflag:s19] =	ssyncset.done $0x0  }
0x107: {  	[sflag:s19] =	ssyncadd.s32 $0xFFFFF800  }
0x108: {  	_ =	swait.ge [sflag:s19], $0x800  }
0x109: {  	[sflag:s19] =	ssyncset.done $0x0  }
0x10a: {  	[sflag:s19] =	ssyncadd.s32 $0xFFFFF800  }
0x10b: {  	_ =	swait.ge [sflag:s19], $0x800  }
0x10c: {  	[sflag:s19] =	ssyncset.done $0x0  }
0x10d: {  	[sflag:s19] =	ssyncadd.s32 $0xFFFFF800  }
0x10e: {  	_ =	swait.ge [sflag:s19], $0x800  }
0x10f: {  	[sflag:s19] =	ssyncset.done $0x0  }
0x110: {  	[sflag:s19] =	ssyncadd.s32 $0xFFFFF800  }
0x111: {  	_ =	swait.ge [sflag:s19], $0x800  }
0x112: {  	[sflag:s19] =	ssyncset.done $0x0  }
0x113: {  	[sflag:s19] =	ssyncadd.s32 $0xFFFFF800  }
0x114: {  	_ =	swait.ge [sflag:s19], $0x800  }
0x115: {  	[sflag:s19] =	ssyncset.done $0x0  }
0x116: {  	[sflag:s19] =	ssyncadd.s32 $0xFFFFF800  }
0x117: {  	_ =	swait.ge [sflag:s19], $0x800  }
0x118: {  	[sflag:s19] =	ssyncset.done $0x0  }
0x119: {  	[sflag:s19] =	ssyncadd.s32 $0xFFFFF800  }
0x11a: {  	[hbm4b:s22+s2] =	stream.linear.scatter [tilespmem:s13], [sflag:$0x2], $0x4000, $0x38;
	[tilespmem:$0xC000] =	vst v63  }
0x11b: {  	s20 =	sadd.s32 $0x1, s20;
	_ =	swait.ge [sflag:s10], $0x4000  }
0x11c: {  	p0 =	sne.s32 s20, s7;
	[sflag:s10] =	ssyncset.done $0x0  }
.Ltmp1:
0x11d: {  	[sflag:s10] =	ssyncadd.s32 $0xFFFFC000;
	(pc) =	sbr.rel @p0 .LBB2_1-.Ltmp1, $4  }
0x11e: {  	[hbm4b:s21+s2] =	stream.linear.scatter [tilespmem:s14], [sflag:$0x2], $0x4000, $0x38;
	[tilespmem:$0xC000] =	vst v63  }
0x11f: {  	_ =	swait.ge [sflag:s10], $0x4000  }
0x120: {  	[sflag:s10] =	ssyncset.done $0x0  }
0x121: {  	[sflag:s10] =	ssyncadd.s32 $0xFFFFC000  }
0x122: {  	_ =	sfence.sel $0x180000  }
0x123: {  	[bflag:$0x0] =	sbarrier.arrive $0xFFFF  }
0x124: {  	p0 =	sne.s32 s1, $0x0;
	_ =	strace $0x9000004A  }
0x125: {  	s0 =	sadd.s32 @!p0 $0x100000, s0;
	[bflag:$0x2] =	sbarrier.arrive $0xFFFF  }
0x126: {  	[sflag:s0] =	ssyncadd.tile.s32 @!p0 $0x1;
	_ =	shalt  }
.Lfunc_end2:
_tile_overlayer_lowered:
.L_overlay_start_2:
0x127: {  	(tag) =	ssettag $0x2  }
0x128: {  	s0 =	rddreg [dreg:$0x0];
	s2 =	stileid.u32  }
0x129: {  	s1 =	rddreg [dreg:$0x1];
	p0 =	sne.s32 s2, $0x0  }
0x12a: {  	s3 =	rddreg [dreg:$0x2];
	[bflag:$0x3] =	sbarrier.arrive $0xFFFF;
	s2 =	simm.s32 @!p0 $0x1C02  }
0x12b: {  	[timem:s3], [sflag:s2] =	dma.local @!p0 [hbm:s0], s1  }
0x12c: {  	s0 =	simm.s32 @!p0 $0x2  }
0x12d: {  	_ =	swait.ge @!p0 [sflag:s0], s1  }
0x12e: {  	s1 =	ssub.s32 @!p0 $0x0, s1;
	[sflag:s0] =	ssyncset.done @!p0 $0x0  }
0x12f: {  	[sflag:s0] =	ssyncadd.s32 @!p0 s1  }
0x130: {  	[bflag:$0x3] =	sbarrier.arrive $0xFFFF  }
0x131: {  	_ =	shalt  }

// kernel: kernel.15.cloned.1.call-start
scs
__scs_entry_jumppad:
0x0: {  	(pc) =	sbr.rel $0x88, $3  }
0x1: {  	(tag) =	ssettag $0x0;
	lr =	simm.s32 $0x1  }
0x2: {  	[smem:$0x3F89] =	sst lr;
	_ =	strace $0xD0000000  }
0x3: {  	_ = 	snop  }
0x4: {  	_ = 	snop  }
0x5: {  	_ = 	snop  }
0x6: {  	_ = 	snop  }
0x7: {  	_ = 	snop  }
__scs_overlays_trampoline_lowered:
0x8: {  	[smem:$0x3F98] =	sst s0  }
0x9: {  	[smem:$0x3F99] =	sst s1  }
0xa: {  	[smem:$0x3F9A] =	sst s2  }
0xb: {  	[smem:$0x3F9B] =	sst s3  }
0xc: {  	[smem:$0x3F9C] =	sst s4  }
0xd: {  	[smem:$0x3F9D] =	sst s5  }
0xe: {  	[smem:$0x3F9E] =	sst s6  }
0xf: {  	[smem:$0x3F9F] =	sst s7  }
0x10: {  	[smem:$0x3FA0] =	sst s8  }
0x11: {  	[smem:$0x3FA1] =	sst s9;
	s0 =	simm.s32 @!p0 $0x0  }
0x12: {  	s1 =	sld [smem:$0x3F87];
	s0 =	simm.s32 @p0 $0x1  }
0x13: {  	[smem:$0x3FA2] =	sst s0;
	s0 =	simm.s32 @!p1 $0x0  }
0x14: {  	s2 =	sld [smem:$0x3F86];
	s0 =	simm.s32 @p1 $0x1  }
0x15: {  	[smem:$0x3FA3] =	sst s0;
	s0 =	simm.s32 @!p2 $0x0  }
0x16: {  	s3 =	sld [smem:$0x3FDB];
	s0 =	simm.s32 @p2 $0x1  }
0x17: {  	s4 =	simm.s32 $0x1BF5;
	[smem:$0x3FA5] =	sst s0  }
0x18: {  	s0 =	sld [smem:$0x3F88];
	_ =	swait.ge [sflag:s4], $0x0  }
0x19: {  	s7 =	sld [smem:$0x3F89]  }
0x1a: {  	s8 =	sadd.s32 $0xFFFFE003, lr  }
0x1b: {  	s9 =	sadd.s32 $0xFFFFFEF7, lr;
	s5 =	simm.s32 $0xFFFFFFFF;
	p2 =	slt.u32 s8, $0xFFFFF086  }
0x1c: {  	p1 =	slt.u32 s9, $0xF7A;
	s5 =	simm.s32 @!p2 $0x0  }
0x1d: {  	s5 =	simm.s32 @p1 $0x1;
	p0 =	seq.s32 s7, s2  }
0x1e: {  	s7 =	smul.u32 @!p0 $0xF7A, s2;
	p2 =	seq.s32 @!p0 s5, $0x0  }
0x1f: {  	s9 =	smul.u32 $0xF7A, s1;
	s8 =	simm.s32 @!p0 $0x1BF5;
	p2 =	por !p2, p0  }
0x20: {  	[sflag:s8] =	ssyncset.s32 @!p0 $0xFFFFF086;
	s6 =	sadd.s32 @!p0 s3, s7;
	s7 =	simm.s32 @!p0 $0x108  }
0x21: {  	s3 =	sadd.s32 s3, s9;
	s6 =	sadd.s32 @!p0 $0x88, s6;
	s7 =	simm.s32 @p2 $0x1082  }
0x22: {  	[simem:s7], [sflag:s8] =	dma.local @!p0 [hbm:s6], $0xF7A  }
0x23: {  	s9 =	sor.u32 $0xD0000000, s2;
	s6 =	simm.s32 $0x108;
	_ =	swait.ge @!p0 [sflag:s8], $0x0  }
0x24: {  	s3 =	sadd.s32 $0x88, s3;
	s6 =	simm.s32 @!p1 $0x1082;
	[sflag:s4] =	ssyncset.s32 $0xFFFFF086  }
0x25: {  	[simem:s6], [sflag:s4] =	dma.local [hbm:s3], $0xF7A  }
0x26: {  	[smem:$0x3F89] =	sst s1;
	(tag) =	ssettag s2;
	_ =	strace s9  }
0x27: {  	s1 =	sld [smem:$0x3F99]  }
0x28: {  	s2 =	sld [smem:$0x3F9A]  }
0x29: {  	s4 =	sld [smem:$0x3F9C]  }
0x2a: {  	p0 =	seq.s32 s5, $0x0;
	s5 =	sld [smem:$0x3F9D]  }
0x2b: {  	s6 =	sld [smem:$0x3F9E]  }
0x2c: {  	s7 =	sld [smem:$0x3F9F]  }
0x2d: {  	s3 =	simm.s32 $0x108;
	s8 =	sld [smem:$0x3FA0]  }
0x2e: {  	s3 =	simm.s32 @!p0 $0x1082;
	s9 =	sld [smem:$0x3FA1]  }
0x2f: {  	lr =	sadd.s32 s0, s3;
	s0 =	sld [smem:$0x3F98]  }
0x30: {  	s3 =	sld [smem:$0x3F9B]  }
0x31: {  	[smem:$0x3FA4] =	sst s10  }
0x32: {  	s10 =	sld [smem:$0x3FA2];
	_ =	sdelay $0x3  }
0x33: {  	p0 =	seq.s32 s10, $0x1;
	s10 =	sld [smem:$0x3FA4];
	_ =	sdelay $0x3  }
0x34: {  	[smem:$0x3FA4] =	sst s10  }
0x35: {  	s10 =	sld [smem:$0x3FA3];
	_ =	sdelay $0x3  }
0x36: {  	p1 =	seq.s32 s10, $0x1;
	s10 =	sld [smem:$0x3FA4];
	_ =	sdelay $0x3  }
0x37: {  	[smem:$0x3FA4] =	sst s10  }
0x38: {  	s10 =	sld [smem:$0x3FA5]  }
0x39: {  	_ = 	snop;
	(pc) =	sbr.ind lr, $3  }
0x3a: {  	_ = 	snop  }
0x3b: {  	_ = 	snop  }
0x3c: {  	p2 =	seq.s32 s10, $0x1;
	s10 =	sld [smem:$0x3FA4]  }
0x3d: {  	_ =	shalt  }
0x3e: {  	_ =	shalt  }
0x3f: {  	_ =	shalt  }
0x40: {  	_ =	shalt  }
0x41: {  	_ =	shalt  }
0x42: {  	_ =	shalt  }
0x43: {  	_ =	shalt  }
0x44: {  	_ =	shalt  }
0x45: {  	_ =	shalt  }
0x46: {  	_ =	shalt  }
0x47: {  	_ =	shalt  }
0x48: {  	_ =	shalt  }
0x49: {  	_ =	shalt  }
0x4a: {  	_ =	shalt  }
0x4b: {  	_ =	shalt  }
0x4c: {  	_ =	shalt  }
0x4d: {  	_ =	shalt  }
0x4e: {  	_ =	shalt  }
0x4f: {  	_ =	shalt  }
0x50: {  	_ =	shalt  }
0x51: {  	_ =	shalt  }
0x52: {  	_ =	shalt  }
0x53: {  	_ =	shalt  }
0x54: {  	_ =	shalt  }
0x55: {  	_ =	shalt  }
0x56: {  	_ =	shalt  }
0x57: {  	_ =	shalt  }
0x58: {  	_ =	shalt  }
0x59: {  	_ =	shalt  }
0x5a: {  	_ =	shalt  }
0x5b: {  	_ =	shalt  }
0x5c: {  	_ =	shalt  }
0x5d: {  	_ =	shalt  }
0x5e: {  	_ =	shalt  }
0x5f: {  	_ =	shalt  }
0x60: {  	_ =	shalt  }
0x61: {  	_ =	shalt  }
0x62: {  	_ =	shalt  }
0x63: {  	_ =	shalt  }
0x64: {  	_ =	shalt  }
0x65: {  	_ =	shalt  }
0x66: {  	_ =	shalt  }
0x67: {  	_ =	shalt  }
0x68: {  	_ =	shalt  }
0x69: {  	_ =	shalt  }
0x6a: {  	_ =	shalt  }
0x6b: {  	_ =	shalt  }
0x6c: {  	_ =	shalt  }
0x6d: {  	_ =	shalt  }
0x6e: {  	_ =	shalt  }
0x6f: {  	_ =	shalt  }
0x70: {  	_ =	shalt  }
0x71: {  	_ =	shalt  }
0x72: {  	_ =	shalt  }
0x73: {  	_ =	shalt  }
0x74: {  	_ =	shalt  }
0x75: {  	_ =	shalt  }
0x76: {  	_ =	shalt  }
0x77: {  	_ =	shalt  }
0x78: {  	_ =	shalt  }
0x79: {  	_ =	shalt  }
0x7a: {  	_ =	shalt  }
0x7b: {  	_ =	shalt  }
0x7c: {  	_ =	shalt  }
0x7d: {  	_ =	shalt  }
0x7e: {  	_ =	shalt  }
0x7f: {  	_ =	shalt  }
0x80: {  	_ =	shalt  }
0x81: {  	_ =	shalt  }
0x82: {  	_ =	shalt  }
0x83: {  	_ =	shalt  }
0x84: {  	_ =	shalt  }
0x85: {  	_ =	shalt  }
0x86: {  	_ =	shalt  }
0x87: {  	_ =	shalt  }
.Lfunc_end0:
.L_simem_size_0:
called_computation.2_lowered:
.L_overlay_start_0:
0x88: {  	s2 =	sld [smem:$0x3FD9]  }
0x89: {  	s3 =	sld [smem:$0x3FFE];
	_ =	sdelay $0x1  }
0x8a: {  	s1 =	srdreg.scid  }
0x8b: {  	s0 =	sand.u32 $0x1, s1  }
0x8c: {  	s16 =	sshll.u32 s0, $0xA;
	s2 =	sadd.s32 s3, s2  }
0x8d: {  	s2 =	sadd.s32 s2, s16  }
0x8e: {  	[smem:$0x3FB0] =	sst s2  }
0x8f: {  	_ = 	snop  }
0x90: {  	(tm) =	ssettm $0x1  }
0x91: {  	s17 =	sld [smem:$0x3FFB];
	_ =	sdelay $0x3  }
0x92: {  	_ =	strace s17  }
0x93: {  	s2 =	sld [smem:$0x3FFC];
	_ =	sdelay $0x3  }
0x94: {  	_ =	strace s2  }
0x95: {  	s2 =	sld [smem:$0x3FFD];
	_ =	sdelay $0x3  }
0x96: {  	_ =	strace s2  }
0x97: {  	_ =	strace $0x8FFFFFFF  }
0x98: {  	s18 =	sld [smem:$0x3FDB];
	_ =	sdelay $0x1  }
0x99: {  	s19 =	simm.s32 $_scs_section_size  }
0x9a: {  	s4 =	simm.s32 $_size__tile_overlayer_lowered;
	s5 =	simm.s32 $_tile_overlayer_lowered  }
0x9b: {  	s22 =	simm.s32 $0x1BFF;
	s21 =	sshll.u32 s5, $0x1;
	s2 =	sadd.s32 s19, s18  }
0x9c: {  	s6 =	simm.s32 $0x0;
	s20 =	sshll.u32 s4, $0x1;
	s4 =	sadd.s32 s21, s2  }
0x9d: {  	[timem:s6], [sflag:s22] =	dma.local [hbm:s4], s20  }
0x9e: {  	_ =	swait.ge [sflag:s22], s20  }
0x9f: {  	s3 =	ssub.s32 $0x0, s20;
	[sflag:s22] =	ssyncset.done $0x0  }
0xa0: {  	[sflag:s22] =	ssyncadd.s32 s3;
	_ =	sdelay $0x1  }
0xa1: {  	s23 =	simm.s32 $0x1B8B  }
0xa2: {  	_ =	swait.ge [sflag:s23], $0x1  }
0xa3: {  	[sflag:s23] =	ssyncset.done $0x0  }
0xa4: {  	s25 =	simm.s32 $0x1B8E;
	s24 =	sld [smem:$0x3FFE];
	[sflag:s23] =	ssyncadd.s32 $0xFFFFFFFF  }
0xa5: {  	s26 =	simm.s32 $execute0_lowered;
	[smem:$0x3FD2] =	sst s25  }
0xa6: {  	s4 =	sshll.u32 s26, $0x1;
	_ =	strace $0x8000004C;
	[dreg:$0x1] =	wrdreg $0xFFFFFFFF  }
0xa7: {  	s28 =	simm.s32 $_size_execute0_lowered;
	s2 =	sadd.s32 s2, s4;
	[dreg:$0x0] =	wrdreg $0x0  }
0xa8: {  	s4 =	sshll.u32 s28, $0x1;
	[dreg:$0x2] =	wrdreg s2  }
0xa9: {  	[dreg:$0x3] =	wrdreg s4  }
0xaa: {  	[dreg:$0x4] =	wrdreg $0xC0  }
0xab: {  	_ =	task [dreg:s6], $0x5FFFF  }
0xac: {  	[dreg:$0x1] =	wrdreg $0xFFFFFFFF  }
0xad: {  	[dreg:$0x0] =	wrdreg $0x60  }
0xae: {  	[dreg:$0x2] =	wrdreg s24  }
0xaf: {  	[dreg:$0x3] =	wrdreg $0x0  }
0xb0: {  	[dreg:$0x4] =	wrdreg $0x9  }
0xb1: {  	_ =	task.clear_ibuf [dreg:s6], $0x5FFFF;
	_ =	strace $0x9000004C  }
0xb2: {  	s29 =	simm.s32 $0x9;
	_ =	strace $0x8000004E  }
0xb3: {  	_ =	swait.ge [sflag:s29], $0x1  }
0xb4: {  	[sflag:s29] =	ssyncadd.s32 $0xFFFFFFFF  }
0xb5: {  	_ =	strace $0x9000004E  }
0xb6: {  	_ =	sfence  }
0xb7: {  	s30 =	sld [smem:$0x0];
	_ =	sdelay $0x2  }
0xb8: {  	s31 =	sshll.u32 s1, $0xD;
	s1 =	sshrl.u32 s1, $0x2  }
0xb9: {  	s3 =	sand.u32 $0x4000, s31;
	s1 =	sadd.s32 s1, s30  }
0xba: {  	s0 =	sor.u32 s3, s0;
	s1 =	sshll.u32 s1, $0x11  }
0xbb: {  	s0 =	sor.u32 s1, s0  }
0xbc: {  	s0 =	sadd.s32 $0x8F2B, s0  }
0xbd: {  	[sflag:s0] =	ssyncadd.remote.s32 $0x1  }
0xbe: {  	_ =	sfence.sel $0xFFFF  }
0xbf: {  	[dreg:$0x0] =	wrdreg $0xFFFFFFFF;
	(pc) =	sbr.abs _section_cstart, $3  }
0xc0: {  	[dreg:$0x1] =	wrdreg $0xFFFFFFFF  }
0xc1: {  	_ =	task.clear_ibuf [dreg:s6], $0x2FFFF;
	_ =	strace $0x9FFFFFFF  }
0xc2: {  	(tm) =	ssettm $0x7FFFFFFF  }
0xc3: {  	_ =	shalt  }
tec
execute0_lowered:
.L_overlay_start_1:
0x0: {  	(tag) =	ssettag $0x1  }
0x1: {  	s4 =	rddreg [dreg:$0x0]  }
0x2: {  	s1 =	rddreg [dreg:$0x1]  }
0x3: {  	s0 =	rddreg [dreg:$0x2];
	s3 =	simm.s32 $0x0;
	s5 =	srdreg.scid  }
0x4: {  	s2 =	stileid.u32;
	s14 =	simm.s32 $0x1;
	s15 =	simm.s32 $0x80  }
0x5: {  	s16 =	simm.s32 $0x4800;
	s17 =	simm.s32 $0x5000;
	s18 =	simm.s32 $0x5800  }
0x6: {  	s19 =	simm.s32 $0x6000;
	s20 =	simm.s32 $0x6800;
	s21 =	simm.s32 $0x7000  }
0x7: {  	s22 =	simm.s32 $0x7800;
	s23 =	simm.s32 $0x0;
	[smem:$0x7FF] =	sst s3  }
0x8: {  	s7 =	sand.u32 $0x1, s5;
	s26 =	sshll.u32 s2, $0xB;
	s8 =	sshll.u32 s2, $0xF  }
0x9: {  	s29 =	sshll.u32 s2, $0xE;
	s30 =	sshll.u32 s2, $0x6;
	_ =	strace $0x8000004D  }
0xa: {  	s6 =	sshll.u32 s7, $0xA;
	s9 =	ssub.s32 $0x2, s7;
	s10 =	sadd.s32 s8, s4  }
0xb: {  	s11 =	sadd.s32 s26, s4;
	s12 =	sadd.s32 s29, s1;
	s5 =	sor.u32 $0x1C02, s30  }
0xc: {  	p0 =	seq.s32 s7, $0x1;
	s13 =	sshll.u32 s7, $0xE;
	s6 =	sor.u32 s6, s26  }
0xd: {  	s28 =	sshrl.u32 s9, $0x1;
	s31 =	sadd.s32 s13, s10;
	s10 =	sshrl.u32 s12, $0x3  }
0xe: {  	s12 =	simm.s32 $0x8000;
	s13 =	simm.s32 $0x4000;
	s6 =	sadd.s32 s6, s4  }
0xf: {  	s8 =	ssub.s32 s9, s28;
	s4 =	sadd.s32 $0x5C00, s11;
	s9 =	simm.s32 $0x15C00  }
0x10: {  	s6 =	sadd.s32 $0x31C00, s6;
	s9 =	simm.s32 @!p0 $0xDC00;
	s7 =	smax.u32 s8, $0x1  }
0x11: {  	s8 =	sadd.s32 s9, s11;
	s9 =	sadd.s32 $0x39C00, s31;
	s11 =	simm.s32 $0x2  }
.LBB2_1:
0x12: {  	[spmem:s10], [sflag:s5] =	dma.local [hbm:s4], $0x800  }
0x13: {  	_ =	swait.ge [sflag:s11], $0x800  }
0x14: {  	[sflag:s11] =	ssyncset.done $0x0  }
0x15: {  	[sflag:s11] =	ssyncadd.s32 $0xFFFFF800  }
0x16: {  	[bflag:$0x0] =	sbarrier.arrive $0xFFFF  }
0x17: {  	[tilespmem:s12], [sflag:$0x2] =	stream.linear.gather [hbm4b:s6+s3], $0x2000, $0x38;
	[tilespmem:$0xA000] =	vst v63  }
0x18: {  	_ =	swait.ge [sflag:s11], $0x2000  }
0x19: {  	[sflag:s11] =	ssyncset.done $0x0  }
0x1a: {  	[sflag:s11] =	ssyncadd.s32 $0xFFFFE000  }
0x1b: {  	[tilespmem:s13], [sflag:$0x1] =	stream.linear.gather [hbm4b:s9+s3], $0x4000, $0x38;
	[tilespmem:$0xA000] =	vst v63  }
0x1c: {  	_ =	swait.ge [sflag:s14], $0x4000  }
0x1d: {  	[sflag:s14] =	ssyncset.done $0x0  }
0x1e: {  	s24 =	simm.s32 $0x8000;
	[sflag:s14] =	ssyncadd.s32 $0xFFFFC000  }
0x1f: {  	[spmem:s1] =	stream.indirect.scatter.add.f32 [tilespmem:s13], [sflag:$0x1], $0x10, s24, s15, $0xb8;
	[tilespmem:$0xA000] =	vst v63  }
0x20: {  	s31 =	simm.s32 $0x8080  }
0x21: {  	[spmem:s1] =	stream.indirect.scatter.add.f32 [tilespmem:s16], [sflag:$0x1], $0x10, s31, s15, $0xb8;
	[tilespmem:$0xA000] =	vst v63  }
0x22: {  	s25 =	simm.s32 $0x8100  }
0x23: {  	[spmem:s1] =	stream.indirect.scatter.add.f32 [tilespmem:s17], [sflag:$0x1], $0x10, s25, s15, $0xb8;
	[tilespmem:$0xA000] =	vst v63  }
0x24: {  	s26 =	simm.s32 $0x8180  }
0x25: {  	[spmem:s1] =	stream.indirect.scatter.add.f32 [tilespmem:s18], [sflag:$0x1], $0x10, s26, s15, $0xb8;
	[tilespmem:$0xA000] =	vst v63  }
0x26: {  	s28 =	simm.s32 $0x8200  }
0x27: {  	[spmem:s1] =	stream.indirect.scatter.add.f32 [tilespmem:s19], [sflag:$0x1], $0x10, s28, s15, $0xb8;
	[tilespmem:$0xA000] =	vst v63  }
0x28: {  	s29 =	simm.s32 $0x8280  }
0x29: {  	[spmem:s1] =	stream.indirect.scatter.add.f32 [tilespmem:s20], [sflag:$0x1], $0x10, s29, s15, $0xb8;
	[tilespmem:$0xA000] =	vst v63  }
0x2a: {  	s30 =	simm.s32 $0x8300  }
0x2b: {  	[spmem:s1] =	stream.indirect.scatter.add.f32 [tilespmem:s21], [sflag:$0x1], $0x10, s30, s15, $0xb8;
	[tilespmem:$0xA000] =	vst v63  }
0x2c: {  	s31 =	simm.s32 $0x8380  }
0x2d: {  	[spmem:s1] =	stream.indirect.scatter.add.f32 [tilespmem:s22], [sflag:$0x1], $0x10, s31, s15, $0xb8;
	[tilespmem:$0xA000] =	vst v63  }
0x2e: {  	_ =	swait.ge [sflag:s14], $0x800  }
0x2f: {  	[sflag:s14] =	ssyncset.done $0x0  }
0x30: {  	[sflag:s14] =	ssyncadd.s32 $0xFFFFF800  }
0x31: {  	_ =	swait.ge [sflag:s14], $0x800  }
0x32: {  	[sflag:s14] =	ssyncset.done $0x0  }
0x33: {  	[sflag:s14] =	ssyncadd.s32 $0xFFFFF800  }
0x34: {  	_ =	swait.ge [sflag:s14], $0x800  }
0x35: {  	[sflag:s14] =	ssyncset.done $0x0  }
0x36: {  	[sflag:s14] =	ssyncadd.s32 $0xFFFFF800  }
0x37: {  	_ =	swait.ge [sflag:s14], $0x800  }
0x38: {  	[sflag:s14] =	ssyncset.done $0x0  }
0x39: {  	[sflag:s14] =	ssyncadd.s32 $0xFFFFF800  }
0x3a: {  	_ =	swait.ge [sflag:s14], $0x800  }
0x3b: {  	[sflag:s14] =	ssyncset.done $0x0  }
0x3c: {  	[sflag:s14] =	ssyncadd.s32 $0xFFFFF800  }
0x3d: {  	_ =	swait.ge [sflag:s14], $0x800  }
0x3e: {  	[sflag:s14] =	ssyncset.done $0x0  }
0x3f: {  	[sflag:s14] =	ssyncadd.s32 $0xFFFFF800  }
0x40: {  	_ =	swait.ge [sflag:s14], $0x800  }
0x41: {  	[sflag:s14] =	ssyncset.done $0x0  }
0x42: {  	[sflag:s14] =	ssyncadd.s32 $0xFFFFF800  }
0x43: {  	_ =	swait.ge [sflag:s14], $0x800  }
0x44: {  	s24 =	simm.s32 $0x1000;
	s25 =	smov.u32 s9;
	[sflag:s14] =	ssyncset.done $0x0  }
.LBB2_2:
0x45: {  	p0 =	sne.s32 s24, $0x7000;
	[sflag:s14] =	ssyncadd.s32 $0xFFFFF800;
	s25 =	sadd.s32 $0x800, s25  }
0x46: {  	[tilespmem:s13], [sflag:$0x1] =	stream.linear.gather [hbm4b:s25+s3], $0x4000, $0x38;
	[tilespmem:$0xA000] =	vst v63  }
0x47: {  	s26 =	smov.u32 s24;
	s24 =	sadd.s32 $0x1000, s24;
	_ =	swait.ge [sflag:s14], $0x4000  }
0x48: {  	s26 =	sshra.s32 s26, $0x2;
	[sflag:s14] =	ssyncset.done $0x0  }
0x49: {  	s28 =	sadd.s32 $0x8000, s26;
	[sflag:s14] =	ssyncadd.s32 $0xFFFFC000  }
0x4a: {  	[spmem:s1] =	stream.indirect.scatter.add.f32 [tilespmem:s13], [sflag:$0x1], $0x10, s28, s15, $0xb8;
	[tilespmem:$0xA000] =	vst v63  }
0x4b: {  	s28 =	sadd.s32 $0x8080, s26  }
0x4c: {  	[spmem:s1] =	stream.indirect.scatter.add.f32 [tilespmem:s16], [sflag:$0x1], $0x10, s28, s15, $0xb8;
	[tilespmem:$0xA000] =	vst v63  }
0x4d: {  	s28 =	sadd.s32 $0x8100, s26  }
0x4e: {  	[spmem:s1] =	stream.indirect.scatter.add.f32 [tilespmem:s17], [sflag:$0x1], $0x10, s28, s15, $0xb8;
	[tilespmem:$0xA000] =	vst v63  }
0x4f: {  	s28 =	sadd.s32 $0x8180, s26  }
0x50: {  	[spmem:s1] =	stream.indirect.scatter.add.f32 [tilespmem:s18], [sflag:$0x1], $0x10, s28, s15, $0xb8;
	[tilespmem:$0xA000] =	vst v63  }
0x51: {  	s28 =	sadd.s32 $0x8200, s26  }
0x52: {  	[spmem:s1] =	stream.indirect.scatter.add.f32 [tilespmem:s19], [sflag:$0x1], $0x10, s28, s15, $0xb8;
	[tilespmem:$0xA000] =	vst v63  }
0x53: {  	s28 =	sadd.s32 $0x8280, s26  }
0x54: {  	[spmem:s1] =	stream.indirect.scatter.add.f32 [tilespmem:s20], [sflag:$0x1], $0x10, s28, s15, $0xb8;
	[tilespmem:$0xA000] =	vst v63  }
0x55: {  	s28 =	sadd.s32 $0x8300, s26  }
0x56: {  	[spmem:s1] =	stream.indirect.scatter.add.f32 [tilespmem:s21], [sflag:$0x1], $0x10, s28, s15, $0xb8;
	[tilespmem:$0xA000] =	vst v63  }
0x57: {  	s26 =	sadd.s32 $0x8380, s26  }
0x58: {  	[spmem:s1] =	stream.indirect.scatter.add.f32 [tilespmem:s22], [sflag:$0x1], $0x10, s26, s15, $0xb8;
	[tilespmem:$0xA000] =	vst v63  }
0x59: {  	_ =	swait.ge [sflag:s14], $0x800  }
0x5a: {  	[sflag:s14] =	ssyncset.done $0x0  }
0x5b: {  	[sflag:s14] =	ssyncadd.s32 $0xFFFFF800  }
0x5c: {  	_ =	swait.ge [sflag:s14], $0x800  }
0x5d: {  	[sflag:s14] =	ssyncset.done $0x0  }
0x5e: {  	[sflag:s14] =	ssyncadd.s32 $0xFFFFF800  }
0x5f: {  	_ =	swait.ge [sflag:s14], $0x800  }
0x60: {  	[sflag:s14] =	ssyncset.done $0x0  }
0x61: {  	[sflag:s14] =	ssyncadd.s32 $0xFFFFF800  }
0x62: {  	_ =	swait.ge [sflag:s14], $0x800  }
0x63: {  	[sflag:s14] =	ssyncset.done $0x0  }
0x64: {  	[sflag:s14] =	ssyncadd.s32 $0xFFFFF800  }
0x65: {  	_ =	swait.ge [sflag:s14], $0x800  }
0x66: {  	[sflag:s14] =	ssyncset.done $0x0  }
0x67: {  	[sflag:s14] =	ssyncadd.s32 $0xFFFFF800  }
0x68: {  	_ =	swait.ge [sflag:s14], $0x800  }
0x69: {  	[sflag:s14] =	ssyncset.done $0x0  }
0x6a: {  	[sflag:s14] =	ssyncadd.s32 $0xFFFFF800  }
.Ltmp0:
0x6b: {  	_ =	swait.ge [sflag:s14], $0x800;
	(pc) =	sbr.rel @p0 .LBB2_2-.Ltmp0, $4  }
0x6c: {  	[sflag:s14] =	ssyncset.done $0x0  }
0x6d: {  	[sflag:s14] =	ssyncadd.s32 $0xFFFFF800  }
0x6e: {  	_ =	swait.ge [sflag:s14], $0x800  }
0x6f: {  	[sflag:s14] =	ssyncset.done $0x0  }
0x70: {  	s23 =	sadd.s32 $0x1, s23  }
0x71: {  	[sflag:s14] =	ssyncadd.s32 $0xFFFFF800;
	p0 =	sne.s32 s23, s7  }
.Ltmp1:
0x72: {  	[bflag:$0x0] =	sbarrier.arrive $0xFFFF;
	(pc) =	sbr.rel @p0 .LBB2_1-.Ltmp1, $4  }
0x73: {  	[hbm:s8], [sflag:s5] =	dma.local [spmem:s10], $0x800  }
0x74: {  	_ =	swait.ge [sflag:s11], $0x800  }
0x75: {  	[sflag:s11] =	ssyncset.done $0x0  }
0x76: {  	[sflag:s11] =	ssyncadd.s32 $0xFFFFF800  }
0x77: {  	_ =	sfence.sel $0x180000  }
0x78: {  	[bflag:$0x0] =	sbarrier.arrive $0xFFFF  }
0x79: {  	p0 =	sne.s32 s2, $0x0;
	_ =	strace $0x9000004D  }
0x7a: {  	s0 =	sadd.s32 @!p0 $0x100000, s0;
	[bflag:$0x2] =	sbarrier.arrive $0xFFFF  }
0x7b: {  	[sflag:s0] =	ssyncadd.tile.s32 @!p0 $0x1;
	_ =	shalt  }
.Lfunc_end2:
_tile_overlayer_lowered:
.L_overlay_start_2:
0x7c: {  	(tag) =	ssettag $0x2  }
0x7d: {  	s0 =	rddreg [dreg:$0x0];
	s2 =	stileid.u32  }
0x7e: {  	s1 =	rddreg [dreg:$0x1];
	p0 =	sne.s32 s2, $0x0  }
0x7f: {  	s3 =	rddreg [dreg:$0x2];
	[bflag:$0x3] =	sbarrier.arrive $0xFFFF;
	s2 =	simm.s32 @!p0 $0x1C02  }
0x80: {  	[timem:s3], [sflag:s2] =	dma.local @!p0 [hbm:s0], s1  }
0x81: {  	s0 =	simm.s32 @!p0 $0x2  }
0x82: {  	_ =	swait.ge @!p0 [sflag:s0], s1  }
0x83: {  	s1 =	ssub.s32 @!p0 $0x0, s1;
	[sflag:s0] =	ssyncset.done @!p0 $0x0  }
0x84: {  	[sflag:s0] =	ssyncadd.s32 @!p0 s1  }
0x85: {  	[bflag:$0x3] =	sbarrier.arrive $0xFFFF  }
0x86: {  	_ =	shalt  }

// kernel: kernel.9.cloned.1.call-start
scs
__scs_entry_jumppad:
0x0: {  	(pc) =	sbr.rel $0x88, $3  }
0x1: {  	(tag) =	ssettag $0x0;
	lr =	simm.s32 $0x1  }
0x2: {  	[smem:$0x3F89] =	sst lr;
	_ =	strace $0xD0000000  }
0x3: {  	_ = 	snop  }
0x4: {  	_ = 	snop  }
0x5: {  	_ = 	snop  }
0x6: {  	_ = 	snop  }
0x7: {  	_ = 	snop  }
__scs_overlays_trampoline_lowered:
0x8: {  	[smem:$0x3F98] =	sst s0  }
0x9: {  	[smem:$0x3F99] =	sst s1  }
0xa: {  	[smem:$0x3F9A] =	sst s2  }
0xb: {  	[smem:$0x3F9B] =	sst s3  }
0xc: {  	[smem:$0x3F9C] =	sst s4  }
0xd: {  	[smem:$0x3F9D] =	sst s5  }
0xe: {  	[smem:$0x3F9E] =	sst s6  }
0xf: {  	[smem:$0x3F9F] =	sst s7  }
0x10: {  	[smem:$0x3FA0] =	sst s8  }
0x11: {  	[smem:$0x3FA1] =	sst s9;
	s0 =	simm.s32 @!p0 $0x0  }
0x12: {  	s1 =	sld [smem:$0x3F87];
	s0 =	simm.s32 @p0 $0x1  }
0x13: {  	[smem:$0x3FA2] =	sst s0;
	s0 =	simm.s32 @!p1 $0x0  }
0x14: {  	s2 =	sld [smem:$0x3F86];
	s0 =	simm.s32 @p1 $0x1  }
0x15: {  	[smem:$0x3FA3] =	sst s0;
	s0 =	simm.s32 @!p2 $0x0  }
0x16: {  	s3 =	sld [smem:$0x3FDB];
	s0 =	simm.s32 @p2 $0x1  }
0x17: {  	s4 =	simm.s32 $0x1BF5;
	[smem:$0x3FA5] =	sst s0  }
0x18: {  	s0 =	sld [smem:$0x3F88];
	_ =	swait.ge [sflag:s4], $0x0  }
0x19: {  	s7 =	sld [smem:$0x3F89]  }
0x1a: {  	s8 =	sadd.s32 $0xFFFFE003, lr  }
0x1b: {  	s9 =	sadd.s32 $0xFFFFFEF7, lr;
	s5 =	simm.s32 $0xFFFFFFFF;
	p2 =	slt.u32 s8, $0xFFFFF086  }
0x1c: {  	p1 =	slt.u32 s9, $0xF7A;
	s5 =	simm.s32 @!p2 $0x0  }
0x1d: {  	s5 =	simm.s32 @p1 $0x1;
	p0 =	seq.s32 s7, s2  }
0x1e: {  	s7 =	smul.u32 @!p0 $0xF7A, s2;
	p2 =	seq.s32 @!p0 s5, $0x0  }
0x1f: {  	s9 =	smul.u32 $0xF7A, s1;
	s8 =	simm.s32 @!p0 $0x1BF5;
	p2 =	por !p2, p0  }
0x20: {  	[sflag:s8] =	ssyncset.s32 @!p0 $0xFFFFF086;
	s6 =	sadd.s32 @!p0 s3, s7;
	s7 =	simm.s32 @!p0 $0x108  }
0x21: {  	s3 =	sadd.s32 s3, s9;
	s6 =	sadd.s32 @!p0 $0x88, s6;
	s7 =	simm.s32 @p2 $0x1082  }
0x22: {  	[simem:s7], [sflag:s8] =	dma.local @!p0 [hbm:s6], $0xF7A  }
0x23: {  	s9 =	sor.u32 $0xD0000000, s2;
	s6 =	simm.s32 $0x108;
	_ =	swait.ge @!p0 [sflag:s8], $0x0  }
0x24: {  	s3 =	sadd.s32 $0x88, s3;
	s6 =	simm.s32 @!p1 $0x1082;
	[sflag:s4] =	ssyncset.s32 $0xFFFFF086  }
0x25: {  	[simem:s6], [sflag:s4] =	dma.local [hbm:s3], $0xF7A  }
0x26: {  	[smem:$0x3F89] =	sst s1;
	(tag) =	ssettag s2;
	_ =	strace s9  }
0x27: {  	s1 =	sld [smem:$0x3F99]  }
0x28: {  	s2 =	sld [smem:$0x3F9A]  }
0x29: {  	s4 =	sld [smem:$0x3F9C]  }
0x2a: {  	p0 =	seq.s32 s5, $0x0;
	s5 =	sld [smem:$0x3F9D]  }
0x2b: {  	s6 =	sld [smem:$0x3F9E]  }
0x2c: {  	s7 =	sld [smem:$0x3F9F]  }
0x2d: {  	s3 =	simm.s32 $0x108;
	s8 =	sld [smem:$0x3FA0]  }
0x2e: {  	s3 =	simm.s32 @!p0 $0x1082;
	s9 =	sld [smem:$0x3FA1]  }
0x2f: {  	lr =	sadd.s32 s0, s3;
	s0 =	sld [smem:$0x3F98]  }
0x30: {  	s3 =	sld [smem:$0x3F9B]  }
0x31: {  	[smem:$0x3FA4] =	sst s10  }
0x32: {  	s10 =	sld [smem:$0x3FA2];
	_ =	sdelay $0x3  }
0x33: {  	p0 =	seq.s32 s10, $0x1;
	s10 =	sld [smem:$0x3FA4];
	_ =	sdelay $0x3  }
0x34: {  	[smem:$0x3FA4] =	sst s10  }
0x35: {  	s10 =	sld [smem:$0x3FA3];
	_ =	sdelay $0x3  }
0x36: {  	p1 =	seq.s32 s10, $0x1;
	s10 =	sld [smem:$0x3FA4];
	_ =	sdelay $0x3  }
0x37: {  	[smem:$0x3FA4] =	sst s10  }
0x38: {  	s10 =	sld [smem:$0x3FA5]  }
0x39: {  	_ = 	snop;
	(pc) =	sbr.ind lr, $3  }
0x3a: {  	_ = 	snop  }
0x3b: {  	_ = 	snop  }
0x3c: {  	p2 =	seq.s32 s10, $0x1;
	s10 =	sld [smem:$0x3FA4]  }
0x3d: {  	_ =	shalt  }
0x3e: {  	_ =	shalt  }
0x3f: {  	_ =	shalt  }
0x40: {  	_ =	shalt  }
0x41: {  	_ =	shalt  }
0x42: {  	_ =	shalt  }
0x43: {  	_ =	shalt  }
0x44: {  	_ =	shalt  }
0x45: {  	_ =	shalt  }
0x46: {  	_ =	shalt  }
0x47: {  	_ =	shalt  }
0x48: {  	_ =	shalt  }
0x49: {  	_ =	shalt  }
0x4a: {  	_ =	shalt  }
0x4b: {  	_ =	shalt  }
0x4c: {  	_ =	shalt  }
0x4d: {  	_ =	shalt  }
0x4e: {  	_ =	shalt  }
0x4f: {  	_ =	shalt  }
0x50: {  	_ =	shalt  }
0x51: {  	_ =	shalt  }
0x52: {  	_ =	shalt  }
0x53: {  	_ =	shalt  }
0x54: {  	_ =	shalt  }
0x55: {  	_ =	shalt  }
0x56: {  	_ =	shalt  }
0x57: {  	_ =	shalt  }
0x58: {  	_ =	shalt  }
0x59: {  	_ =	shalt  }
0x5a: {  	_ =	shalt  }
0x5b: {  	_ =	shalt  }
0x5c: {  	_ =	shalt  }
0x5d: {  	_ =	shalt  }
0x5e: {  	_ =	shalt  }
0x5f: {  	_ =	shalt  }
0x60: {  	_ =	shalt  }
0x61: {  	_ =	shalt  }
0x62: {  	_ =	shalt  }
0x63: {  	_ =	shalt  }
0x64: {  	_ =	shalt  }
0x65: {  	_ =	shalt  }
0x66: {  	_ =	shalt  }
0x67: {  	_ =	shalt  }
0x68: {  	_ =	shalt  }
0x69: {  	_ =	shalt  }
0x6a: {  	_ =	shalt  }
0x6b: {  	_ =	shalt  }
0x6c: {  	_ =	shalt  }
0x6d: {  	_ =	shalt  }
0x6e: {  	_ =	shalt  }
0x6f: {  	_ =	shalt  }
0x70: {  	_ =	shalt  }
0x71: {  	_ =	shalt  }
0x72: {  	_ =	shalt  }
0x73: {  	_ =	shalt  }
0x74: {  	_ =	shalt  }
0x75: {  	_ =	shalt  }
0x76: {  	_ =	shalt  }
0x77: {  	_ =	shalt  }
0x78: {  	_ =	shalt  }
0x79: {  	_ =	shalt  }
0x7a: {  	_ =	shalt  }
0x7b: {  	_ =	shalt  }
0x7c: {  	_ =	shalt  }
0x7d: {  	_ =	shalt  }
0x7e: {  	_ =	shalt  }
0x7f: {  	_ =	shalt  }
0x80: {  	_ =	shalt  }
0x81: {  	_ =	shalt  }
0x82: {  	_ =	shalt  }
0x83: {  	_ =	shalt  }
0x84: {  	_ =	shalt  }
0x85: {  	_ =	shalt  }
0x86: {  	_ =	shalt  }
0x87: {  	_ =	shalt  }
.Lfunc_end0:
.L_simem_size_0:
called_computation_lowered:
.L_overlay_start_0:
0x88: {  	s2 =	sld [smem:$0x3FD9]  }
0x89: {  	s3 =	sld [smem:$0x3FFE];
	_ =	sdelay $0x1  }
0x8a: {  	s1 =	srdreg.scid  }
0x8b: {  	s0 =	sand.u32 $0x1, s1  }
0x8c: {  	s17 =	sshll.u32 s0, $0xA;
	s2 =	sadd.s32 s3, s2  }
0x8d: {  	s2 =	sadd.s32 s2, s17  }
0x8e: {  	[smem:$0x3FB0] =	sst s2  }
0x8f: {  	_ = 	snop  }
0x90: {  	s2 =	sld [smem:$0x3FC9];
	(tm) =	ssettm $0x1  }
0x91: {  	s18 =	sld [smem:$0x3FFB];
	_ =	sdelay $0x3  }
0x92: {  	_ =	strace s18  }
0x93: {  	s3 =	sld [smem:$0x3FFC];
	_ =	sdelay $0x3  }
0x94: {  	_ =	strace s3  }
0x95: {  	s3 =	sld [smem:$0x3FFD];
	_ =	sdelay $0x3  }
0x96: {  	_ =	strace s3  }
0x97: {  	_ =	strace $0x8FFFFFFF  }
0x98: {  	s19 =	sld [smem:$0x3FDB];
	_ =	sdelay $0x1  }
0x99: {  	s4 =	simm.s32 $_scs_section_size  }
0x9a: {  	s5 =	simm.s32 $_size__tile_overlayer_lowered;
	s6 =	simm.s32 $_tile_overlayer_lowered  }
0x9b: {  	s22 =	simm.s32 $0x1BFF;
	s21 =	sshll.u32 s6, $0x1;
	s3 =	sadd.s32 s4, s19  }
0x9c: {  	s7 =	simm.s32 $0x0;
	s20 =	sshll.u32 s5, $0x1;
	s5 =	sadd.s32 s21, s3  }
0x9d: {  	[timem:s7], [sflag:s22] =	dma.local [hbm:s5], s20  }
0x9e: {  	_ =	swait.ge [sflag:s22], s20  }
0x9f: {  	s4 =	ssub.s32 $0x0, s20;
	[sflag:s22] =	ssyncset.done $0x0  }
0xa0: {  	[sflag:s22] =	ssyncadd.s32 s4;
	_ =	sdelay $0x1  }
0xa1: {  	s23 =	simm.s32 $0x1B8B  }
0xa2: {  	_ =	swait.ge [sflag:s23], $0x1  }
0xa3: {  	[sflag:s23] =	ssyncset.done $0x0  }
0xa4: {  	s25 =	simm.s32 $0x1B8E;
	s24 =	sld [smem:$0x3FFE];
	[sflag:s23] =	ssyncadd.s32 $0xFFFFFFFF  }
0xa5: {  	s26 =	simm.s32 $execute0_lowered;
	[smem:$0x3FD2] =	sst s25  }
0xa6: {  	s5 =	sshll.u32 s26, $0x1;
	_ =	strace $0x80000046;
	[dreg:$0x1] =	wrdreg $0xFFFFFFFF  }
0xa7: {  	s28 =	simm.s32 $_size_execute0_lowered;
	s3 =	sadd.s32 s3, s5;
	[dreg:$0x0] =	wrdreg $0x0  }
0xa8: {  	s5 =	sshll.u32 s28, $0x1;
	[dreg:$0x2] =	wrdreg s3  }
0xa9: {  	[dreg:$0x3] =	wrdreg s5  }
0xaa: {  	[dreg:$0x4] =	wrdreg $0xC0  }
0xab: {  	_ =	task [dreg:s7], $0x5FFFF  }
0xac: {  	[dreg:$0x1] =	wrdreg $0xFFFFFFFF  }
0xad: {  	[dreg:$0x0] =	wrdreg $0x60  }
0xae: {  	[dreg:$0x2] =	wrdreg s2  }
0xaf: {  	[dreg:$0x3] =	wrdreg s24  }
0xb0: {  	[dreg:$0x4] =	wrdreg $0x9  }
0xb1: {  	_ =	task.clear_ibuf [dreg:s7], $0x5FFFF;
	_ =	strace $0x90000046  }
0xb2: {  	s29 =	simm.s32 $0x9;
	_ =	strace $0x80000048  }
0xb3: {  	_ =	swait.ge [sflag:s29], $0x1  }
0xb4: {  	[sflag:s29] =	ssyncadd.s32 $0xFFFFFFFF  }
0xb5: {  	_ =	strace $0x90000048  }
0xb6: {  	_ =	sfence  }
0xb7: {  	s30 =	sld [smem:$0x0];
	_ =	sdelay $0x2  }
0xb8: {  	s31 =	sshll.u32 s1, $0xD;
	s1 =	sshrl.u32 s1, $0x2  }
0xb9: {  	s3 =	sand.u32 $0x4000, s31;
	s1 =	sadd.s32 s1, s30  }
0xba: {  	s0 =	sor.u32 s3, s0;
	s1 =	sshll.u32 s1, $0x11  }
0xbb: {  	s0 =	sor.u32 s1, s0  }
0xbc: {  	s0 =	sadd.s32 $0x8F2B, s0  }
0xbd: {  	[sflag:s0] =	ssyncadd.remote.s32 $0x1  }
0xbe: {  	_ =	sfence.sel $0xFFFF  }
0xbf: {  	[dreg:$0x0] =	wrdreg $0xFFFFFFFF;
	(pc) =	sbr.abs _section_cstart, $3  }
0xc0: {  	[dreg:$0x1] =	wrdreg $0xFFFFFFFF  }
0xc1: {  	_ =	task.clear_ibuf [dreg:s7], $0x2FFFF;
	_ =	strace $0x9FFFFFFF  }
0xc2: {  	(tm) =	ssettm $0x7FFFFFFF  }
0xc3: {  	_ =	shalt  }
tec
execute0_lowered:
.L_overlay_start_1:
0x0: {  	(tag) =	ssettag $0x1  }
0x1: {  	s2 =	rddreg [dreg:$0x0]  }
0x2: {  	s0 =	rddreg [dreg:$0x1]  }
0x3: {  	s1 =	srdreg.scid;
	s8 =	stileid.u32  }
0x4: {  	s4 =	simm.s32 $0x0;
	s9 =	simm.s32 $0x80;
	s10 =	simm.s32 $0x5000  }
0x5: {  	s11 =	simm.s32 $0x1000;
	s12 =	simm.s32 $0x7000;
	s13 =	simm.s32 $0x1800  }
0x6: {  	s14 =	simm.s32 $0x9000;
	s15 =	simm.s32 $0x2000;
	s16 =	simm.s32 $0xB000  }
0x7: {  	s17 =	simm.s32 $0x2800;
	s18 =	simm.s32 $0xD000;
	s19 =	simm.s32 $0x3000  }
0x8: {  	s20 =	simm.s32 $0xF000;
	s21 =	simm.s32 $0x3800;
	s22 =	simm.s32 $0x11000  }
0x9: {  	s23 =	simm.s32 $0x4000;
	s24 =	simm.s32 $0x13000;
	s25 =	simm.s32 $0x4800  }
0xa: {  	s26 =	simm.s32 $0x1;
	s28 =	simm.s32 $0x15000;
	s1 =	sand.u32 $0x1, s1  }
0xb: {  	s3 =	sshll.u32 s8, $0x1;
	[smem:$0x7FF] =	sst s4;
	s4 =	sadd.s32 $0x1005C00, s0  }
0xc: {  	s29 =	sshll.u32 s8, $0x2;
	s7 =	sshrl.u32 s8, $0x2;
	s30 =	sand.u32 $0x8, s8  }
0xd: {  	v2 =	vlaneseq.u32;
	s8 =	simm.s32 $0x2;
	s3 =	sor.u32 s1, s3;
	s1 =	ssub.s32 $0x2, s1;
	v0 =	vmov s30  }
0xe: {  	v1 =	vand.u32 $0x7, v2;
	s5 =	sshll.u32 s3, $0x9;
	s3 =	sshll.u32 s3, $0xC;
	s6 =	sshrl.u32 s1, $0x1;
	v0 =	vshrl.u32 v0, $0x3  }
0xf: {  	v3 =	vmul.u32 $0x4, v1;
	s5 =	sadd.s32 s5, s0;
	s0 =	sadd.s32 s3, s0;
	s3 =	sand.u32 $0x20, s29;
	v0 =	vshll.u32 v0, $0x3  }
0x10: {  	v2 =	vshrl.u32 v2, $0x3;
	s1 =	ssub.s32 s1, s6;
	s3 =	sor.u32 s7, s3;
	s5 =	sadd.s32 $0x5C00, s5;
	v4 =	vbroadcast v0, $0x0  }
0x11: {  	_ =	strace $0x80000047;
	v5 =	vor.u32 $0x6, v2;
	s31 =	smax.u32 s1, $0x1;
	[dreg:$0x3] =	wrdreg s5;
	v0 =	vor.u32 s3, v3  }
0x12: {  	s6 =	sadd.s32 $0x9C00, s0;
	s1 =	simm.s32 $0x0;
	[dreg:$0x4] =	wrdreg s31;
	v3 =	vor.u32 $0x2, v2;
	v1 =	vor.u32 v1, v4;
	v4 =	vor.u32 $0x4, v2  }
.LBB2_1:
0x13: {  	[dreg:$0x5] =	wrdreg s1  }
0x14: {  	s0 =	simm.s32 $0x0;
	s31 =	rddreg [dreg:$0x3]  }
0x15: {  	[tilespmem:s0], [sflag:$0x2] =	stream.linear.gather [hbm4b:s31+s0], $0x1000, $0x38;
	[tilespmem:$0x17000] =	vst v63  }
0x16: {  	_ =	swait.ge [sflag:s8], $0x1000  }
0x17: {  	[sflag:s8] =	ssyncset.done $0x0  }
0x18: {  	s30 =	simm.s32 $0x0;
	[sflag:s8] =	ssyncadd.s32 $0xFFFFF000  }
.LBB2_2:
0x19: {  	s31 =	sshll.u32 s30, $0xA  }
0x1a: {  	s0 =	sand.u32 $0x3FFFFC00, s31  }
0x1b: {  	[tilespmem:s10], [sflag:$0x1] =	stream.indirect.gather [hbm4b:s4+s9], $0x40, s0, s9, $0xb8;
	[tilespmem:$0x17000] =	vst v63  }
0x1c: {  	_ = 	snop  }
0x1d: {  	[tilespmem:s11], [sflag:$0x1] =	stream.indirect.gather [hbm4b:s2+s9], $0x10, s0, s9, $0xb8;
	[tilespmem:$0x17000] =	vst v63  }
0x1e: {  	s1 =	sor.u32 $0x80, s0  }
0x1f: {  	[tilespmem:s12], [sflag:$0x1] =	stream.indirect.gather [hbm4b:s4+s9], $0x40, s1, s9, $0xb8;
	[tilespmem:$0x17000] =	vst v63  }
0x20: {  	_ = 	snop  }
0x21: {  	[tilespmem:s13], [sflag:$0x1] =	stream.indirect.gather [hbm4b:s2+s9], $0x10, s1, s9, $0xb8;
	[tilespmem:$0x17000] =	vst v63  }
0x22: {  	s5 =	sor.u32 $0x100, s0  }
0x23: {  	[tilespmem:s14], [sflag:$0x1] =	stream.indirect.gather [hbm4b:s4+s9], $0x40, s5, s9, $0xb8;
	[tilespmem:$0x17000] =	vst v63  }
0x24: {  	_ = 	snop  }
0x25: {  	[tilespmem:s15], [sflag:$0x1] =	stream.indirect.gather [hbm4b:s2+s9], $0x10, s5, s9, $0xb8;
	[tilespmem:$0x17000] =	vst v63  }
0x26: {  	s7 =	sor.u32 $0x180, s0  }
0x27: {  	[tilespmem:s16], [sflag:$0x1] =	stream.indirect.gather [hbm4b:s4+s9], $0x40, s7, s9, $0xb8;
	[tilespmem:$0x17000] =	vst v63  }
0x28: {  	_ = 	snop  }
0x29: {  	[tilespmem:s17], [sflag:$0x1] =	stream.indirect.gather [hbm4b:s2+s9], $0x10, s7, s9, $0xb8;
	[tilespmem:$0x17000] =	vst v63  }
0x2a: {  	s3 =	sor.u32 $0x200, s0  }
0x2b: {  	[tilespmem:s18], [sflag:$0x1] =	stream.indirect.gather [hbm4b:s4+s9], $0x40, s3, s9, $0xb8;
	[tilespmem:$0x17000] =	vst v63  }
0x2c: {  	_ = 	snop  }
0x2d: {  	[tilespmem:s19], [sflag:$0x1] =	stream.indirect.gather [hbm4b:s2+s9], $0x10, s3, s9, $0xb8;
	[tilespmem:$0x17000] =	vst v63  }
0x2e: {  	s5 =	sor.u32 $0x280, s0  }
0x2f: {  	[tilespmem:s20], [sflag:$0x1] =	stream.indirect.gather [hbm4b:s4+s9], $0x40, s5, s9, $0xb8;
	[tilespmem:$0x17000] =	vst v63  }
0x30: {  	_ = 	snop  }
0x31: {  	[tilespmem:s21], [sflag:$0x1] =	stream.indirect.gather [hbm4b:s2+s9], $0x10, s5, s9, $0xb8;
	[tilespmem:$0x17000] =	vst v63  }
0x32: {  	s7 =	sor.u32 $0x300, s0  }
0x33: {  	[tilespmem:s22], [sflag:$0x1] =	stream.indirect.gather [hbm4b:s4+s9], $0x40, s7, s9, $0xb8;
	[tilespmem:$0x17000] =	vst v63  }
0x34: {  	_ = 	snop  }
0x35: {  	[tilespmem:s23], [sflag:$0x1] =	stream.indirect.gather [hbm4b:s2+s9], $0x10, s7, s9, $0xb8;
	[tilespmem:$0x17000] =	vst v63  }
0x36: {  	s0 =	sor.u32 $0x380, s0  }
0x37: {  	[tilespmem:s24], [sflag:$0x1] =	stream.indirect.gather [hbm4b:s4+s9], $0x40, s0, s9, $0xb8;
	[tilespmem:$0x17000] =	vst v63  }
0x38: {  	_ = 	snop  }
0x39: {  	[tilespmem:s25], [sflag:$0x1] =	stream.indirect.gather [hbm4b:s2+s9], $0x10, s0, s9, $0xb8;
	[tilespmem:$0x17000] =	vst v63  }
0x3a: {  	_ =	swait.ge [sflag:s26], $0x2000  }
0x3b: {  	[sflag:s26] =	ssyncset.done $0x0  }
0x3c: {  	[sflag:s26] =	ssyncadd.s32 $0xFFFFE000  }
0x3d: {  	_ =	swait.ge [sflag:s26], $0x800  }
0x3e: {  	[sflag:s26] =	ssyncset.done $0x0  }
0x3f: {  	[sflag:s26] =	ssyncadd.s32 $0xFFFFF800  }
0x40: {  	_ =	swait.ge [sflag:s26], $0x2000  }
0x41: {  	[sflag:s26] =	ssyncset.done $0x0  }
0x42: {  	[sflag:s26] =	ssyncadd.s32 $0xFFFFE000  }
0x43: {  	_ =	swait.ge [sflag:s26], $0x800  }
0x44: {  	[sflag:s26] =	ssyncset.done $0x0  }
0x45: {  	[sflag:s26] =	ssyncadd.s32 $0xFFFFF800  }
0x46: {  	_ =	swait.ge [sflag:s26], $0x2000  }
0x47: {  	[sflag:s26] =	ssyncset.done $0x0  }
0x48: {  	[sflag:s26] =	ssyncadd.s32 $0xFFFFE000  }
0x49: {  	_ =	swait.ge [sflag:s26], $0x800  }
0x4a: {  	[sflag:s26] =	ssyncset.done $0x0  }
0x4b: {  	[sflag:s26] =	ssyncadd.s32 $0xFFFFF800  }
0x4c: {  	_ =	swait.ge [sflag:s26], $0x2000  }
0x4d: {  	[sflag:s26] =	ssyncset.done $0x0  }
0x4e: {  	[sflag:s26] =	ssyncadd.s32 $0xFFFFE000  }
0x4f: {  	_ =	swait.ge [sflag:s26], $0x800  }
0x50: {  	[sflag:s26] =	ssyncset.done $0x0  }
0x51: {  	[sflag:s26] =	ssyncadd.s32 $0xFFFFF800  }
0x52: {  	_ =	swait.ge [sflag:s26], $0x2000  }
0x53: {  	[sflag:s26] =	ssyncset.done $0x0  }
0x54: {  	[sflag:s26] =	ssyncadd.s32 $0xFFFFE000  }
0x55: {  	_ =	swait.ge [sflag:s26], $0x800  }
0x56: {  	[sflag:s26] =	ssyncset.done $0x0  }
0x57: {  	[sflag:s26] =	ssyncadd.s32 $0xFFFFF800  }
0x58: {  	_ =	swait.ge [sflag:s26], $0x2000  }
0x59: {  	[sflag:s26] =	ssyncset.done $0x0  }
0x5a: {  	[sflag:s26] =	ssyncadd.s32 $0xFFFFE000  }
0x5b: {  	_ =	swait.ge [sflag:s26], $0x800  }
0x5c: {  	[sflag:s26] =	ssyncset.done $0x0  }
0x5d: {  	[sflag:s26] =	ssyncadd.s32 $0xFFFFF800  }
0x5e: {  	_ =	swait.ge [sflag:s26], $0x2000  }
0x5f: {  	[sflag:s26] =	ssyncset.done $0x0  }
0x60: {  	s3 =	simm.s32 $0x0;
	[sflag:s26] =	ssyncadd.s32 $0xFFFFE000  }
0x61: {  	s3 =	sand.u32 $0x78, s3;
	s5 =	simm.s32 $0x0;
	_ =	swait.ge [sflag:s26], $0x800  }
0x62: {  	v7 =	vor.u32 s3, v2;
	v6 =	vmov s5;
	[sflag:s26] =	ssyncset.done $0x0  }
0x63: {  	v9 =	vshll.u32 v7, $0x6;
	v8 =	vshll.u32 v6, $0xD;
	[sflag:s26] =	ssyncadd.s32 $0xFFFFF800  }
0x64: {  	v7 =	vshll.u32 v7, $0x4;
	v9 =	vor.u32 v8, v9;
	_ =	swait.ge [sflag:s26], $0x2000  }
0x65: {  	v7 =	vor.u32 v1, v7;
	v6 =	vshll.u32 v6, $0xB;
	v9 =	vor.u32 v0, v9;
	[sflag:s26] =	ssyncset.done $0x0  }
0x66: {  	v7 =	vor.u32 v6, v7;
	[sflag:s26] =	ssyncadd.s32 $0xFFFFE000  }
0x67: {  	_ =	swait.ge [sflag:s26], $0x800  }
0x68: {  	[sflag:s26] =	ssyncset.done $0x0  }
0x69: {  	[sflag:s26] =	ssyncadd.s32 $0xFFFFF800  }
0x6a: {  	v9 =	vld.idx.msk [tilespmem:v9+s10+$0x0], $0xffff  }
0x6b: {  	v10 =	vor.u32 s3, v3;
	v7 =	vld.idx.msk [tilespmem:v7+s11+$0x0], $0xffff  }
0x6c: {  	v11 =	vshll.u32 v10, $0x6  }
0x6d: {  	v10 =	vshll.u32 v10, $0x4;
	v11 =	vor.u32 v8, v11  }
0x6e: {  	v10 =	vor.u32 v1, v10;
	v11 =	vor.u32 v0, v11  }
0x6f: {  	v10 =	vor.u32 v6, v10  }
0x70: {  	v7 =	vmul.f32 v7, v9  }
0x71: {  	s0 =	simm.s32 $0x15020  }
0x72: {  	[tilespmem:s0+$0xFFFFFFE0] =	vst v7  }
0x73: {  	v7 =	vld.idx.msk [tilespmem:v11+s10+$0x0], $0xffff  }
0x74: {  	v9 =	vor.u32 s3, v4;
	v10 =	vld.idx.msk [tilespmem:v10+s11+$0x0], $0xffff  }
0x75: {  	v11 =	vshll.u32 v9, $0x6  }
0x76: {  	v9 =	vshll.u32 v9, $0x4;
	v11 =	vor.u32 v8, v11  }
0x77: {  	v9 =	vor.u32 v1, v9;
	v11 =	vor.u32 v0, v11  }
0x78: {  	v9 =	vor.u32 v6, v9  }
0x79: {  	v7 =	vmul.f32 v10, v7;
	_ =	sdelay $0x1  }
0x7a: {  	[tilespmem:s0+$0xFFFFFFF0] =	vst v7  }
0x7b: {  	v7 =	vld.idx.msk [tilespmem:v11+s10+$0x0], $0xffff  }
0x7c: {  	v10 =	vor.u32 s3, v5;
	v9 =	vld.idx.msk [tilespmem:v9+s11+$0x0], $0xffff  }
0x7d: {  	v11 =	vshll.u32 v10, $0x6  }
0x7e: {  	v10 =	vshll.u32 v10, $0x4;
	v8 =	vor.u32 v8, v11  }
0x7f: {  	v10 =	vor.u32 v1, v10;
	v8 =	vor.u32 v0, v8  }
0x80: {  	v10 =	vor.u32 v6, v10  }
0x81: {  	s1 =	simm.s32 $0x8;
	v6 =	vmul.f32 v9, v7  }
0x82: {  	s29 =	sand.u32 $0x78, s1  }
0x83: {  	s7 =	simm.s32 $0x0;
	v11 =	vor.u32 s29, v2;
	[tilespmem:s0+$0x0] =	vst v6  }
0x84: {  	v12 =	vshll.u32 v11, $0x6;
	v7 =	vmov s7;
	v8 =	vld.idx.msk [tilespmem:v8+s10+$0x0], $0xffff  }
0x85: {  	v13 =	vshll.u32 v11, $0x4;
	v9 =	vor.u32 s29, v3;
	v6 =	vshll.u32 v7, $0xD;
	v10 =	vld.idx.msk [tilespmem:v10+s11+$0x0], $0xffff  }
0x86: {  	s5 =	simm.s32 $0x2;
	s7 =	simm.s32 $0x15020;
	v7 =	vshll.u32 v7, $0xB;
	v11 =	vor.u32 v6, v12;
	v12 =	vor.u32 v1, v13  }
.LBB2_3:
0x87: {  	p0 =	sne.s32 s5, $0x7F  }
0x88: {  	v11 =	vor.u32 v0, v11;
	v12 =	vor.u32 v7, v12;
	v13 =	vshll.u32 v9, $0x6;
	s0 =	sadd.s32 $0x40, s0;
	s3 =	smov.u32 s5;
	s5 =	sadd.s32 $0x1, s5  }
0x89: {  	v9 =	vshll.u32 v9, $0x4;
	v14 =	vor.u32 s29, v4;
	v13 =	vor.u32 v6, v13  }
0x8a: {  	v9 =	vor.u32 v1, v9;
	v15 =	vshll.u32 v14, $0x6;
	v8 =	vmul.f32 v10, v8  }
0x8b: {  	v14 =	vshll.u32 v14, $0x4;
	v9 =	vor.u32 v7, v9;
	v10 =	vor.u32 v6, v15  }
0x8c: {  	v14 =	vor.u32 v1, v14;
	v15 =	vor.u32 s29, v5;
	[tilespmem:s7+$0x10] =	vst v8;
	s7 =	smov.u32 s0  }
0x8d: {  	v8 =	vld.idx.msk [tilespmem:v11+s10+$0x0], $0xffff;
	v11 =	vor.u32 v7, v14;
	v14 =	vshll.u32 v15, $0x6;
	v15 =	vshll.u32 v15, $0x4  }
0x8e: {  	v12 =	vld.idx.msk [tilespmem:v12+s11+$0x0], $0xffff;
	v6 =	vor.u32 v6, v14;
	v14 =	vor.u32 v1, v15  }
0x8f: {  	v7 =	vor.u32 v7, v14;
	_ =	sdelay $0x2  }
0x90: {  	v13 =	vor.u32 v0, v13;
	_ =	sdelay $0x1  }
0x91: {  	v8 =	vmul.f32 v12, v8;
	_ =	sdelay $0x1  }
0x92: {  	[tilespmem:s0+$0xFFFFFFE0] =	vst v8  }
0x93: {  	v8 =	vld.idx.msk [tilespmem:v13+s10+$0x0], $0xffff  }
0x94: {  	v9 =	vld.idx.msk [tilespmem:v9+s11+$0x0], $0xffff;
	_ =	sdelay $0x3  }
0x95: {  	v10 =	vor.u32 v0, v10;
	_ =	sdelay $0x1  }
0x96: {  	v8 =	vmul.f32 v9, v8;
	_ =	sdelay $0x1  }
0x97: {  	[tilespmem:s0+$0xFFFFFFF0] =	vst v8  }
0x98: {  	v8 =	vld.idx.msk [tilespmem:v10+s10+$0x0], $0xffff  }
0x99: {  	v9 =	vld.idx.msk [tilespmem:v11+s11+$0x0], $0xffff;
	_ =	sdelay $0x3  }
0x9a: {  	v6 =	vor.u32 v0, v6;
	_ =	sdelay $0x1  }
0x9b: {  	v8 =	vmul.f32 v9, v8;
	_ =	sdelay $0x1  }
0x9c: {  	[tilespmem:s0+$0x0] =	vst v8  }
.Ltmp0:
0x9d: {  	s1 =	sadd.s32 $0x8, s1;
	v8 =	vld.idx.msk [tilespmem:v6+s10+$0x0], $0xffff;
	(pc) =	sbr.rel @p0 .LBB2_3-.Ltmp0, $4  }
0x9e: {  	s3 =	sshrl.u32 s3, $0x4;
	s29 =	sand.u32 $0x78, s1;
	v10 =	vld.idx.msk [tilespmem:v7+s11+$0x0], $0xffff  }
0x9f: {  	v11 =	vor.u32 s29, v2;
	v9 =	vor.u32 s29, v3;
	v7 =	vmov s3  }
0xa0: {  	v12 =	vshll.u32 v11, $0x6;
	v13 =	vshll.u32 v11, $0x4;
	v6 =	vshll.u32 v7, $0xD  }
0xa1: {  	v7 =	vshll.u32 v7, $0xB;
	v11 =	vor.u32 v6, v12;
	v12 =	vor.u32 v1, v13  }
0xa2: {  	v11 =	vor.u32 v0, v11  }
0xa3: {  	v12 =	vor.u32 v7, v12  }
0xa4: {  	v8 =	vmul.f32 v10, v8;
	_ =	sdelay $0x1  }
0xa5: {  	[tilespmem:s7+$0x10] =	vst v8  }
0xa6: {  	v8 =	vld.idx.msk [tilespmem:v11+s10+$0x0], $0xffff  }
0xa7: {  	v57 =	vld.idx.msk [tilespmem:v12+s11+$0x0], $0xffff  }
0xa8: {  	v58 =	vshll.u32 v9, $0x6  }
0xa9: {  	v59 =	vshll.u32 v9, $0x4;
	v11 =	vor.u32 v6, v58  }
0xaa: {  	v9 =	vor.u32 v1, v59;
	v11 =	vor.u32 v0, v11  }
0xab: {  	v9 =	vor.u32 v7, v9  }
0xac: {  	v8 =	vmul.f32 v57, v8  }
0xad: {  	s0 =	sadd.s32 $0x40, s0  }
0xae: {  	[tilespmem:s0+$0xFFFFFFE0] =	vst v8  }
0xaf: {  	v8 =	vld.idx.msk [tilespmem:v11+s10+$0x0], $0xffff  }
0xb0: {  	v60 =	vor.u32 s29, v4;
	v9 =	vld.idx.msk [tilespmem:v9+s11+$0x0], $0xffff  }
0xb1: {  	v61 =	vshll.u32 v60, $0x6  }
0xb2: {  	v10 =	vshll.u32 v60, $0x4;
	v11 =	vor.u32 v6, v61  }
0xb3: {  	v10 =	vor.u32 v1, v10;
	v11 =	vor.u32 v0, v11  }
0xb4: {  	v10 =	vor.u32 v7, v10  }
0xb5: {  	v8 =	vmul.f32 v9, v8;
	_ =	sdelay $0x1  }
0xb6: {  	[tilespmem:s0+$0xFFFFFFF0] =	vst v8  }
0xb7: {  	v8 =	vld.idx.msk [tilespmem:v11+s10+$0x0], $0xffff  }
0xb8: {  	v62 =	vor.u32 s29, v5;
	v10 =	vld.idx.msk [tilespmem:v10+s11+$0x0], $0xffff  }
0xb9: {  	v63 =	vshll.u32 v62, $0x6  }
0xba: {  	v6 =	vor.u32 v6, v63;
	v9 =	vshll.u32 v62, $0x4  }
0xbb: {  	v6 =	vor.u32 v0, v6;
	v9 =	vor.u32 v1, v9  }
0xbc: {  	v7 =	vor.u32 v7, v9  }
0xbd: {  	v8 =	vmul.f32 v10, v8;
	_ =	sdelay $0x1  }
0xbe: {  	[tilespmem:s0+$0x0] =	vst v8  }
0xbf: {  	v6 =	vld.idx.msk [tilespmem:v6+s10+$0x0], $0xffff  }
0xc0: {  	v7 =	vld.idx.msk [tilespmem:v7+s11+$0x0], $0xffff;
	_ =	sdelay $0x4  }
0xc1: {  	s30 =	sadd.s32 $0x1, s30;
	v6 =	vmul.f32 v7, v6  }
0xc2: {  	p0 =	sne.s32 s30, $0x4  }
.Ltmp1:
0xc3: {  	s31 =	sadd.s32 s31, s6;
	s1 =	simm.s32 $0x0;
	[tilespmem:s0+$0x10] =	vst v6;
	(pc) =	sbr.rel @p0 .LBB2_2-.Ltmp1, $4  }
0xc4: {  	[hbm4b:s31+s1] =	stream.linear.scatter [tilespmem:s28], [sflag:$0x2], $0x2000, $0x38;
	[tilespmem:$0x17000] =	vst v63  }
0xc5: {  	_ =	swait.ge [sflag:s8], $0x2000  }
0xc6: {  	[sflag:s8] =	ssyncset.done $0x0  }
0xc7: {  	[sflag:s8] =	ssyncadd.s32 $0xFFFFE000  }
0xc8: {  	s1 =	rddreg [dreg:$0x5]  }
0xc9: {  	s0 =	rddreg [dreg:$0x4];
	s1 =	sadd.s32 $0x1, s1  }
0xca: {  	p0 =	sne.s32 s1, s0  }
.Ltmp2:
0xcb: {  	_ = 	snop;
	(pc) =	sbr.rel @p0 .LBB2_1-.Ltmp2, $1  }
0xcc: {  	_ =	sdelay $0x3  }
0xcd: {  	_ =	sfence.sel $0x180000  }
0xce: {  	[bflag:$0x0] =	sbarrier.arrive $0xFFFF  }
0xcf: {  	_ =	strace $0x90000047  }
0xd0: {  	s0 =	stileid.u32;
	[bflag:$0x2] =	sbarrier.arrive $0xFFFF  }
0xd1: {  	p0 =	sne.s32 s0, $0x0;
	s0 =	rddreg [dreg:$0x2]  }
0xd2: {  	s0 =	sadd.s32 @!p0 $0x100000, s0  }
0xd3: {  	[sflag:s0] =	ssyncadd.tile.s32 @!p0 $0x1;
	_ =	shalt  }
.Lfunc_end2:
_tile_overlayer_lowered:
.L_overlay_start_2:
0xd4: {  	(tag) =	ssettag $0x2  }
0xd5: {  	s0 =	rddreg [dreg:$0x0];
	s2 =	stileid.u32  }
0xd6: {  	s1 =	rddreg [dreg:$0x1];
	p0 =	sne.s32 s2, $0x0  }
0xd7: {  	s3 =	rddreg [dreg:$0x2];
	[bflag:$0x3] =	sbarrier.arrive $0xFFFF;
	s2 =	simm.s32 @!p0 $0x1C02  }
0xd8: {  	[timem:s3], [sflag:s2] =	dma.local @!p0 [hbm:s0], s1  }
0xd9: {  	s0 =	simm.s32 @!p0 $0x2  }
0xda: {  	_ =	swait.ge @!p0 [sflag:s0], s1  }
0xdb: {  	s1 =	ssub.s32 @!p0 $0x0, s1;
	[sflag:s0] =	ssyncset.done @!p0 $0x0  }
0xdc: {  	[sflag:s0] =	ssyncadd.s32 @!p0 s1  }
0xdd: {  	[bflag:$0x3] =	sbarrier.arrive $0xFFFF  }
0xde: {  	_ =	shalt  }

</sc_bundles>
